<compile_context>
chip_gen: v7x
topology: tpu7x:2x2x1
jax: 0.10.2.dev20260603
libtpu: 0.0.44.dev20260713+nightly
codegen_flags: <defaults>
</compile_context>

<pallas_src>
import functools

import jax
import jax.numpy as jnp
from jax import lax
from jax.experimental import pallas as pl
from jax.experimental.pallas import tpu as pltpu
from jax.experimental.pallas import tpu_sc as plsc

N = 10000
E = 320000
D_IN = 128
D_HID = 32
D_OUT = 128

CW = 80
NSC = 2
NTEC = 16
CPT = E // (NSC * NTEC * CW)
NBUF = 5
WB = 10
RZ = N // WB

_mesh = plsc.VectorSubcoreMesh(core_axis_name="c", subcore_axis_name="s")



@functools.partial(
    pl.kernel,
    out_type=jax.ShapeDtypeStruct((NSC * N,), jnp.float32),
    mesh=_mesh,
    scratch_types=[
        pltpu.VMEM((CPT, CW), jnp.int32),
        pltpu.VMEM((CW,), jnp.float32),
        pltpu.VMEM((RZ,), jnp.float32),
        pltpu.VMEM_SHARED((N,), jnp.float32),
        pltpu.SemaphoreType.DMA,
    ],
    compiler_params=pltpu.CompilerParams(use_tc_tiling_on_sc=False),
)
def _sc_degree(dst_hbm, zeros_hbm, deg_hbm, dst_v, ones_v, stage_v, acc, sem):
    c = lax.axis_index("c")
    s = lax.axis_index("s")
    w = c * NTEC + s

    @pl.when(s < WB)
    def _():
        pltpu.sync_copy(zeros_hbm.at[pl.ds(s * RZ, RZ)], stage_v)
        pltpu.sync_copy(stage_v, acc.at[pl.ds(s * RZ, RZ)])

    for i in range(CW // 16):
        ones_v[pl.ds(i * 16, 16)] = jnp.full((16,), 1.0, jnp.float32)
    pltpu.sync_copy(dst_hbm.at[pl.ds(w * CPT, CPT)], dst_v)
    plsc.subcore_barrier()

    def fire(j, carry):
        pltpu.async_copy(ones_v, acc.at[dst_v.at[j]], sem, add=True)
        return carry

    lax.fori_loop(0, CPT, fire, 0)

    def drain(j, carry):
        pltpu.make_async_copy(ones_v, acc.at[dst_v.at[0]], sem).wait()
        return carry

    lax.fori_loop(0, CPT, drain, 0)
    plsc.subcore_barrier()

    @pl.when(s < WB)
    def _():
        pltpu.sync_copy(acc.at[pl.ds(s * RZ, RZ)], stage_v)
        pltpu.sync_copy(stage_v, deg_hbm.at[pl.ds(c * N + s * RZ, RZ)])


@functools.partial(
    pl.kernel,
    out_type=jax.ShapeDtypeStruct((NSC, WB, RZ, D_HID), jnp.float32),
    mesh=_mesh,
    scratch_types=[
        pltpu.VMEM((CPT, CW), jnp.int32),
        pltpu.VMEM((CPT, CW), jnp.int32),
        pltpu.VMEM((NBUF, CW, D_HID), jnp.float32),
        pltpu.VMEM((RZ, D_HID), jnp.float32),
        pltpu.VMEM_SHARED((N, D_HID), jnp.float32),
    ] + [pltpu.SemaphoreType.DMA] * NBUF,
    compiler_params=pltpu.CompilerParams(use_tc_tiling_on_sc=False),
)
def _sc_edge_agg(g_hbm, src_hbm, dst_hbm, zeros_hbm, out_hbm,
                 src_v, dst_v, rows_v, stage_v, acc, *sems):
    c = lax.axis_index("c")
    s = lax.axis_index("s")
    w = c * NTEC + s

    @pl.when(s < WB)
    def _():
        pltpu.sync_copy(zeros_hbm.at[pl.ds(s * RZ, RZ)], stage_v)
        pltpu.sync_copy(stage_v, acc.at[pl.ds(s * RZ, RZ)])

    pltpu.sync_copy(src_hbm.at[pl.ds(w * CPT, CPT)], src_v)
    pltpu.sync_copy(dst_hbm.at[pl.ds(w * CPT, CPT)], dst_v)
    plsc.subcore_barrier()

    for b in range(NBUF):
        pltpu.async_copy(g_hbm.at[src_v.at[b]], rows_v.at[b], sems[b])

    def outer(i, carry):
        for b in range(NBUF):
            j = i * NBUF + b
            pltpu.make_async_copy(g_hbm.at[src_v.at[j]], rows_v.at[b],
                                  sems[b]).wait()
            pltpu.sync_copy(rows_v.at[b], acc.at[dst_v.at[j]], add=True)

            @pl.when(i < CPT // NBUF - 1)
            def _():
                pltpu.async_copy(g_hbm.at[src_v.at[j + NBUF]], rows_v.at[b],
                                 sems[b])
        return carry

    lax.fori_loop(0, CPT // NBUF, outer, 0)
    plsc.subcore_barrier()

    @pl.when(s < WB)
    def _():
        pltpu.sync_copy(acc.at[pl.ds(s * RZ, RZ)], stage_v)
        pltpu.sync_copy(stage_v, out_hbm.at[c, s])



def _tc_prep_body(degp_ref, x_ref, w1_ref, dinv_ref, g1_ref):
    deg = degp_ref[0] + degp_ref[1] + 1.0
    dinv = lax.rsqrt(deg)
    dinv_ref[...] = dinv
    g1_ref[...] = jnp.dot(x_ref[...] * dinv, w1_ref[...],
                          preferred_element_type=jnp.float32)


_tc_prep = pl.pallas_call(
    _tc_prep_body,
    out_shape=(jax.ShapeDtypeStruct((N, 1), jnp.float32),
               jax.ShapeDtypeStruct((N, D_HID), jnp.float32)),
)


def _tc_mid_body(accp_ref, g1_ref, dinv_ref, b1_ref, gamma_ref, beta_ref,
                 mean_ref, var_ref, s_ref):
    dinv = dinv_ref[...]
    pre = dinv * (accp_ref[0] + accp_ref[1] + g1_ref[...]) + b1_ref[...]
    scale = gamma_ref[...] * lax.rsqrt(var_ref[...] + 1e-5)
    hb = (pre - mean_ref[...]) * scale + beta_ref[...]
    s_ref[...] = dinv * jnp.maximum(hb, 0.0)


_tc_mid = pl.pallas_call(
    _tc_mid_body,
    out_shape=jax.ShapeDtypeStruct((N, D_HID), jnp.float32),
)


def _tc_out_body(accp_ref, s_ref, dinv_ref, w2_ref, b2_ref, out_ref):
    u = dinv_ref[...] * (accp_ref[0] + accp_ref[1] + s_ref[...])
    out_ref[...] = jnp.dot(u, w2_ref[...],
                           preferred_element_type=jnp.float32) + b2_ref[...]


_tc_out = pl.pallas_call(
    _tc_out_body,
    out_shape=jax.ShapeDtypeStruct((N, D_OUT), jnp.float32),
)



@jax.jit
def kernel(x, edge_index, W1, b1, gamma, beta, running_mean, running_var,
           W2, b2):
    src = edge_index[0].reshape(E // CW, CW)
    dst = edge_index[1].reshape(E // CW, CW)
    z_n = jnp.zeros((N,), jnp.float32)
    z_h = jnp.zeros((N, D_HID), jnp.float32)

    degp = _sc_degree(dst, z_n).reshape(NSC, N, 1)
    dinv, g1 = _tc_prep(degp, x, W1)
    acc1 = _sc_edge_agg(g1, src, dst, z_h).reshape(NSC, N, D_HID)
    s = _tc_mid(acc1, g1, dinv, b1.reshape(1, -1), gamma.reshape(1, -1),
                beta.reshape(1, -1), running_mean.reshape(1, -1),
                running_var.reshape(1, -1))
    acc2 = _sc_edge_agg(s, src, dst, z_h).reshape(NSC, N, D_HID)
    return _tc_out(acc2, s, dinv, W2, b2.reshape(1, -1))

# --- scband reference (transcript-rebuilt; emitter-appended) ---
"""Pipeline reference for scband-gcn-73332271612327 (READ-ONLY COPY).

The authoritative reference and input builder live on the scoring server;
editing this copy changes nothing except your own understanding.
"""

import jax, jax.numpy as jnp
import numpy as np

N = 10000
E = 320000
D_IN = 128
D_HID = 32
D_OUT = 128


def _gcn_layer(x, src0, dst0, W, b):
    loop = jnp.arange(N, dtype=src0.dtype)
    src = jnp.concatenate([src0, loop])
    dst = jnp.concatenate([dst0, loop])
    deg = jax.ops.segment_sum(jnp.ones(src.shape[0], dtype=jnp.float32), dst, num_segments=N)
    dinv = jnp.where(deg > 0, 1.0 / jnp.sqrt(deg), 0.0)
    norm = dinv[src] * dinv[dst]
    h = x @ W
    msg = h[src] * norm[:, None]
    out = jax.ops.segment_sum(msg, dst, num_segments=N)
    return out + b


def setup_inputs(seed: int = 0) -> dict:
    key = jax.random.key(seed)
    ks = jax.random.split(key, 8)
    x = jax.random.normal(ks[0], (N, D_IN), dtype=jnp.float32)
    edge_index = jax.random.randint(ks[1], (2, E), 0, N, dtype=jnp.int32)
    W1 = jax.random.normal(ks[2], (D_IN, D_HID), dtype=jnp.float32) * (1.0 / np.sqrt(D_IN))
    b1 = jnp.zeros((D_HID,), dtype=jnp.float32)
    gamma = jnp.ones((D_HID,), dtype=jnp.float32)
    beta = jnp.zeros((D_HID,), dtype=jnp.float32)
    running_mean = jnp.zeros((D_HID,), dtype=jnp.float32)
    running_var = jnp.ones((D_HID,), dtype=jnp.float32)
    W2 = jax.random.normal(ks[3], (D_HID, D_OUT), dtype=jnp.float32) * (1.0 / np.sqrt(D_HID))
    b2 = jnp.zeros((D_OUT,), dtype=jnp.float32)
    return {"x": x, "edge_index": edge_index, "W1": W1, "b1": b1,
            "gamma": gamma, "beta": beta, "running_mean": running_mean,
            "running_var": running_var, "W2": W2, "b2": b2}


def reference(x, edge_index, W1, b1, gamma, beta, running_mean, running_var, W2, b2):
    src0 = edge_index[0]
    dst0 = edge_index[1]
    h = _gcn_layer(x, src0, dst0, W1, b1)
    # BatchNorm1d in eval mode (running stats); dropout is identity in eval
    h = (h - running_mean) / jnp.sqrt(running_var + 1e-5) * gamma + beta
    h = jax.nn.relu(h)
    out = _gcn_layer(h, src0, dst0, W2, b2)
    return out

if __name__ == "__main__":
    import jax
    _d = setup_inputs()
    print(jax.jit(kernel)(*tuple(_d.values())))

</pallas_src>

<mosaic_0001>
#map = affine_map<(d0, d1) -> (0, 0)>
#map1 = affine_map<(d0, d1) -> (0)>
module attributes {stable_mosaic.version = 14 : i64} {
  func.func @_sc_degree(%arg0: i32, %arg1: i32, %arg2: memref<4000x80xi32, #tpu.memory_space<hbm>>, %arg3: memref<10000xf32, #tpu.memory_space<hbm>>, %arg4: memref<20000xf32, #tpu.memory_space<hbm>>, %arg5: memref<125x80xi32, #tpu.memory_space<vmem>>, %arg6: memref<80xf32, #tpu.memory_space<vmem>>, %arg7: memref<1000xf32, #tpu.memory_space<vmem>>, %arg8: memref<10000xf32, #tpu.memory_space<vmem_shared>>, %arg9: memref<!tpu.dma_semaphore, #tpu.memory_space<semaphore_mem>>) attributes {dimension_semantics = [#tpu.dimension_semantics<core_parallel>, #tpu.dimension_semantics<subcore_parallel>], iteration_bounds = array<i64: 2, 16>, scalar_prefetch = 0 : i64, scratch_operands = 5 : i64, tpu.core_type = #tpu.core_type<sc_vector_subcore>, window_params = [{transform_indices = #map}, {transform_indices = #map1}, {transform_indices = #map1}]} {
    %mul3A = arith.constant 16 : i32
    %mul3A_0 = arith.muli %arg0, %mul3A : i32
    %add3A = arith.addi %mul3A_0, %arg1 : i32
    %lt3A = arith.constant 10 : i32
    %lt3A_1 = arith.cmpi slt, %arg1, %lt3A : i32
    %convert_element_type3A = arith.extui %lt3A_1 : i1 to i32
    %cond3A = arith.constant 0 : i32
    %cond3A_2 = arith.cmpi ne, %convert_element_type3A, %cond3A : i32
    scf.if %cond3A_2 {
      %mul3A_50 = arith.constant 1000 : i32
      %mul3A_51 = arith.muli %arg1, %mul3A_50 : i32
      "tpu.region"() ({
        %run_scoped3A = tpu.sem_alloc : memref<!tpu.dma_semaphore, #tpu.memory_space<semaphore_mem>>
        %dma_start3A = tpu.memref_slice %arg3[%mul3A_51] : memref<10000xf32, #tpu.memory_space<hbm>> -> memref<1000xf32, #tpu.memory_space<hbm>>
        %dma_start3A_54 = tpu.memref_slice %arg3[%mul3A_51] : memref<10000xf32, #tpu.memory_space<hbm>> -> memref<1000xf32, #tpu.memory_space<hbm>>
        tpu.enqueue_dma source(%dma_start3A_54 : memref<1000xf32, #tpu.memory_space<hbm>>) target(%arg7 : memref<1000xf32, #tpu.memory_space<vmem>>) target_semaphore(%run_scoped3A : memref<!tpu.dma_semaphore, #tpu.memory_space<semaphore_mem>>)
        %dma_wait3A = tpu.memref_slice %arg3[%mul3A_51] : memref<10000xf32, #tpu.memory_space<hbm>> -> memref<1000xf32, #tpu.memory_space<hbm>>
        %dma_wait3A_55 = tpu.memref_slice %arg3[%mul3A_51] : memref<10000xf32, #tpu.memory_space<hbm>> -> memref<1000xf32, #tpu.memory_space<hbm>>
        tpu.wait_dma2 semaphore(%run_scoped3A : memref<!tpu.dma_semaphore, #tpu.memory_space<semaphore_mem>>) src(%dma_wait3A_55 : memref<1000xf32, #tpu.memory_space<hbm>>) dst(%arg7 : memref<1000xf32, #tpu.memory_space<vmem>>)
        tpu.yield
      }) : () -> ()
      %mul3A_52 = arith.constant 1000 : i32
      %mul3A_53 = arith.muli %arg1, %mul3A_52 : i32
      "tpu.region"() ({
        %run_scoped3A = tpu.sem_alloc : memref<!tpu.dma_semaphore, #tpu.memory_space<semaphore_mem>>
        %dma_start3A = tpu.memref_slice %arg8[%mul3A_53] : memref<10000xf32, #tpu.memory_space<vmem_shared>> -> memref<1000xf32, #tpu.memory_space<vmem_shared>>
        %dma_start3A_54 = tpu.memref_slice %arg8[%mul3A_53] : memref<10000xf32, #tpu.memory_space<vmem_shared>> -> memref<1000xf32, #tpu.memory_space<vmem_shared>>
        tpu.enqueue_dma source(%arg7 : memref<1000xf32, #tpu.memory_space<vmem>>) target(%dma_start3A_54 : memref<1000xf32, #tpu.memory_space<vmem_shared>>) target_semaphore(%run_scoped3A : memref<!tpu.dma_semaphore, #tpu.memory_space<semaphore_mem>>)
        %dma_wait3A = tpu.memref_slice %arg8[%mul3A_53] : memref<10000xf32, #tpu.memory_space<vmem_shared>> -> memref<1000xf32, #tpu.memory_space<vmem_shared>>
        %dma_wait3A_55 = tpu.memref_slice %arg8[%mul3A_53] : memref<10000xf32, #tpu.memory_space<vmem_shared>> -> memref<1000xf32, #tpu.memory_space<vmem_shared>>
        tpu.wait_dma2 semaphore(%run_scoped3A : memref<!tpu.dma_semaphore, #tpu.memory_space<semaphore_mem>>) src(%arg7 : memref<1000xf32, #tpu.memory_space<vmem>>) dst(%dma_wait3A_55 : memref<1000xf32, #tpu.memory_space<vmem_shared>>)
        tpu.yield
      }) : () -> ()
    } else {
    }
    %broadcast_in_dim3A = arith.constant 1.000000e+00 : f32
    %broadcast_in_dim3A_3 = vector.broadcast %broadcast_in_dim3A : f32 to vector<16xf32>
    %swap3A = arith.constant 0 : index
    %swap3A_4 = tpu.vector_load %arg6[%swap3A] {strides = array<i32>} : memref<80xf32, #tpu.memory_space<vmem>>, vector<16xf32>,
    %swap3A_5 = vector.shape_cast %swap3A_4 : vector<16xf32> to vector<16xf32>
    %swap3A_6 = vector.shape_cast %broadcast_in_dim3A_3 : vector<16xf32> to vector<16xf32>
    tpu.vector_store %arg6[%swap3A], %swap3A_6 {strides = array<i32>} : memref<80xf32, #tpu.memory_space<vmem>>, vector<16xf32>,
    %broadcast_in_dim3A_7 = arith.constant 1.000000e+00 : f32
    %broadcast_in_dim3A_8 = vector.broadcast %broadcast_in_dim3A_7 : f32 to vector<16xf32>
    %swap3A_9 = arith.constant 16 : index
    %swap3A_10 = tpu.vector_load %arg6[%swap3A_9] {strides = array<i32>} : memref<80xf32, #tpu.memory_space<vmem>>, vector<16xf32>,
    %swap3A_11 = vector.shape_cast %swap3A_10 : vector<16xf32> to vector<16xf32>
    %swap3A_12 = vector.shape_cast %broadcast_in_dim3A_8 : vector<16xf32> to vector<16xf32>
    tpu.vector_store %arg6[%swap3A_9], %swap3A_12 {strides = array<i32>} : memref<80xf32, #tpu.memory_space<vmem>>, vector<16xf32>,
    %broadcast_in_dim3A_13 = arith.constant 1.000000e+00 : f32
    %broadcast_in_dim3A_14 = vector.broadcast %broadcast_in_dim3A_13 : f32 to vector<16xf32>
    %swap3A_15 = arith.constant 32 : index
    %swap3A_16 = tpu.vector_load %arg6[%swap3A_15] {strides = array<i32>} : memref<80xf32, #tpu.memory_space<vmem>>, vector<16xf32>,
    %swap3A_17 = vector.shape_cast %swap3A_16 : vector<16xf32> to vector<16xf32>
    %swap3A_18 = vector.shape_cast %broadcast_in_dim3A_14 : vector<16xf32> to vector<16xf32>
    tpu.vector_store %arg6[%swap3A_15], %swap3A_18 {strides = array<i32>} : memref<80xf32, #tpu.memory_space<vmem>>, vector<16xf32>,
    %broadcast_in_dim3A_19 = arith.constant 1.000000e+00 : f32
    %broadcast_in_dim3A_20 = vector.broadcast %broadcast_in_dim3A_19 : f32 to vector<16xf32>
    %swap3A_21 = arith.constant 48 : index
    %swap3A_22 = tpu.vector_load %arg6[%swap3A_21] {strides = array<i32>} : memref<80xf32, #tpu.memory_space<vmem>>, vector<16xf32>,
    %swap3A_23 = vector.shape_cast %swap3A_22 : vector<16xf32> to vector<16xf32>
    %swap3A_24 = vector.shape_cast %broadcast_in_dim3A_20 : vector<16xf32> to vector<16xf32>
    tpu.vector_store %arg6[%swap3A_21], %swap3A_24 {strides = array<i32>} : memref<80xf32, #tpu.memory_space<vmem>>, vector<16xf32>,
    %broadcast_in_dim3A_25 = arith.constant 1.000000e+00 : f32
    %broadcast_in_dim3A_26 = vector.broadcast %broadcast_in_dim3A_25 : f32 to vector<16xf32>
    %swap3A_27 = arith.constant 64 : index
    %swap3A_28 = tpu.vector_load %arg6[%swap3A_27] {strides = array<i32>} : memref<80xf32, #tpu.memory_space<vmem>>, vector<16xf32>,
    %swap3A_29 = vector.shape_cast %swap3A_28 : vector<16xf32> to vector<16xf32>
    %swap3A_30 = vector.shape_cast %broadcast_in_dim3A_26 : vector<16xf32> to vector<16xf32>
    tpu.vector_store %arg6[%swap3A_27], %swap3A_30 {strides = array<i32>} : memref<80xf32, #tpu.memory_space<vmem>>, vector<16xf32>,
    %mul3A_31 = arith.constant 125 : i32
    %mul3A_32 = arith.muli %add3A, %mul3A_31 : i32
    "tpu.region"() ({
      %run_scoped3A = tpu.sem_alloc : memref<!tpu.dma_semaphore, #tpu.memory_space<semaphore_mem>>
      %dma_start3A = arith.constant 0 : i32
      %dma_start3A_50 = tpu.memref_slice %arg2[%mul3A_32, %dma_start3A] : memref<4000x80xi32, #tpu.memory_space<hbm>> -> memref<125x80xi32, #tpu.memory_space<hbm>>
      %dma_start3A_51 = arith.constant 0 : i32
      %dma_start3A_52 = tpu.memref_slice %arg2[%mul3A_32, %dma_start3A_51] : memref<4000x80xi32, #tpu.memory_space<hbm>> -> memref<125x80xi32, #tpu.memory_space<hbm>>
      tpu.enqueue_dma source(%dma_start3A_52 : memref<125x80xi32, #tpu.memory_space<hbm>>) target(%arg5 : memref<125x80xi32, #tpu.memory_space<vmem>>) target_semaphore(%run_scoped3A : memref<!tpu.dma_semaphore, #tpu.memory_space<semaphore_mem>>)
      %dma_wait3A = arith.constant 0 : i32
      %dma_wait3A_53 = tpu.memref_slice %arg2[%mul3A_32, %dma_wait3A] : memref<4000x80xi32, #tpu.memory_space<hbm>> -> memref<125x80xi32, #tpu.memory_space<hbm>>
      %dma_wait3A_54 = arith.constant 0 : i32
      %dma_wait3A_55 = tpu.memref_slice %arg2[%mul3A_32, %dma_wait3A_54] : memref<4000x80xi32, #tpu.memory_space<hbm>> -> memref<125x80xi32, #tpu.memory_space<hbm>>
      tpu.wait_dma2 semaphore(%run_scoped3A : memref<!tpu.dma_semaphore, #tpu.memory_space<semaphore_mem>>) src(%dma_wait3A_55 : memref<125x80xi32, #tpu.memory_space<hbm>>) dst(%arg5 : memref<125x80xi32, #tpu.memory_space<vmem>>)
      tpu.yield
    }) : () -> ()
    %barrier3A = arith.constant 0 : index
    tpu.barrier barrier_id(%barrier3A)
    %scan3A = arith.constant 0 : i32
    %scan3A_33 = arith.constant 0 : i32
    %scan3A_34 = arith.constant 125 : i32
    %scan3A_35 = arith.addi %scan3A_33, %scan3A_34 : i32
    %scan3A_36 = arith.constant 1 : i32
    scf.for %scan3A_50 = %scan3A_33 to %scan3A_35 step %scan3A_36  : i32 {
      %dma_start3A = arith.constant 0 : i32
      %dma_start3A_51 = tpu.memref_slice %arg5[%scan3A_50, %dma_start3A] : memref<125x80xi32, #tpu.memory_space<vmem>> -> memref<1x80xi32, #tpu.memory_space<vmem>>
      %dma_start3A_52 = tpu.memref_squeeze %dma_start3A_51 : memref<1x80xi32, #tpu.memory_space<vmem>> -> memref<80xi32, #tpu.memory_space<vmem>>
      %dma_start3A_53 = arith.constant 0 : i32
      %dma_start3A_54 = tpu.memref_slice %arg8[%dma_start3A_53] : memref<10000xf32, #tpu.memory_space<vmem_shared>> -> memref<10000xf32, #tpu.memory_space<vmem_shared>>
      tpu.enqueue_indirect_dma source(%arg6 : memref<80xf32, #tpu.memory_space<vmem>>) target(%dma_start3A_54 : memref<10000xf32, #tpu.memory_space<vmem_shared>>) offsets(%dma_start3A_52 : memref<80xi32, #tpu.memory_space<vmem>>) semaphore(%arg9 : memref<!tpu.dma_semaphore, #tpu.memory_space<semaphore_mem>>) {add = true}
    }
    %scan3A_37 = arith.constant 125 : i32
    %scan3A_38 = arith.constant 0 : i32
    %scan3A_39 = arith.constant 0 : i32
    %scan3A_40 = arith.constant 125 : i32
    %scan3A_41 = arith.addi %scan3A_39, %scan3A_40 : i32
    %scan3A_42 = arith.constant 1 : i32
    scf.for %scan3A_50 = %scan3A_39 to %scan3A_41 step %scan3A_42  : i32 {
      %dma_wait3A = arith.constant 0 : i32
      %dma_wait3A_51 = arith.constant 0 : i32
      %dma_wait3A_52 = tpu.memref_slice %arg5[%dma_wait3A, %dma_wait3A_51] : memref<125x80xi32, #tpu.memory_space<vmem>> -> memref<1x80xi32, #tpu.memory_space<vmem>>
      %dma_wait3A_53 = tpu.memref_squeeze %dma_wait3A_52 : memref<1x80xi32, #tpu.memory_space<vmem>> -> memref<80xi32, #tpu.memory_space<vmem>>
      %dma_wait3A_54 = arith.constant 0 : i32
      %dma_wait3A_55 = tpu.memref_slice %arg8[%dma_wait3A_54] : memref<10000xf32, #tpu.memory_space<vmem_shared>> -> memref<10000xf32, #tpu.memory_space<vmem_shared>>
      tpu.wait_indirect_dma semaphore(%arg9 : memref<!tpu.dma_semaphore, #tpu.memory_space<semaphore_mem>>) src(%arg6 : memref<80xf32, #tpu.memory_space<vmem>>) dst(%dma_wait3A_55 : memref<10000xf32, #tpu.memory_space<vmem_shared>>)
    }
    %scan3A_43 = arith.constant 125 : i32
    %barrier3A_44 = arith.constant 0 : index
    tpu.barrier barrier_id(%barrier3A_44)
    %lt3A_45 = arith.constant 10 : i32
    %lt3A_46 = arith.cmpi slt, %arg1, %lt3A_45 : i32
    %convert_element_type3A_47 = arith.extui %lt3A_46 : i1 to i32
    %cond3A_48 = arith.constant 0 : i32
    %cond3A_49 = arith.cmpi ne, %convert_element_type3A_47, %cond3A_48 : i32
    scf.if %cond3A_49 {
      %mul3A_50 = arith.constant 1000 : i32
      %mul3A_51 = arith.muli %arg1, %mul3A_50 : i32
      "tpu.region"() ({
        %run_scoped3A = tpu.sem_alloc : memref<!tpu.dma_semaphore, #tpu.memory_space<semaphore_mem>>
        %dma_start3A = tpu.memref_slice %arg8[%mul3A_51] : memref<10000xf32, #tpu.memory_space<vmem_shared>> -> memref<1000xf32, #tpu.memory_space<vmem_shared>>
        %dma_start3A_57 = tpu.memref_slice %arg8[%mul3A_51] : memref<10000xf32, #tpu.memory_space<vmem_shared>> -> memref<1000xf32, #tpu.memory_space<vmem_shared>>
        tpu.enqueue_dma source(%dma_start3A_57 : memref<1000xf32, #tpu.memory_space<vmem_shared>>) target(%arg7 : memref<1000xf32, #tpu.memory_space<vmem>>) target_semaphore(%run_scoped3A : memref<!tpu.dma_semaphore, #tpu.memory_space<semaphore_mem>>)
        %dma_wait3A = tpu.memref_slice %arg8[%mul3A_51] : memref<10000xf32, #tpu.memory_space<vmem_shared>> -> memref<1000xf32, #tpu.memory_space<vmem_shared>>
        %dma_wait3A_58 = tpu.memref_slice %arg8[%mul3A_51] : memref<10000xf32, #tpu.memory_space<vmem_shared>> -> memref<1000xf32, #tpu.memory_space<vmem_shared>>
        tpu.wait_dma2 semaphore(%run_scoped3A : memref<!tpu.dma_semaphore, #tpu.memory_space<semaphore_mem>>) src(%dma_wait3A_58 : memref<1000xf32, #tpu.memory_space<vmem_shared>>) dst(%arg7 : memref<1000xf32, #tpu.memory_space<vmem>>)
        tpu.yield
      }) : () -> ()
      %mul3A_52 = arith.constant 10000 : i32
      %mul3A_53 = arith.muli %arg0, %mul3A_52 : i32
      %mul3A_54 = arith.constant 1000 : i32
      %mul3A_55 = arith.muli %arg1, %mul3A_54 : i32
      %add3A_56 = arith.addi %mul3A_53, %mul3A_55 : i32
      "tpu.region"() ({
        %run_scoped3A = tpu.sem_alloc : memref<!tpu.dma_semaphore, #tpu.memory_space<semaphore_mem>>
        %dma_start3A = tpu.memref_slice %arg4[%add3A_56] : memref<20000xf32, #tpu.memory_space<hbm>> -> memref<1000xf32, #tpu.memory_space<hbm>>
        %dma_start3A_57 = tpu.memref_slice %arg4[%add3A_56] : memref<20000xf32, #tpu.memory_space<hbm>> -> memref<1000xf32, #tpu.memory_space<hbm>>
        tpu.enqueue_dma source(%arg7 : memref<1000xf32, #tpu.memory_space<vmem>>) target(%dma_start3A_57 : memref<1000xf32, #tpu.memory_space<hbm>>) target_semaphore(%run_scoped3A : memref<!tpu.dma_semaphore, #tpu.memory_space<semaphore_mem>>)
        %dma_wait3A = tpu.memref_slice %arg4[%add3A_56] : memref<20000xf32, #tpu.memory_space<hbm>> -> memref<1000xf32, #tpu.memory_space<hbm>>
        %dma_wait3A_58 = tpu.memref_slice %arg4[%add3A_56] : memref<20000xf32, #tpu.memory_space<hbm>> -> memref<1000xf32, #tpu.memory_space<hbm>>
        tpu.wait_dma2 semaphore(%run_scoped3A : memref<!tpu.dma_semaphore, #tpu.memory_space<semaphore_mem>>) src(%arg7 : memref<1000xf32, #tpu.memory_space<vmem>>) dst(%dma_wait3A_58 : memref<1000xf32, #tpu.memory_space<hbm>>)
        tpu.yield
      }) : () -> ()
    } else {
    }
    return
  }
}

#map = affine_map<(d0, d1) -> (0, 0)>
#map1 = affine_map<(d0, d1) -> (0, 0, 0, 0)>
module attributes {stable_mosaic.version = 14 : i64} {
  func.func @_sc_edge_agg(%arg0: i32, %arg1: i32, %arg2: memref<10000x32xf32, #tpu.memory_space<hbm>>, %arg3: memref<4000x80xi32, #tpu.memory_space<hbm>>, %arg4: memref<4000x80xi32, #tpu.memory_space<hbm>>, %arg5: memref<10000x32xf32, #tpu.memory_space<hbm>>, %arg6: memref<2x10x1000x32xf32, #tpu.memory_space<hbm>>, %arg7: memref<125x80xi32, #tpu.memory_space<vmem>>, %arg8: memref<125x80xi32, #tpu.memory_space<vmem>>, %arg9: memref<5x80x32xf32, #tpu.memory_space<vmem>>, %arg10: memref<1000x32xf32, #tpu.memory_space<vmem>>, %arg11: memref<10000x32xf32, #tpu.memory_space<vmem_shared>>, %arg12: memref<!tpu.dma_semaphore, #tpu.memory_space<semaphore_mem>>, %arg13: memref<!tpu.dma_semaphore, #tpu.memory_space<semaphore_mem>>, %arg14: memref<!tpu.dma_semaphore, #tpu.memory_space<semaphore_mem>>, %arg15: memref<!tpu.dma_semaphore, #tpu.memory_space<semaphore_mem>>, %arg16: memref<!tpu.dma_semaphore, #tpu.memory_space<semaphore_mem>>) attributes {dimension_semantics = [#tpu.dimension_semantics<core_parallel>, #tpu.dimension_semantics<subcore_parallel>], iteration_bounds = array<i64: 2, 16>, scalar_prefetch = 0 : i64, scratch_operands = 10 : i64, tpu.core_type = #tpu.core_type<sc_vector_subcore>, window_params = [{transform_indices = #map}, {transform_indices = #map}, {transform_indices = #map}, {transform_indices = #map}, {transform_indices = #map1}]} {
    %mul3A = arith.constant 16 : i32
    %mul3A_0 = arith.muli %arg0, %mul3A : i32
    %add3A = arith.addi %mul3A_0, %arg1 : i32
    %lt3A = arith.constant 10 : i32
    %lt3A_1 = arith.cmpi slt, %arg1, %lt3A : i32
    %convert_element_type3A = arith.extui %lt3A_1 : i1 to i32
    %cond3A = arith.constant 0 : i32
    %cond3A_2 = arith.cmpi ne, %convert_element_type3A, %cond3A : i32
    scf.if %cond3A_2 {
      %mul3A_77 = arith.constant 1000 : i32
      %mul3A_78 = arith.muli %arg1, %mul3A_77 : i32
      "tpu.region"() ({
        %run_scoped3A = tpu.sem_alloc : memref<!tpu.dma_semaphore, #tpu.memory_space<semaphore_mem>>
        %dma_start3A_81 = arith.constant 0 : i32
        %dma_start3A_82 = tpu.memref_slice %arg5[%mul3A_78, %dma_start3A_81] : memref<10000x32xf32, #tpu.memory_space<hbm>> -> memref<1000x32xf32, #tpu.memory_space<hbm>>
        %dma_start3A_83 = arith.constant 0 : i32
        %dma_start3A_84 = tpu.memref_slice %arg5[%mul3A_78, %dma_start3A_83] : memref<10000x32xf32, #tpu.memory_space<hbm>> -> memref<1000x32xf32, #tpu.memory_space<hbm>>
        tpu.enqueue_dma source(%dma_start3A_84 : memref<1000x32xf32, #tpu.memory_space<hbm>>) target(%arg10 : memref<1000x32xf32, #tpu.memory_space<vmem>>) target_semaphore(%run_scoped3A : memref<!tpu.dma_semaphore, #tpu.memory_space<semaphore_mem>>)
        %dma_wait3A = arith.constant 0 : i32
        %dma_wait3A_85 = tpu.memref_slice %arg5[%mul3A_78, %dma_wait3A] : memref<10000x32xf32, #tpu.memory_space<hbm>> -> memref<1000x32xf32, #tpu.memory_space<hbm>>
        %dma_wait3A_86 = arith.constant 0 : i32
        %dma_wait3A_87 = tpu.memref_slice %arg5[%mul3A_78, %dma_wait3A_86] : memref<10000x32xf32, #tpu.memory_space<hbm>> -> memref<1000x32xf32, #tpu.memory_space<hbm>>
        tpu.wait_dma2 semaphore(%run_scoped3A : memref<!tpu.dma_semaphore, #tpu.memory_space<semaphore_mem>>) src(%dma_wait3A_87 : memref<1000x32xf32, #tpu.memory_space<hbm>>) dst(%arg10 : memref<1000x32xf32, #tpu.memory_space<vmem>>)
        tpu.yield
      }) : () -> ()
      %mul3A_79 = arith.constant 1000 : i32
      %mul3A_80 = arith.muli %arg1, %mul3A_79 : i32
      "tpu.region"() ({
        %run_scoped3A = tpu.sem_alloc : memref<!tpu.dma_semaphore, #tpu.memory_space<semaphore_mem>>
        %dma_start3A_81 = arith.constant 0 : i32
        %dma_start3A_82 = tpu.memref_slice %arg11[%mul3A_80, %dma_start3A_81] : memref<10000x32xf32, #tpu.memory_space<vmem_shared>> -> memref<1000x32xf32, #tpu.memory_space<vmem_shared>>
        %dma_start3A_83 = arith.constant 0 : i32
        %dma_start3A_84 = tpu.memref_slice %arg11[%mul3A_80, %dma_start3A_83] : memref<10000x32xf32, #tpu.memory_space<vmem_shared>> -> memref<1000x32xf32, #tpu.memory_space<vmem_shared>>
        tpu.enqueue_dma source(%arg10 : memref<1000x32xf32, #tpu.memory_space<vmem>>) target(%dma_start3A_84 : memref<1000x32xf32, #tpu.memory_space<vmem_shared>>) target_semaphore(%run_scoped3A : memref<!tpu.dma_semaphore, #tpu.memory_space<semaphore_mem>>)
        %dma_wait3A = arith.constant 0 : i32
        %dma_wait3A_85 = tpu.memref_slice %arg11[%mul3A_80, %dma_wait3A] : memref<10000x32xf32, #tpu.memory_space<vmem_shared>> -> memref<1000x32xf32, #tpu.memory_space<vmem_shared>>
        %dma_wait3A_86 = arith.constant 0 : i32
        %dma_wait3A_87 = tpu.memref_slice %arg11[%mul3A_80, %dma_wait3A_86] : memref<10000x32xf32, #tpu.memory_space<vmem_shared>> -> memref<1000x32xf32, #tpu.memory_space<vmem_shared>>
        tpu.wait_dma2 semaphore(%run_scoped3A : memref<!tpu.dma_semaphore, #tpu.memory_space<semaphore_mem>>) src(%arg10 : memref<1000x32xf32, #tpu.memory_space<vmem>>) dst(%dma_wait3A_87 : memref<1000x32xf32, #tpu.memory_space<vmem_shared>>)
        tpu.yield
      }) : () -> ()
    } else {
    }
    %mul3A_3 = arith.constant 125 : i32
    %mul3A_4 = arith.muli %add3A, %mul3A_3 : i32
    "tpu.region"() ({
      %run_scoped3A = tpu.sem_alloc : memref<!tpu.dma_semaphore, #tpu.memory_space<semaphore_mem>>
      %dma_start3A_77 = arith.constant 0 : i32
      %dma_start3A_78 = tpu.memref_slice %arg3[%mul3A_4, %dma_start3A_77] : memref<4000x80xi32, #tpu.memory_space<hbm>> -> memref<125x80xi32, #tpu.memory_space<hbm>>
      %dma_start3A_79 = arith.constant 0 : i32
      %dma_start3A_80 = tpu.memref_slice %arg3[%mul3A_4, %dma_start3A_79] : memref<4000x80xi32, #tpu.memory_space<hbm>> -> memref<125x80xi32, #tpu.memory_space<hbm>>
      tpu.enqueue_dma source(%dma_start3A_80 : memref<125x80xi32, #tpu.memory_space<hbm>>) target(%arg7 : memref<125x80xi32, #tpu.memory_space<vmem>>) target_semaphore(%run_scoped3A : memref<!tpu.dma_semaphore, #tpu.memory_space<semaphore_mem>>)
      %dma_wait3A = arith.constant 0 : i32
      %dma_wait3A_81 = tpu.memref_slice %arg3[%mul3A_4, %dma_wait3A] : memref<4000x80xi32, #tpu.memory_space<hbm>> -> memref<125x80xi32, #tpu.memory_space<hbm>>
      %dma_wait3A_82 = arith.constant 0 : i32
      %dma_wait3A_83 = tpu.memref_slice %arg3[%mul3A_4, %dma_wait3A_82] : memref<4000x80xi32, #tpu.memory_space<hbm>> -> memref<125x80xi32, #tpu.memory_space<hbm>>
      tpu.wait_dma2 semaphore(%run_scoped3A : memref<!tpu.dma_semaphore, #tpu.memory_space<semaphore_mem>>) src(%dma_wait3A_83 : memref<125x80xi32, #tpu.memory_space<hbm>>) dst(%arg7 : memref<125x80xi32, #tpu.memory_space<vmem>>)
      tpu.yield
    }) : () -> ()
    %mul3A_5 = arith.constant 125 : i32
    %mul3A_6 = arith.muli %add3A, %mul3A_5 : i32
    "tpu.region"() ({
      %run_scoped3A = tpu.sem_alloc : memref<!tpu.dma_semaphore, #tpu.memory_space<semaphore_mem>>
      %dma_start3A_77 = arith.constant 0 : i32
      %dma_start3A_78 = tpu.memref_slice %arg4[%mul3A_6, %dma_start3A_77] : memref<4000x80xi32, #tpu.memory_space<hbm>> -> memref<125x80xi32, #tpu.memory_space<hbm>>
      %dma_start3A_79 = arith.constant 0 : i32
      %dma_start3A_80 = tpu.memref_slice %arg4[%mul3A_6, %dma_start3A_79] : memref<4000x80xi32, #tpu.memory_space<hbm>> -> memref<125x80xi32, #tpu.memory_space<hbm>>
      tpu.enqueue_dma source(%dma_start3A_80 : memref<125x80xi32, #tpu.memory_space<hbm>>) target(%arg8 : memref<125x80xi32, #tpu.memory_space<vmem>>) target_semaphore(%run_scoped3A : memref<!tpu.dma_semaphore, #tpu.memory_space<semaphore_mem>>)
      %dma_wait3A = arith.constant 0 : i32
      %dma_wait3A_81 = tpu.memref_slice %arg4[%mul3A_6, %dma_wait3A] : memref<4000x80xi32, #tpu.memory_space<hbm>> -> memref<125x80xi32, #tpu.memory_space<hbm>>
      %dma_wait3A_82 = arith.constant 0 : i32
      %dma_wait3A_83 = tpu.memref_slice %arg4[%mul3A_6, %dma_wait3A_82] : memref<4000x80xi32, #tpu.memory_space<hbm>> -> memref<125x80xi32, #tpu.memory_space<hbm>>
      tpu.wait_dma2 semaphore(%run_scoped3A : memref<!tpu.dma_semaphore, #tpu.memory_space<semaphore_mem>>) src(%dma_wait3A_83 : memref<125x80xi32, #tpu.memory_space<hbm>>) dst(%arg8 : memref<125x80xi32, #tpu.memory_space<vmem>>)
      tpu.yield
    }) : () -> ()
    %barrier3A = arith.constant 0 : index
    tpu.barrier barrier_id(%barrier3A)
    %dma_start3A = arith.constant 0 : i32
    %dma_start3A_7 = arith.constant 0 : i32
    %dma_start3A_8 = arith.constant 0 : i32
    %dma_start3A_9 = arith.constant 0 : i32
    %dma_start3A_10 = tpu.memref_slice %arg9[%dma_start3A_7, %dma_start3A_8, %dma_start3A_9] : memref<5x80x32xf32, #tpu.memory_space<vmem>> -> memref<1x80x32xf32, #tpu.memory_space<vmem>>
    %dma_start3A_11 = tpu.memref_squeeze %dma_start3A_10 : memref<1x80x32xf32, #tpu.memory_space<vmem>> -> memref<80x32xf32, #tpu.memory_space<vmem>>
    %dma_start3A_12 = arith.constant 0 : i32
    %dma_start3A_13 = tpu.memref_slice %arg7[%dma_start3A, %dma_start3A_12] : memref<125x80xi32, #tpu.memory_space<vmem>> -> memref<1x80xi32, #tpu.memory_space<vmem>>
    %dma_start3A_14 = tpu.memref_squeeze %dma_start3A_13 : memref<1x80xi32, #tpu.memory_space<vmem>> -> memref<80xi32, #tpu.memory_space<vmem>>
    %dma_start3A_15 = arith.constant 0 : i32
    %dma_start3A_16 = arith.constant 0 : i32
    %dma_start3A_17 = tpu.memref_slice %arg2[%dma_start3A_15, %dma_start3A_16] : memref<10000x32xf32, #tpu.memory_space<hbm>> -> memref<10000x32xf32, #tpu.memory_space<hbm>>
    tpu.enqueue_indirect_dma source(%dma_start3A_17 : memref<10000x32xf32, #tpu.memory_space<hbm>>) target(%dma_start3A_11 : memref<80x32xf32, #tpu.memory_space<vmem>>) offsets(%dma_start3A_14 : memref<80xi32, #tpu.memory_space<vmem>>) semaphore(%arg12 : memref<!tpu.dma_semaphore, #tpu.memory_space<semaphore_mem>>)
    %dma_start3A_18 = arith.constant 1 : i32
    %dma_start3A_19 = arith.constant 1 : i32
    %dma_start3A_20 = arith.constant 0 : i32
    %dma_start3A_21 = arith.constant 0 : i32
    %dma_start3A_22 = tpu.memref_slice %arg9[%dma_start3A_19, %dma_start3A_20, %dma_start3A_21] : memref<5x80x32xf32, #tpu.memory_space<vmem>> -> memref<1x80x32xf32, #tpu.memory_space<vmem>>
    %dma_start3A_23 = tpu.memref_squeeze %dma_start3A_22 : memref<1x80x32xf32, #tpu.memory_space<vmem>> -> memref<80x32xf32, #tpu.memory_space<vmem>>
    %dma_start3A_24 = arith.constant 0 : i32
    %dma_start3A_25 = tpu.memref_slice %arg7[%dma_start3A_18, %dma_start3A_24] : memref<125x80xi32, #tpu.memory_space<vmem>> -> memref<1x80xi32, #tpu.memory_space<vmem>>
    %dma_start3A_26 = tpu.memref_squeeze %dma_start3A_25 : memref<1x80xi32, #tpu.memory_space<vmem>> -> memref<80xi32, #tpu.memory_space<vmem>>
    %dma_start3A_27 = arith.constant 0 : i32
    %dma_start3A_28 = arith.constant 0 : i32
    %dma_start3A_29 = tpu.memref_slice %arg2[%dma_start3A_27, %dma_start3A_28] : memref<10000x32xf32, #tpu.memory_space<hbm>> -> memref<10000x32xf32, #tpu.memory_space<hbm>>
    tpu.enqueue_indirect_dma source(%dma_start3A_29 : memref<10000x32xf32, #tpu.memory_space<hbm>>) target(%dma_start3A_23 : memref<80x32xf32, #tpu.memory_space<vmem>>) offsets(%dma_start3A_26 : memref<80xi32, #tpu.memory_space<vmem>>) semaphore(%arg13 : memref<!tpu.dma_semaphore, #tpu.memory_space<semaphore_mem>>)
    %dma_start3A_30 = arith.constant 2 : i32
    %dma_start3A_31 = arith.constant 2 : i32
    %dma_start3A_32 = arith.constant 0 : i32
    %dma_start3A_33 = arith.constant 0 : i32
    %dma_start3A_34 = tpu.memref_slice %arg9[%dma_start3A_31, %dma_start3A_32, %dma_start3A_33] : memref<5x80x32xf32, #tpu.memory_space<vmem>> -> memref<1x80x32xf32, #tpu.memory_space<vmem>>
    %dma_start3A_35 = tpu.memref_squeeze %dma_start3A_34 : memref<1x80x32xf32, #tpu.memory_space<vmem>> -> memref<80x32xf32, #tpu.memory_space<vmem>>
    %dma_start3A_36 = arith.constant 0 : i32
    %dma_start3A_37 = tpu.memref_slice %arg7[%dma_start3A_30, %dma_start3A_36] : memref<125x80xi32, #tpu.memory_space<vmem>> -> memref<1x80xi32, #tpu.memory_space<vmem>>
    %dma_start3A_38 = tpu.memref_squeeze %dma_start3A_37 : memref<1x80xi32, #tpu.memory_space<vmem>> -> memref<80xi32, #tpu.memory_space<vmem>>
    %dma_start3A_39 = arith.constant 0 : i32
    %dma_start3A_40 = arith.constant 0 : i32
    %dma_start3A_41 = tpu.memref_slice %arg2[%dma_start3A_39, %dma_start3A_40] : memref<10000x32xf32, #tpu.memory_space<hbm>> -> memref<10000x32xf32, #tpu.memory_space<hbm>>
    tpu.enqueue_indirect_dma source(%dma_start3A_41 : memref<10000x32xf32, #tpu.memory_space<hbm>>) target(%dma_start3A_35 : memref<80x32xf32, #tpu.memory_space<vmem>>) offsets(%dma_start3A_38 : memref<80xi32, #tpu.memory_space<vmem>>) semaphore(%arg14 : memref<!tpu.dma_semaphore, #tpu.memory_space<semaphore_mem>>)
    %dma_start3A_42 = arith.constant 3 : i32
    %dma_start3A_43 = arith.constant 3 : i32
    %dma_start3A_44 = arith.constant 0 : i32
    %dma_start3A_45 = arith.constant 0 : i32
    %dma_start3A_46 = tpu.memref_slice %arg9[%dma_start3A_43, %dma_start3A_44, %dma_start3A_45] : memref<5x80x32xf32, #tpu.memory_space<vmem>> -> memref<1x80x32xf32, #tpu.memory_space<vmem>>
    %dma_start3A_47 = tpu.memref_squeeze %dma_start3A_46 : memref<1x80x32xf32, #tpu.memory_space<vmem>> -> memref<80x32xf32, #tpu.memory_space<vmem>>
    %dma_start3A_48 = arith.constant 0 : i32
    %dma_start3A_49 = tpu.memref_slice %arg7[%dma_start3A_42, %dma_start3A_48] : memref<125x80xi32, #tpu.memory_space<vmem>> -> memref<1x80xi32, #tpu.memory_space<vmem>>
    %dma_start3A_50 = tpu.memref_squeeze %dma_start3A_49 : memref<1x80xi32, #tpu.memory_space<vmem>> -> memref<80xi32, #tpu.memory_space<vmem>>
    %dma_start3A_51 = arith.constant 0 : i32
    %dma_start3A_52 = arith.constant 0 : i32
    %dma_start3A_53 = tpu.memref_slice %arg2[%dma_start3A_51, %dma_start3A_52] : memref<10000x32xf32, #tpu.memory_space<hbm>> -> memref<10000x32xf32, #tpu.memory_space<hbm>>
    tpu.enqueue_indirect_dma source(%dma_start3A_53 : memref<10000x32xf32, #tpu.memory_space<hbm>>) target(%dma_start3A_47 : memref<80x32xf32, #tpu.memory_space<vmem>>) offsets(%dma_start3A_50 : memref<80xi32, #tpu.memory_space<vmem>>) semaphore(%arg15 : memref<!tpu.dma_semaphore, #tpu.memory_space<semaphore_mem>>)
    %dma_start3A_54 = arith.constant 4 : i32
    %dma_start3A_55 = arith.constant 4 : i32
    %dma_start3A_56 = arith.constant 0 : i32
    %dma_start3A_57 = arith.constant 0 : i32
    %dma_start3A_58 = tpu.memref_slice %arg9[%dma_start3A_55, %dma_start3A_56, %dma_start3A_57] : memref<5x80x32xf32, #tpu.memory_space<vmem>> -> memref<1x80x32xf32, #tpu.memory_space<vmem>>
    %dma_start3A_59 = tpu.memref_squeeze %dma_start3A_58 : memref<1x80x32xf32, #tpu.memory_space<vmem>> -> memref<80x32xf32, #tpu.memory_space<vmem>>
    %dma_start3A_60 = arith.constant 0 : i32
    %dma_start3A_61 = tpu.memref_slice %arg7[%dma_start3A_54, %dma_start3A_60] : memref<125x80xi32, #tpu.memory_space<vmem>> -> memref<1x80xi32, #tpu.memory_space<vmem>>
    %dma_start3A_62 = tpu.memref_squeeze %dma_start3A_61 : memref<1x80xi32, #tpu.memory_space<vmem>> -> memref<80xi32, #tpu.memory_space<vmem>>
    %dma_start3A_63 = arith.constant 0 : i32
    %dma_start3A_64 = arith.constant 0 : i32
    %dma_start3A_65 = tpu.memref_slice %arg2[%dma_start3A_63, %dma_start3A_64] : memref<10000x32xf32, #tpu.memory_space<hbm>> -> memref<10000x32xf32, #tpu.memory_space<hbm>>
    tpu.enqueue_indirect_dma source(%dma_start3A_65 : memref<10000x32xf32, #tpu.memory_space<hbm>>) target(%dma_start3A_59 : memref<80x32xf32, #tpu.memory_space<vmem>>) offsets(%dma_start3A_62 : memref<80xi32, #tpu.memory_space<vmem>>) semaphore(%arg16 : memref<!tpu.dma_semaphore, #tpu.memory_space<semaphore_mem>>)
    %scan3A = arith.constant 0 : i32
    %scan3A_66 = arith.constant 0 : i32
    %scan3A_67 = arith.constant 25 : i32
    %scan3A_68 = arith.addi %scan3A_66, %scan3A_67 : i32
    %scan3A_69 = arith.constant 1 : i32
    scf.for %scan3A_77 = %scan3A_66 to %scan3A_68 step %scan3A_69  : i32 {
      %mul3A_78 = arith.constant 5 : i32
      %mul3A_79 = arith.muli %scan3A_77, %mul3A_78 : i32
      %add3A_80 = arith.constant 0 : i32
      %add3A_81 = arith.addi %mul3A_79, %add3A_80 : i32
      %dma_wait3A = arith.constant 0 : i32
      %dma_wait3A_82 = arith.constant 0 : i32
      %dma_wait3A_83 = arith.constant 0 : i32
      %dma_wait3A_84 = tpu.memref_slice %arg9[%dma_wait3A, %dma_wait3A_82, %dma_wait3A_83] : memref<5x80x32xf32, #tpu.memory_space<vmem>> -> memref<1x80x32xf32, #tpu.memory_space<vmem>>
      %dma_wait3A_85 = tpu.memref_squeeze %dma_wait3A_84 : memref<1x80x32xf32, #tpu.memory_space<vmem>> -> memref<80x32xf32, #tpu.memory_space<vmem>>
      %dma_wait3A_86 = arith.constant 0 : i32
      %dma_wait3A_87 = tpu.memref_slice %arg7[%add3A_81, %dma_wait3A_86] : memref<125x80xi32, #tpu.memory_space<vmem>> -> memref<1x80xi32, #tpu.memory_space<vmem>>
      %dma_wait3A_88 = tpu.memref_squeeze %dma_wait3A_87 : memref<1x80xi32, #tpu.memory_space<vmem>> -> memref<80xi32, #tpu.memory_space<vmem>>
      %dma_wait3A_89 = arith.constant 0 : i32
      %dma_wait3A_90 = arith.constant 0 : i32
      %dma_wait3A_91 = tpu.memref_slice %arg2[%dma_wait3A_89, %dma_wait3A_90] : memref<10000x32xf32, #tpu.memory_space<hbm>> -> memref<10000x32xf32, #tpu.memory_space<hbm>>
      tpu.wait_indirect_dma semaphore(%arg12 : memref<!tpu.dma_semaphore, #tpu.memory_space<semaphore_mem>>) src(%dma_wait3A_91 : memref<10000x32xf32, #tpu.memory_space<hbm>>) dst(%dma_wait3A_85 : memref<80x32xf32, #tpu.memory_space<vmem>>)
      %run_scoped3A = arith.constant 0 : i32
      "tpu.region"() ({
        %run_scoped3A_181 = tpu.sem_alloc : memref<!tpu.dma_semaphore, #tpu.memory_space<semaphore_mem>>
        %dma_start3A_182 = arith.constant 0 : i32
        %dma_start3A_183 = arith.constant 0 : i32
        %dma_start3A_184 = tpu.memref_slice %arg9[%run_scoped3A, %dma_start3A_182, %dma_start3A_183] : memref<5x80x32xf32, #tpu.memory_space<vmem>> -> memref<1x80x32xf32, #tpu.memory_space<vmem>>
        %dma_start3A_185 = tpu.memref_squeeze %dma_start3A_184 : memref<1x80x32xf32, #tpu.memory_space<vmem>> -> memref<80x32xf32, #tpu.memory_space<vmem>>
        %dma_start3A_186 = arith.constant 0 : i32
        %dma_start3A_187 = tpu.memref_slice %arg8[%add3A_81, %dma_start3A_186] : memref<125x80xi32, #tpu.memory_space<vmem>> -> memref<1x80xi32, #tpu.memory_space<vmem>>
        %dma_start3A_188 = tpu.memref_squeeze %dma_start3A_187 : memref<1x80xi32, #tpu.memory_space<vmem>> -> memref<80xi32, #tpu.memory_space<vmem>>
        %dma_start3A_189 = arith.constant 0 : i32
        %dma_start3A_190 = arith.constant 0 : i32
        %dma_start3A_191 = tpu.memref_slice %arg11[%dma_start3A_189, %dma_start3A_190] : memref<10000x32xf32, #tpu.memory_space<vmem_shared>> -> memref<10000x32xf32, #tpu.memory_space<vmem_shared>>
        tpu.enqueue_indirect_dma source(%dma_start3A_185 : memref<80x32xf32, #tpu.memory_space<vmem>>) target(%dma_start3A_191 : memref<10000x32xf32, #tpu.memory_space<vmem_shared>>) offsets(%dma_start3A_188 : memref<80xi32, #tpu.memory_space<vmem>>) semaphore(%run_scoped3A_181 : memref<!tpu.dma_semaphore, #tpu.memory_space<semaphore_mem>>) {add = true}
        %dma_wait3A_192 = arith.constant 0 : i32
        %dma_wait3A_193 = arith.constant 0 : i32
        %dma_wait3A_194 = tpu.memref_slice %arg9[%run_scoped3A, %dma_wait3A_192, %dma_wait3A_193] : memref<5x80x32xf32, #tpu.memory_space<vmem>> -> memref<1x80x32xf32, #tpu.memory_space<vmem>>
        %dma_wait3A_195 = tpu.memref_squeeze %dma_wait3A_194 : memref<1x80x32xf32, #tpu.memory_space<vmem>> -> memref<80x32xf32, #tpu.memory_space<vmem>>
        %dma_wait3A_196 = arith.constant 0 : i32
        %dma_wait3A_197 = tpu.memref_slice %arg8[%add3A_81, %dma_wait3A_196] : memref<125x80xi32, #tpu.memory_space<vmem>> -> memref<1x80xi32, #tpu.memory_space<vmem>>
        %dma_wait3A_198 = tpu.memref_squeeze %dma_wait3A_197 : memref<1x80xi32, #tpu.memory_space<vmem>> -> memref<80xi32, #tpu.memory_space<vmem>>
        %dma_wait3A_199 = arith.constant 0 : i32
        %dma_wait3A_200 = arith.constant 0 : i32
        %dma_wait3A_201 = tpu.memref_slice %arg11[%dma_wait3A_199, %dma_wait3A_200] : memref<10000x32xf32, #tpu.memory_space<vmem_shared>> -> memref<10000x32xf32, #tpu.memory_space<vmem_shared>>
        tpu.wait_indirect_dma semaphore(%run_scoped3A_181 : memref<!tpu.dma_semaphore, #tpu.memory_space<semaphore_mem>>) src(%dma_wait3A_195 : memref<80x32xf32, #tpu.memory_space<vmem>>) dst(%dma_wait3A_201 : memref<10000x32xf32, #tpu.memory_space<vmem_shared>>)
        tpu.yield
      }) : () -> ()
      %lt3A_92 = arith.constant 24 : i32
      %lt3A_93 = arith.cmpi slt, %scan3A_77, %lt3A_92 : i32
      %convert_element_type3A_94 = arith.extui %lt3A_93 : i1 to i32
      %cond3A_95 = arith.constant 0 : i32
      %cond3A_96 = arith.cmpi ne, %convert_element_type3A_94, %cond3A_95 : i32
      scf.if %cond3A_96 {
        %add3A_181 = arith.constant 5 : i32
        %add3A_182 = arith.addi %add3A_81, %add3A_181 : i32
        %dma_start3A_183 = arith.constant 0 : i32
        %dma_start3A_184 = arith.constant 0 : i32
        %dma_start3A_185 = arith.constant 0 : i32
        %dma_start3A_186 = tpu.memref_slice %arg9[%dma_start3A_183, %dma_start3A_184, %dma_start3A_185] : memref<5x80x32xf32, #tpu.memory_space<vmem>> -> memref<1x80x32xf32, #tpu.memory_space<vmem>>
        %dma_start3A_187 = tpu.memref_squeeze %dma_start3A_186 : memref<1x80x32xf32, #tpu.memory_space<vmem>> -> memref<80x32xf32, #tpu.memory_space<vmem>>
        %dma_start3A_188 = arith.constant 0 : i32
        %dma_start3A_189 = tpu.memref_slice %arg7[%add3A_182, %dma_start3A_188] : memref<125x80xi32, #tpu.memory_space<vmem>> -> memref<1x80xi32, #tpu.memory_space<vmem>>
        %dma_start3A_190 = tpu.memref_squeeze %dma_start3A_189 : memref<1x80xi32, #tpu.memory_space<vmem>> -> memref<80xi32, #tpu.memory_space<vmem>>
        %dma_start3A_191 = arith.constant 0 : i32
        %dma_start3A_192 = arith.constant 0 : i32
        %dma_start3A_193 = tpu.memref_slice %arg2[%dma_start3A_191, %dma_start3A_192] : memref<10000x32xf32, #tpu.memory_space<hbm>> -> memref<10000x32xf32, #tpu.memory_space<hbm>>
        tpu.enqueue_indirect_dma source(%dma_start3A_193 : memref<10000x32xf32, #tpu.memory_space<hbm>>) target(%dma_start3A_187 : memref<80x32xf32, #tpu.memory_space<vmem>>) offsets(%dma_start3A_190 : memref<80xi32, #tpu.memory_space<vmem>>) semaphore(%arg12 : memref<!tpu.dma_semaphore, #tpu.memory_space<semaphore_mem>>)
      } else {
      }
      %mul3A_97 = arith.constant 5 : i32
      %mul3A_98 = arith.muli %scan3A_77, %mul3A_97 : i32
      %add3A_99 = arith.constant 1 : i32
      %add3A_100 = arith.addi %mul3A_98, %add3A_99 : i32
      %dma_wait3A_101 = arith.constant 1 : i32
      %dma_wait3A_102 = arith.constant 0 : i32
      %dma_wait3A_103 = arith.constant 0 : i32
      %dma_wait3A_104 = tpu.memref_slice %arg9[%dma_wait3A_101, %dma_wait3A_102, %dma_wait3A_103] : memref<5x80x32xf32, #tpu.memory_space<vmem>> -> memref<1x80x32xf32, #tpu.memory_space<vmem>>
      %dma_wait3A_105 = tpu.memref_squeeze %dma_wait3A_104 : memref<1x80x32xf32, #tpu.memory_space<vmem>> -> memref<80x32xf32, #tpu.memory_space<vmem>>
      %dma_wait3A_106 = arith.constant 0 : i32
      %dma_wait3A_107 = tpu.memref_slice %arg7[%add3A_100, %dma_wait3A_106] : memref<125x80xi32, #tpu.memory_space<vmem>> -> memref<1x80xi32, #tpu.memory_space<vmem>>
      %dma_wait3A_108 = tpu.memref_squeeze %dma_wait3A_107 : memref<1x80xi32, #tpu.memory_space<vmem>> -> memref<80xi32, #tpu.memory_space<vmem>>
      %dma_wait3A_109 = arith.constant 0 : i32
      %dma_wait3A_110 = arith.constant 0 : i32
      %dma_wait3A_111 = tpu.memref_slice %arg2[%dma_wait3A_109, %dma_wait3A_110] : memref<10000x32xf32, #tpu.memory_space<hbm>> -> memref<10000x32xf32, #tpu.memory_space<hbm>>
      tpu.wait_indirect_dma semaphore(%arg13 : memref<!tpu.dma_semaphore, #tpu.memory_space<semaphore_mem>>) src(%dma_wait3A_111 : memref<10000x32xf32, #tpu.memory_space<hbm>>) dst(%dma_wait3A_105 : memref<80x32xf32, #tpu.memory_space<vmem>>)
      %run_scoped3A_112 = arith.constant 1 : i32
      "tpu.region"() ({
        %run_scoped3A_181 = tpu.sem_alloc : memref<!tpu.dma_semaphore, #tpu.memory_space<semaphore_mem>>
        %dma_start3A_182 = arith.constant 0 : i32
        %dma_start3A_183 = arith.constant 0 : i32
        %dma_start3A_184 = tpu.memref_slice %arg9[%run_scoped3A_112, %dma_start3A_182, %dma_start3A_183] : memref<5x80x32xf32, #tpu.memory_space<vmem>> -> memref<1x80x32xf32, #tpu.memory_space<vmem>>
        %dma_start3A_185 = tpu.memref_squeeze %dma_start3A_184 : memref<1x80x32xf32, #tpu.memory_space<vmem>> -> memref<80x32xf32, #tpu.memory_space<vmem>>
        %dma_start3A_186 = arith.constant 0 : i32
        %dma_start3A_187 = tpu.memref_slice %arg8[%add3A_100, %dma_start3A_186] : memref<125x80xi32, #tpu.memory_space<vmem>> -> memref<1x80xi32, #tpu.memory_space<vmem>>
        %dma_start3A_188 = tpu.memref_squeeze %dma_start3A_187 : memref<1x80xi32, #tpu.memory_space<vmem>> -> memref<80xi32, #tpu.memory_space<vmem>>
        %dma_start3A_189 = arith.constant 0 : i32
        %dma_start3A_190 = arith.constant 0 : i32
        %dma_start3A_191 = tpu.memref_slice %arg11[%dma_start3A_189, %dma_start3A_190] : memref<10000x32xf32, #tpu.memory_space<vmem_shared>> -> memref<10000x32xf32, #tpu.memory_space<vmem_shared>>
        tpu.enqueue_indirect_dma source(%dma_start3A_185 : memref<80x32xf32, #tpu.memory_space<vmem>>) target(%dma_start3A_191 : memref<10000x32xf32, #tpu.memory_space<vmem_shared>>) offsets(%dma_start3A_188 : memref<80xi32, #tpu.memory_space<vmem>>) semaphore(%run_scoped3A_181 : memref<!tpu.dma_semaphore, #tpu.memory_space<semaphore_mem>>) {add = true}
        %dma_wait3A_192 = arith.constant 0 : i32
        %dma_wait3A_193 = arith.constant 0 : i32
        %dma_wait3A_194 = tpu.memref_slice %arg9[%run_scoped3A_112, %dma_wait3A_192, %dma_wait3A_193] : memref<5x80x32xf32, #tpu.memory_space<vmem>> -> memref<1x80x32xf32, #tpu.memory_space<vmem>>
        %dma_wait3A_195 = tpu.memref_squeeze %dma_wait3A_194 : memref<1x80x32xf32, #tpu.memory_space<vmem>> -> memref<80x32xf32, #tpu.memory_space<vmem>>
        %dma_wait3A_196 = arith.constant 0 : i32
        %dma_wait3A_197 = tpu.memref_slice %arg8[%add3A_100, %dma_wait3A_196] : memref<125x80xi32, #tpu.memory_space<vmem>> -> memref<1x80xi32, #tpu.memory_space<vmem>>
        %dma_wait3A_198 = tpu.memref_squeeze %dma_wait3A_197 : memref<1x80xi32, #tpu.memory_space<vmem>> -> memref<80xi32, #tpu.memory_space<vmem>>
        %dma_wait3A_199 = arith.constant 0 : i32
        %dma_wait3A_200 = arith.constant 0 : i32
        %dma_wait3A_201 = tpu.memref_slice %arg11[%dma_wait3A_199, %dma_wait3A_200] : memref<10000x32xf32, #tpu.memory_space<vmem_shared>> -> memref<10000x32xf32, #tpu.memory_space<vmem_shared>>
        tpu.wait_indirect_dma semaphore(%run_scoped3A_181 : memref<!tpu.dma_semaphore, #tpu.memory_space<semaphore_mem>>) src(%dma_wait3A_195 : memref<80x32xf32, #tpu.memory_space<vmem>>) dst(%dma_wait3A_201 : memref<10000x32xf32, #tpu.memory_space<vmem_shared>>)
        tpu.yield
      }) : () -> ()
      %lt3A_113 = arith.constant 24 : i32
      %lt3A_114 = arith.cmpi slt, %scan3A_77, %lt3A_113 : i32
      %convert_element_type3A_115 = arith.extui %lt3A_114 : i1 to i32
      %cond3A_116 = arith.constant 0 : i32
      %cond3A_117 = arith.cmpi ne, %convert_element_type3A_115, %cond3A_116 : i32
      scf.if %cond3A_117 {
        %add3A_181 = arith.constant 5 : i32
        %add3A_182 = arith.addi %add3A_100, %add3A_181 : i32
        %dma_start3A_183 = arith.constant 1 : i32
        %dma_start3A_184 = arith.constant 0 : i32
        %dma_start3A_185 = arith.constant 0 : i32
        %dma_start3A_186 = tpu.memref_slice %arg9[%dma_start3A_183, %dma_start3A_184, %dma_start3A_185] : memref<5x80x32xf32, #tpu.memory_space<vmem>> -> memref<1x80x32xf32, #tpu.memory_space<vmem>>
        %dma_start3A_187 = tpu.memref_squeeze %dma_start3A_186 : memref<1x80x32xf32, #tpu.memory_space<vmem>> -> memref<80x32xf32, #tpu.memory_space<vmem>>
        %dma_start3A_188 = arith.constant 0 : i32
        %dma_start3A_189 = tpu.memref_slice %arg7[%add3A_182, %dma_start3A_188] : memref<125x80xi32, #tpu.memory_space<vmem>> -> memref<1x80xi32, #tpu.memory_space<vmem>>
        %dma_start3A_190 = tpu.memref_squeeze %dma_start3A_189 : memref<1x80xi32, #tpu.memory_space<vmem>> -> memref<80xi32, #tpu.memory_space<vmem>>
        %dma_start3A_191 = arith.constant 0 : i32
        %dma_start3A_192 = arith.constant 0 : i32
        %dma_start3A_193 = tpu.memref_slice %arg2[%dma_start3A_191, %dma_start3A_192] : memref<10000x32xf32, #tpu.memory_space<hbm>> -> memref<10000x32xf32, #tpu.memory_space<hbm>>
        tpu.enqueue_indirect_dma source(%dma_start3A_193 : memref<10000x32xf32, #tpu.memory_space<hbm>>) target(%dma_start3A_187 : memref<80x32xf32, #tpu.memory_space<vmem>>) offsets(%dma_start3A_190 : memref<80xi32, #tpu.memory_space<vmem>>) semaphore(%arg13 : memref<!tpu.dma_semaphore, #tpu.memory_space<semaphore_mem>>)
      } else {
      }
      %mul3A_118 = arith.constant 5 : i32
      %mul3A_119 = arith.muli %scan3A_77, %mul3A_118 : i32
      %add3A_120 = arith.constant 2 : i32
      %add3A_121 = arith.addi %mul3A_119, %add3A_120 : i32
      %dma_wait3A_122 = arith.constant 2 : i32
      %dma_wait3A_123 = arith.constant 0 : i32
      %dma_wait3A_124 = arith.constant 0 : i32
      %dma_wait3A_125 = tpu.memref_slice %arg9[%dma_wait3A_122, %dma_wait3A_123, %dma_wait3A_124] : memref<5x80x32xf32, #tpu.memory_space<vmem>> -> memref<1x80x32xf32, #tpu.memory_space<vmem>>
      %dma_wait3A_126 = tpu.memref_squeeze %dma_wait3A_125 : memref<1x80x32xf32, #tpu.memory_space<vmem>> -> memref<80x32xf32, #tpu.memory_space<vmem>>
      %dma_wait3A_127 = arith.constant 0 : i32
      %dma_wait3A_128 = tpu.memref_slice %arg7[%add3A_121, %dma_wait3A_127] : memref<125x80xi32, #tpu.memory_space<vmem>> -> memref<1x80xi32, #tpu.memory_space<vmem>>
      %dma_wait3A_129 = tpu.memref_squeeze %dma_wait3A_128 : memref<1x80xi32, #tpu.memory_space<vmem>> -> memref<80xi32, #tpu.memory_space<vmem>>
      %dma_wait3A_130 = arith.constant 0 : i32
      %dma_wait3A_131 = arith.constant 0 : i32
      %dma_wait3A_132 = tpu.memref_slice %arg2[%dma_wait3A_130, %dma_wait3A_131] : memref<10000x32xf32, #tpu.memory_space<hbm>> -> memref<10000x32xf32, #tpu.memory_space<hbm>>
      tpu.wait_indirect_dma semaphore(%arg14 : memref<!tpu.dma_semaphore, #tpu.memory_space<semaphore_mem>>) src(%dma_wait3A_132 : memref<10000x32xf32, #tpu.memory_space<hbm>>) dst(%dma_wait3A_126 : memref<80x32xf32, #tpu.memory_space<vmem>>)
      %run_scoped3A_133 = arith.constant 2 : i32
      "tpu.region"() ({
        %run_scoped3A_181 = tpu.sem_alloc : memref<!tpu.dma_semaphore, #tpu.memory_space<semaphore_mem>>
        %dma_start3A_182 = arith.constant 0 : i32
        %dma_start3A_183 = arith.constant 0 : i32
        %dma_start3A_184 = tpu.memref_slice %arg9[%run_scoped3A_133, %dma_start3A_182, %dma_start3A_183] : memref<5x80x32xf32, #tpu.memory_space<vmem>> -> memref<1x80x32xf32, #tpu.memory_space<vmem>>
        %dma_start3A_185 = tpu.memref_squeeze %dma_start3A_184 : memref<1x80x32xf32, #tpu.memory_space<vmem>> -> memref<80x32xf32, #tpu.memory_space<vmem>>
        %dma_start3A_186 = arith.constant 0 : i32
        %dma_start3A_187 = tpu.memref_slice %arg8[%add3A_121, %dma_start3A_186] : memref<125x80xi32, #tpu.memory_space<vmem>> -> memref<1x80xi32, #tpu.memory_space<vmem>>
        %dma_start3A_188 = tpu.memref_squeeze %dma_start3A_187 : memref<1x80xi32, #tpu.memory_space<vmem>> -> memref<80xi32, #tpu.memory_space<vmem>>
        %dma_start3A_189 = arith.constant 0 : i32
        %dma_start3A_190 = arith.constant 0 : i32
        %dma_start3A_191 = tpu.memref_slice %arg11[%dma_start3A_189, %dma_start3A_190] : memref<10000x32xf32, #tpu.memory_space<vmem_shared>> -> memref<10000x32xf32, #tpu.memory_space<vmem_shared>>
        tpu.enqueue_indirect_dma source(%dma_start3A_185 : memref<80x32xf32, #tpu.memory_space<vmem>>) target(%dma_start3A_191 : memref<10000x32xf32, #tpu.memory_space<vmem_shared>>) offsets(%dma_start3A_188 : memref<80xi32, #tpu.memory_space<vmem>>) semaphore(%run_scoped3A_181 : memref<!tpu.dma_semaphore, #tpu.memory_space<semaphore_mem>>) {add = true}
        %dma_wait3A_192 = arith.constant 0 : i32
        %dma_wait3A_193 = arith.constant 0 : i32
        %dma_wait3A_194 = tpu.memref_slice %arg9[%run_scoped3A_133, %dma_wait3A_192, %dma_wait3A_193] : memref<5x80x32xf32, #tpu.memory_space<vmem>> -> memref<1x80x32xf32, #tpu.memory_space<vmem>>
        %dma_wait3A_195 = tpu.memref_squeeze %dma_wait3A_194 : memref<1x80x32xf32, #tpu.memory_space<vmem>> -> memref<80x32xf32, #tpu.memory_space<vmem>>
        %dma_wait3A_196 = arith.constant 0 : i32
        %dma_wait3A_197 = tpu.memref_slice %arg8[%add3A_121, %dma_wait3A_196] : memref<125x80xi32, #tpu.memory_space<vmem>> -> memref<1x80xi32, #tpu.memory_space<vmem>>
        %dma_wait3A_198 = tpu.memref_squeeze %dma_wait3A_197 : memref<1x80xi32, #tpu.memory_space<vmem>> -> memref<80xi32, #tpu.memory_space<vmem>>
        %dma_wait3A_199 = arith.constant 0 : i32
        %dma_wait3A_200 = arith.constant 0 : i32
        %dma_wait3A_201 = tpu.memref_slice %arg11[%dma_wait3A_199, %dma_wait3A_200] : memref<10000x32xf32, #tpu.memory_space<vmem_shared>> -> memref<10000x32xf32, #tpu.memory_space<vmem_shared>>
        tpu.wait_indirect_dma semaphore(%run_scoped3A_181 : memref<!tpu.dma_semaphore, #tpu.memory_space<semaphore_mem>>) src(%dma_wait3A_195 : memref<80x32xf32, #tpu.memory_space<vmem>>) dst(%dma_wait3A_201 : memref<10000x32xf32, #tpu.memory_space<vmem_shared>>)
        tpu.yield
      }) : () -> ()
      %lt3A_134 = arith.constant 24 : i32
      %lt3A_135 = arith.cmpi slt, %scan3A_77, %lt3A_134 : i32
      %convert_element_type3A_136 = arith.extui %lt3A_135 : i1 to i32
      %cond3A_137 = arith.constant 0 : i32
      %cond3A_138 = arith.cmpi ne, %convert_element_type3A_136, %cond3A_137 : i32
      scf.if %cond3A_138 {
        %add3A_181 = arith.constant 5 : i32
        %add3A_182 = arith.addi %add3A_121, %add3A_181 : i32
        %dma_start3A_183 = arith.constant 2 : i32
        %dma_start3A_184 = arith.constant 0 : i32
        %dma_start3A_185 = arith.constant 0 : i32
        %dma_start3A_186 = tpu.memref_slice %arg9[%dma_start3A_183, %dma_start3A_184, %dma_start3A_185] : memref<5x80x32xf32, #tpu.memory_space<vmem>> -> memref<1x80x32xf32, #tpu.memory_space<vmem>>
        %dma_start3A_187 = tpu.memref_squeeze %dma_start3A_186 : memref<1x80x32xf32, #tpu.memory_space<vmem>> -> memref<80x32xf32, #tpu.memory_space<vmem>>
        %dma_start3A_188 = arith.constant 0 : i32
        %dma_start3A_189 = tpu.memref_slice %arg7[%add3A_182, %dma_start3A_188] : memref<125x80xi32, #tpu.memory_space<vmem>> -> memref<1x80xi32, #tpu.memory_space<vmem>>
        %dma_start3A_190 = tpu.memref_squeeze %dma_start3A_189 : memref<1x80xi32, #tpu.memory_space<vmem>> -> memref<80xi32, #tpu.memory_space<vmem>>
        %dma_start3A_191 = arith.constant 0 : i32
        %dma_start3A_192 = arith.constant 0 : i32
        %dma_start3A_193 = tpu.memref_slice %arg2[%dma_start3A_191, %dma_start3A_192] : memref<10000x32xf32, #tpu.memory_space<hbm>> -> memref<10000x32xf32, #tpu.memory_space<hbm>>
        tpu.enqueue_indirect_dma source(%dma_start3A_193 : memref<10000x32xf32, #tpu.memory_space<hbm>>) target(%dma_start3A_187 : memref<80x32xf32, #tpu.memory_space<vmem>>) offsets(%dma_start3A_190 : memref<80xi32, #tpu.memory_space<vmem>>) semaphore(%arg14 : memref<!tpu.dma_semaphore, #tpu.memory_space<semaphore_mem>>)
      } else {
      }
      %mul3A_139 = arith.constant 5 : i32
      %mul3A_140 = arith.muli %scan3A_77, %mul3A_139 : i32
      %add3A_141 = arith.constant 3 : i32
      %add3A_142 = arith.addi %mul3A_140, %add3A_141 : i32
      %dma_wait3A_143 = arith.constant 3 : i32
      %dma_wait3A_144 = arith.constant 0 : i32
      %dma_wait3A_145 = arith.constant 0 : i32
      %dma_wait3A_146 = tpu.memref_slice %arg9[%dma_wait3A_143, %dma_wait3A_144, %dma_wait3A_145] : memref<5x80x32xf32, #tpu.memory_space<vmem>> -> memref<1x80x32xf32, #tpu.memory_space<vmem>>
      %dma_wait3A_147 = tpu.memref_squeeze %dma_wait3A_146 : memref<1x80x32xf32, #tpu.memory_space<vmem>> -> memref<80x32xf32, #tpu.memory_space<vmem>>
      %dma_wait3A_148 = arith.constant 0 : i32
      %dma_wait3A_149 = tpu.memref_slice %arg7[%add3A_142, %dma_wait3A_148] : memref<125x80xi32, #tpu.memory_space<vmem>> -> memref<1x80xi32, #tpu.memory_space<vmem>>
      %dma_wait3A_150 = tpu.memref_squeeze %dma_wait3A_149 : memref<1x80xi32, #tpu.memory_space<vmem>> -> memref<80xi32, #tpu.memory_space<vmem>>
      %dma_wait3A_151 = arith.constant 0 : i32
      %dma_wait3A_152 = arith.constant 0 : i32
      %dma_wait3A_153 = tpu.memref_slice %arg2[%dma_wait3A_151, %dma_wait3A_152] : memref<10000x32xf32, #tpu.memory_space<hbm>> -> memref<10000x32xf32, #tpu.memory_space<hbm>>
      tpu.wait_indirect_dma semaphore(%arg15 : memref<!tpu.dma_semaphore, #tpu.memory_space<semaphore_mem>>) src(%dma_wait3A_153 : memref<10000x32xf32, #tpu.memory_space<hbm>>) dst(%dma_wait3A_147 : memref<80x32xf32, #tpu.memory_space<vmem>>)
      %run_scoped3A_154 = arith.constant 3 : i32
      "tpu.region"() ({
        %run_scoped3A_181 = tpu.sem_alloc : memref<!tpu.dma_semaphore, #tpu.memory_space<semaphore_mem>>
        %dma_start3A_182 = arith.constant 0 : i32
        %dma_start3A_183 = arith.constant 0 : i32
        %dma_start3A_184 = tpu.memref_slice %arg9[%run_scoped3A_154, %dma_start3A_182, %dma_start3A_183] : memref<5x80x32xf32, #tpu.memory_space<vmem>> -> memref<1x80x32xf32, #tpu.memory_space<vmem>>
        %dma_start3A_185 = tpu.memref_squeeze %dma_start3A_184 : memref<1x80x32xf32, #tpu.memory_space<vmem>> -> memref<80x32xf32, #tpu.memory_space<vmem>>
        %dma_start3A_186 = arith.constant 0 : i32
        %dma_start3A_187 = tpu.memref_slice %arg8[%add3A_142, %dma_start3A_186] : memref<125x80xi32, #tpu.memory_space<vmem>> -> memref<1x80xi32, #tpu.memory_space<vmem>>
        %dma_start3A_188 = tpu.memref_squeeze %dma_start3A_187 : memref<1x80xi32, #tpu.memory_space<vmem>> -> memref<80xi32, #tpu.memory_space<vmem>>
        %dma_start3A_189 = arith.constant 0 : i32
        %dma_start3A_190 = arith.constant 0 : i32
        %dma_start3A_191 = tpu.memref_slice %arg11[%dma_start3A_189, %dma_start3A_190] : memref<10000x32xf32, #tpu.memory_space<vmem_shared>> -> memref<10000x32xf32, #tpu.memory_space<vmem_shared>>
        tpu.enqueue_indirect_dma source(%dma_start3A_185 : memref<80x32xf32, #tpu.memory_space<vmem>>) target(%dma_start3A_191 : memref<10000x32xf32, #tpu.memory_space<vmem_shared>>) offsets(%dma_start3A_188 : memref<80xi32, #tpu.memory_space<vmem>>) semaphore(%run_scoped3A_181 : memref<!tpu.dma_semaphore, #tpu.memory_space<semaphore_mem>>) {add = true}
        %dma_wait3A_192 = arith.constant 0 : i32
        %dma_wait3A_193 = arith.constant 0 : i32
        %dma_wait3A_194 = tpu.memref_slice %arg9[%run_scoped3A_154, %dma_wait3A_192, %dma_wait3A_193] : memref<5x80x32xf32, #tpu.memory_space<vmem>> -> memref<1x80x32xf32, #tpu.memory_space<vmem>>
        %dma_wait3A_195 = tpu.memref_squeeze %dma_wait3A_194 : memref<1x80x32xf32, #tpu.memory_space<vmem>> -> memref<80x32xf32, #tpu.memory_space<vmem>>
        %dma_wait3A_196 = arith.constant 0 : i32
        %dma_wait3A_197 = tpu.memref_slice %arg8[%add3A_142, %dma_wait3A_196] : memref<125x80xi32, #tpu.memory_space<vmem>> -> memref<1x80xi32, #tpu.memory_space<vmem>>
        %dma_wait3A_198 = tpu.memref_squeeze %dma_wait3A_197 : memref<1x80xi32, #tpu.memory_space<vmem>> -> memref<80xi32, #tpu.memory_space<vmem>>
        %dma_wait3A_199 = arith.constant 0 : i32
        %dma_wait3A_200 = arith.constant 0 : i32
        %dma_wait3A_201 = tpu.memref_slice %arg11[%dma_wait3A_199, %dma_wait3A_200] : memref<10000x32xf32, #tpu.memory_space<vmem_shared>> -> memref<10000x32xf32, #tpu.memory_space<vmem_shared>>
        tpu.wait_indirect_dma semaphore(%run_scoped3A_181 : memref<!tpu.dma_semaphore, #tpu.memory_space<semaphore_mem>>) src(%dma_wait3A_195 : memref<80x32xf32, #tpu.memory_space<vmem>>) dst(%dma_wait3A_201 : memref<10000x32xf32, #tpu.memory_space<vmem_shared>>)
        tpu.yield
      }) : () -> ()
      %lt3A_155 = arith.constant 24 : i32
      %lt3A_156 = arith.cmpi slt, %scan3A_77, %lt3A_155 : i32
      %convert_element_type3A_157 = arith.extui %lt3A_156 : i1 to i32
      %cond3A_158 = arith.constant 0 : i32
      %cond3A_159 = arith.cmpi ne, %convert_element_type3A_157, %cond3A_158 : i32
      scf.if %cond3A_159 {
        %add3A_181 = arith.constant 5 : i32
        %add3A_182 = arith.addi %add3A_142, %add3A_181 : i32
        %dma_start3A_183 = arith.constant 3 : i32
        %dma_start3A_184 = arith.constant 0 : i32
        %dma_start3A_185 = arith.constant 0 : i32
        %dma_start3A_186 = tpu.memref_slice %arg9[%dma_start3A_183, %dma_start3A_184, %dma_start3A_185] : memref<5x80x32xf32, #tpu.memory_space<vmem>> -> memref<1x80x32xf32, #tpu.memory_space<vmem>>
        %dma_start3A_187 = tpu.memref_squeeze %dma_start3A_186 : memref<1x80x32xf32, #tpu.memory_space<vmem>> -> memref<80x32xf32, #tpu.memory_space<vmem>>
        %dma_start3A_188 = arith.constant 0 : i32
        %dma_start3A_189 = tpu.memref_slice %arg7[%add3A_182, %dma_start3A_188] : memref<125x80xi32, #tpu.memory_space<vmem>> -> memref<1x80xi32, #tpu.memory_space<vmem>>
        %dma_start3A_190 = tpu.memref_squeeze %dma_start3A_189 : memref<1x80xi32, #tpu.memory_space<vmem>> -> memref<80xi32, #tpu.memory_space<vmem>>
        %dma_start3A_191 = arith.constant 0 : i32
        %dma_start3A_192 = arith.constant 0 : i32
        %dma_start3A_193 = tpu.memref_slice %arg2[%dma_start3A_191, %dma_start3A_192] : memref<10000x32xf32, #tpu.memory_space<hbm>> -> memref<10000x32xf32, #tpu.memory_space<hbm>>
        tpu.enqueue_indirect_dma source(%dma_start3A_193 : memref<10000x32xf32, #tpu.memory_space<hbm>>) target(%dma_start3A_187 : memref<80x32xf32, #tpu.memory_space<vmem>>) offsets(%dma_start3A_190 : memref<80xi32, #tpu.memory_space<vmem>>) semaphore(%arg15 : memref<!tpu.dma_semaphore, #tpu.memory_space<semaphore_mem>>)
      } else {
      }
      %mul3A_160 = arith.constant 5 : i32
      %mul3A_161 = arith.muli %scan3A_77, %mul3A_160 : i32
      %add3A_162 = arith.constant 4 : i32
      %add3A_163 = arith.addi %mul3A_161, %add3A_162 : i32
      %dma_wait3A_164 = arith.constant 4 : i32
      %dma_wait3A_165 = arith.constant 0 : i32
      %dma_wait3A_166 = arith.constant 0 : i32
      %dma_wait3A_167 = tpu.memref_slice %arg9[%dma_wait3A_164, %dma_wait3A_165, %dma_wait3A_166] : memref<5x80x32xf32, #tpu.memory_space<vmem>> -> memref<1x80x32xf32, #tpu.memory_space<vmem>>
      %dma_wait3A_168 = tpu.memref_squeeze %dma_wait3A_167 : memref<1x80x32xf32, #tpu.memory_space<vmem>> -> memref<80x32xf32, #tpu.memory_space<vmem>>
      %dma_wait3A_169 = arith.constant 0 : i32
      %dma_wait3A_170 = tpu.memref_slice %arg7[%add3A_163, %dma_wait3A_169] : memref<125x80xi32, #tpu.memory_space<vmem>> -> memref<1x80xi32, #tpu.memory_space<vmem>>
      %dma_wait3A_171 = tpu.memref_squeeze %dma_wait3A_170 : memref<1x80xi32, #tpu.memory_space<vmem>> -> memref<80xi32, #tpu.memory_space<vmem>>
      %dma_wait3A_172 = arith.constant 0 : i32
      %dma_wait3A_173 = arith.constant 0 : i32
      %dma_wait3A_174 = tpu.memref_slice %arg2[%dma_wait3A_172, %dma_wait3A_173] : memref<10000x32xf32, #tpu.memory_space<hbm>> -> memref<10000x32xf32, #tpu.memory_space<hbm>>
      tpu.wait_indirect_dma semaphore(%arg16 : memref<!tpu.dma_semaphore, #tpu.memory_space<semaphore_mem>>) src(%dma_wait3A_174 : memref<10000x32xf32, #tpu.memory_space<hbm>>) dst(%dma_wait3A_168 : memref<80x32xf32, #tpu.memory_space<vmem>>)
      %run_scoped3A_175 = arith.constant 4 : i32
      "tpu.region"() ({
        %run_scoped3A_181 = tpu.sem_alloc : memref<!tpu.dma_semaphore, #tpu.memory_space<semaphore_mem>>
        %dma_start3A_182 = arith.constant 0 : i32
        %dma_start3A_183 = arith.constant 0 : i32
        %dma_start3A_184 = tpu.memref_slice %arg9[%run_scoped3A_175, %dma_start3A_182, %dma_start3A_183] : memref<5x80x32xf32, #tpu.memory_space<vmem>> -> memref<1x80x32xf32, #tpu.memory_space<vmem>>
        %dma_start3A_185 = tpu.memref_squeeze %dma_start3A_184 : memref<1x80x32xf32, #tpu.memory_space<vmem>> -> memref<80x32xf32, #tpu.memory_space<vmem>>
        %dma_start3A_186 = arith.constant 0 : i32
        %dma_start3A_187 = tpu.memref_slice %arg8[%add3A_163, %dma_start3A_186] : memref<125x80xi32, #tpu.memory_space<vmem>> -> memref<1x80xi32, #tpu.memory_space<vmem>>
        %dma_start3A_188 = tpu.memref_squeeze %dma_start3A_187 : memref<1x80xi32, #tpu.memory_space<vmem>> -> memref<80xi32, #tpu.memory_space<vmem>>
        %dma_start3A_189 = arith.constant 0 : i32
        %dma_start3A_190 = arith.constant 0 : i32
        %dma_start3A_191 = tpu.memref_slice %arg11[%dma_start3A_189, %dma_start3A_190] : memref<10000x32xf32, #tpu.memory_space<vmem_shared>> -> memref<10000x32xf32, #tpu.memory_space<vmem_shared>>
        tpu.enqueue_indirect_dma source(%dma_start3A_185 : memref<80x32xf32, #tpu.memory_space<vmem>>) target(%dma_start3A_191 : memref<10000x32xf32, #tpu.memory_space<vmem_shared>>) offsets(%dma_start3A_188 : memref<80xi32, #tpu.memory_space<vmem>>) semaphore(%run_scoped3A_181 : memref<!tpu.dma_semaphore, #tpu.memory_space<semaphore_mem>>) {add = true}
        %dma_wait3A_192 = arith.constant 0 : i32
        %dma_wait3A_193 = arith.constant 0 : i32
        %dma_wait3A_194 = tpu.memref_slice %arg9[%run_scoped3A_175, %dma_wait3A_192, %dma_wait3A_193] : memref<5x80x32xf32, #tpu.memory_space<vmem>> -> memref<1x80x32xf32, #tpu.memory_space<vmem>>
        %dma_wait3A_195 = tpu.memref_squeeze %dma_wait3A_194 : memref<1x80x32xf32, #tpu.memory_space<vmem>> -> memref<80x32xf32, #tpu.memory_space<vmem>>
        %dma_wait3A_196 = arith.constant 0 : i32
        %dma_wait3A_197 = tpu.memref_slice %arg8[%add3A_163, %dma_wait3A_196] : memref<125x80xi32, #tpu.memory_space<vmem>> -> memref<1x80xi32, #tpu.memory_space<vmem>>
        %dma_wait3A_198 = tpu.memref_squeeze %dma_wait3A_197 : memref<1x80xi32, #tpu.memory_space<vmem>> -> memref<80xi32, #tpu.memory_space<vmem>>
        %dma_wait3A_199 = arith.constant 0 : i32
        %dma_wait3A_200 = arith.constant 0 : i32
        %dma_wait3A_201 = tpu.memref_slice %arg11[%dma_wait3A_199, %dma_wait3A_200] : memref<10000x32xf32, #tpu.memory_space<vmem_shared>> -> memref<10000x32xf32, #tpu.memory_space<vmem_shared>>
        tpu.wait_indirect_dma semaphore(%run_scoped3A_181 : memref<!tpu.dma_semaphore, #tpu.memory_space<semaphore_mem>>) src(%dma_wait3A_195 : memref<80x32xf32, #tpu.memory_space<vmem>>) dst(%dma_wait3A_201 : memref<10000x32xf32, #tpu.memory_space<vmem_shared>>)
        tpu.yield
      }) : () -> ()
      %lt3A_176 = arith.constant 24 : i32
      %lt3A_177 = arith.cmpi slt, %scan3A_77, %lt3A_176 : i32
      %convert_element_type3A_178 = arith.extui %lt3A_177 : i1 to i32
      %cond3A_179 = arith.constant 0 : i32
      %cond3A_180 = arith.cmpi ne, %convert_element_type3A_178, %cond3A_179 : i32
      scf.if %cond3A_180 {
        %add3A_181 = arith.constant 5 : i32
        %add3A_182 = arith.addi %add3A_163, %add3A_181 : i32
        %dma_start3A_183 = arith.constant 4 : i32
        %dma_start3A_184 = arith.constant 0 : i32
        %dma_start3A_185 = arith.constant 0 : i32
        %dma_start3A_186 = tpu.memref_slice %arg9[%dma_start3A_183, %dma_start3A_184, %dma_start3A_185] : memref<5x80x32xf32, #tpu.memory_space<vmem>> -> memref<1x80x32xf32, #tpu.memory_space<vmem>>
        %dma_start3A_187 = tpu.memref_squeeze %dma_start3A_186 : memref<1x80x32xf32, #tpu.memory_space<vmem>> -> memref<80x32xf32, #tpu.memory_space<vmem>>
        %dma_start3A_188 = arith.constant 0 : i32
        %dma_start3A_189 = tpu.memref_slice %arg7[%add3A_182, %dma_start3A_188] : memref<125x80xi32, #tpu.memory_space<vmem>> -> memref<1x80xi32, #tpu.memory_space<vmem>>
        %dma_start3A_190 = tpu.memref_squeeze %dma_start3A_189 : memref<1x80xi32, #tpu.memory_space<vmem>> -> memref<80xi32, #tpu.memory_space<vmem>>
        %dma_start3A_191 = arith.constant 0 : i32
        %dma_start3A_192 = arith.constant 0 : i32
        %dma_start3A_193 = tpu.memref_slice %arg2[%dma_start3A_191, %dma_start3A_192] : memref<10000x32xf32, #tpu.memory_space<hbm>> -> memref<10000x32xf32, #tpu.memory_space<hbm>>
        tpu.enqueue_indirect_dma source(%dma_start3A_193 : memref<10000x32xf32, #tpu.memory_space<hbm>>) target(%dma_start3A_187 : memref<80x32xf32, #tpu.memory_space<vmem>>) offsets(%dma_start3A_190 : memref<80xi32, #tpu.memory_space<vmem>>) semaphore(%arg16 : memref<!tpu.dma_semaphore, #tpu.memory_space<semaphore_mem>>)
      } else {
      }
    }
    %scan3A_70 = arith.constant 25 : i32
    %barrier3A_71 = arith.constant 0 : index
    tpu.barrier barrier_id(%barrier3A_71)
    %lt3A_72 = arith.constant 10 : i32
    %lt3A_73 = arith.cmpi slt, %arg1, %lt3A_72 : i32
    %convert_element_type3A_74 = arith.extui %lt3A_73 : i1 to i32
    %cond3A_75 = arith.constant 0 : i32
    %cond3A_76 = arith.cmpi ne, %convert_element_type3A_74, %cond3A_75 : i32
    scf.if %cond3A_76 {
      %mul3A_77 = arith.constant 1000 : i32
      %mul3A_78 = arith.muli %arg1, %mul3A_77 : i32
      "tpu.region"() ({
        %run_scoped3A = tpu.sem_alloc : memref<!tpu.dma_semaphore, #tpu.memory_space<semaphore_mem>>
        %dma_start3A_79 = arith.constant 0 : i32
        %dma_start3A_80 = tpu.memref_slice %arg11[%mul3A_78, %dma_start3A_79] : memref<10000x32xf32, #tpu.memory_space<vmem_shared>> -> memref<1000x32xf32, #tpu.memory_space<vmem_shared>>
        %dma_start3A_81 = arith.constant 0 : i32
        %dma_start3A_82 = tpu.memref_slice %arg11[%mul3A_78, %dma_start3A_81] : memref<10000x32xf32, #tpu.memory_space<vmem_shared>> -> memref<1000x32xf32, #tpu.memory_space<vmem_shared>>
        tpu.enqueue_dma source(%dma_start3A_82 : memref<1000x32xf32, #tpu.memory_space<vmem_shared>>) target(%arg10 : memref<1000x32xf32, #tpu.memory_space<vmem>>) target_semaphore(%run_scoped3A : memref<!tpu.dma_semaphore, #tpu.memory_space<semaphore_mem>>)
        %dma_wait3A = arith.constant 0 : i32
        %dma_wait3A_83 = tpu.memref_slice %arg11[%mul3A_78, %dma_wait3A] : memref<10000x32xf32, #tpu.memory_space<vmem_shared>> -> memref<1000x32xf32, #tpu.memory_space<vmem_shared>>
        %dma_wait3A_84 = arith.constant 0 : i32
        %dma_wait3A_85 = tpu.memref_slice %arg11[%mul3A_78, %dma_wait3A_84] : memref<10000x32xf32, #tpu.memory_space<vmem_shared>> -> memref<1000x32xf32, #tpu.memory_space<vmem_shared>>
        tpu.wait_dma2 semaphore(%run_scoped3A : memref<!tpu.dma_semaphore, #tpu.memory_space<semaphore_mem>>) src(%dma_wait3A_85 : memref<1000x32xf32, #tpu.memory_space<vmem_shared>>) dst(%arg10 : memref<1000x32xf32, #tpu.memory_space<vmem>>)
        tpu.yield
      }) : () -> ()
      "tpu.region"() ({
        %run_scoped3A = tpu.sem_alloc : memref<!tpu.dma_semaphore, #tpu.memory_space<semaphore_mem>>
        %dma_start3A_79 = arith.constant 0 : i32
        %dma_start3A_80 = arith.constant 0 : i32
        %dma_start3A_81 = tpu.memref_slice %arg6[%arg0, %arg1, %dma_start3A_79, %dma_start3A_80] : memref<2x10x1000x32xf32, #tpu.memory_space<hbm>> -> memref<1x1x1000x32xf32, #tpu.memory_space<hbm>>
        %dma_start3A_82 = tpu.memref_squeeze %dma_start3A_81 : memref<1x1x1000x32xf32, #tpu.memory_space<hbm>> -> memref<1000x32xf32, #tpu.memory_space<hbm>>
        %dma_start3A_83 = arith.constant 0 : i32
        %dma_start3A_84 = arith.constant 0 : i32
        %dma_start3A_85 = tpu.memref_slice %arg6[%arg0, %arg1, %dma_start3A_83, %dma_start3A_84] : memref<2x10x1000x32xf32, #tpu.memory_space<hbm>> -> memref<1x1x1000x32xf32, #tpu.memory_space<hbm>>
        %dma_start3A_86 = tpu.memref_squeeze %dma_start3A_85 : memref<1x1x1000x32xf32, #tpu.memory_space<hbm>> -> memref<1000x32xf32, #tpu.memory_space<hbm>>
        tpu.enqueue_dma source(%arg10 : memref<1000x32xf32, #tpu.memory_space<vmem>>) target(%dma_start3A_86 : memref<1000x32xf32, #tpu.memory_space<hbm>>) target_semaphore(%run_scoped3A : memref<!tpu.dma_semaphore, #tpu.memory_space<semaphore_mem>>)
        %dma_wait3A = arith.constant 0 : i32
        %dma_wait3A_87 = arith.constant 0 : i32
        %dma_wait3A_88 = tpu.memref_slice %arg6[%arg0, %arg1, %dma_wait3A, %dma_wait3A_87] : memref<2x10x1000x32xf32, #tpu.memory_space<hbm>> -> memref<1x1x1000x32xf32, #tpu.memory_space<hbm>>
        %dma_wait3A_89 = tpu.memref_squeeze %dma_wait3A_88 : memref<1x1x1000x32xf32, #tpu.memory_space<hbm>> -> memref<1000x32xf32, #tpu.memory_space<hbm>>
        %dma_wait3A_90 = arith.constant 0 : i32
        %dma_wait3A_91 = arith.constant 0 : i32
        %dma_wait3A_92 = tpu.memref_slice %arg6[%arg0, %arg1, %dma_wait3A_90, %dma_wait3A_91] : memref<2x10x1000x32xf32, #tpu.memory_space<hbm>> -> memref<1x1x1000x32xf32, #tpu.memory_space<hbm>>
        %dma_wait3A_93 = tpu.memref_squeeze %dma_wait3A_92 : memref<1x1x1000x32xf32, #tpu.memory_space<hbm>> -> memref<1000x32xf32, #tpu.memory_space<hbm>>
        tpu.wait_dma2 semaphore(%run_scoped3A : memref<!tpu.dma_semaphore, #tpu.memory_space<semaphore_mem>>) src(%arg10 : memref<1000x32xf32, #tpu.memory_space<vmem>>) dst(%dma_wait3A_93 : memref<1000x32xf32, #tpu.memory_space<hbm>>)
        tpu.yield
      }) : () -> ()
    } else {
    }
    return
  }
}

#map = affine_map<(d0, d1) -> (0, 0)>
#map1 = affine_map<(d0, d1) -> (0, 0, 0, 0)>
module attributes {stable_mosaic.version = 14 : i64} {
  func.func @_sc_edge_agg(%arg0: i32, %arg1: i32, %arg2: memref<10000x32xf32, #tpu.memory_space<hbm>>, %arg3: memref<4000x80xi32, #tpu.memory_space<hbm>>, %arg4: memref<4000x80xi32, #tpu.memory_space<hbm>>, %arg5: memref<10000x32xf32, #tpu.memory_space<hbm>>, %arg6: memref<2x10x1000x32xf32, #tpu.memory_space<hbm>>, %arg7: memref<125x80xi32, #tpu.memory_space<vmem>>, %arg8: memref<125x80xi32, #tpu.memory_space<vmem>>, %arg9: memref<5x80x32xf32, #tpu.memory_space<vmem>>, %arg10: memref<1000x32xf32, #tpu.memory_space<vmem>>, %arg11: memref<10000x32xf32, #tpu.memory_space<vmem_shared>>, %arg12: memref<!tpu.dma_semaphore, #tpu.memory_space<semaphore_mem>>, %arg13: memref<!tpu.dma_semaphore, #tpu.memory_space<semaphore_mem>>, %arg14: memref<!tpu.dma_semaphore, #tpu.memory_space<semaphore_mem>>, %arg15: memref<!tpu.dma_semaphore, #tpu.memory_space<semaphore_mem>>, %arg16: memref<!tpu.dma_semaphore, #tpu.memory_space<semaphore_mem>>) attributes {dimension_semantics = [#tpu.dimension_semantics<core_parallel>, #tpu.dimension_semantics<subcore_parallel>], iteration_bounds = array<i64: 2, 16>, scalar_prefetch = 0 : i64, scratch_operands = 10 : i64, tpu.core_type = #tpu.core_type<sc_vector_subcore>, window_params = [{transform_indices = #map}, {transform_indices = #map}, {transform_indices = #map}, {transform_indices = #map}, {transform_indices = #map1}]} {
    %mul3A = arith.constant 16 : i32
    %mul3A_0 = arith.muli %arg0, %mul3A : i32
    %add3A = arith.addi %mul3A_0, %arg1 : i32
    %lt3A = arith.constant 10 : i32
    %lt3A_1 = arith.cmpi slt, %arg1, %lt3A : i32
    %convert_element_type3A = arith.extui %lt3A_1 : i1 to i32
    %cond3A = arith.constant 0 : i32
    %cond3A_2 = arith.cmpi ne, %convert_element_type3A, %cond3A : i32
    scf.if %cond3A_2 {
      %mul3A_77 = arith.constant 1000 : i32
      %mul3A_78 = arith.muli %arg1, %mul3A_77 : i32
      "tpu.region"() ({
        %run_scoped3A = tpu.sem_alloc : memref<!tpu.dma_semaphore, #tpu.memory_space<semaphore_mem>>
        %dma_start3A_81 = arith.constant 0 : i32
        %dma_start3A_82 = tpu.memref_slice %arg5[%mul3A_78, %dma_start3A_81] : memref<10000x32xf32, #tpu.memory_space<hbm>> -> memref<1000x32xf32, #tpu.memory_space<hbm>>
        %dma_start3A_83 = arith.constant 0 : i32
        %dma_start3A_84 = tpu.memref_slice %arg5[%mul3A_78, %dma_start3A_83] : memref<10000x32xf32, #tpu.memory_space<hbm>> -> memref<1000x32xf32, #tpu.memory_space<hbm>>
        tpu.enqueue_dma source(%dma_start3A_84 : memref<1000x32xf32, #tpu.memory_space<hbm>>) target(%arg10 : memref<1000x32xf32, #tpu.memory_space<vmem>>) target_semaphore(%run_scoped3A : memref<!tpu.dma_semaphore, #tpu.memory_space<semaphore_mem>>)
        %dma_wait3A = arith.constant 0 : i32
        %dma_wait3A_85 = tpu.memref_slice %arg5[%mul3A_78, %dma_wait3A] : memref<10000x32xf32, #tpu.memory_space<hbm>> -> memref<1000x32xf32, #tpu.memory_space<hbm>>
        %dma_wait3A_86 = arith.constant 0 : i32
        %dma_wait3A_87 = tpu.memref_slice %arg5[%mul3A_78, %dma_wait3A_86] : memref<10000x32xf32, #tpu.memory_space<hbm>> -> memref<1000x32xf32, #tpu.memory_space<hbm>>
        tpu.wait_dma2 semaphore(%run_scoped3A : memref<!tpu.dma_semaphore, #tpu.memory_space<semaphore_mem>>) src(%dma_wait3A_87 : memref<1000x32xf32, #tpu.memory_space<hbm>>) dst(%arg10 : memref<1000x32xf32, #tpu.memory_space<vmem>>)
        tpu.yield
      }) : () -> ()
      %mul3A_79 = arith.constant 1000 : i32
      %mul3A_80 = arith.muli %arg1, %mul3A_79 : i32
      "tpu.region"() ({
        %run_scoped3A = tpu.sem_alloc : memref<!tpu.dma_semaphore, #tpu.memory_space<semaphore_mem>>
        %dma_start3A_81 = arith.constant 0 : i32
        %dma_start3A_82 = tpu.memref_slice %arg11[%mul3A_80, %dma_start3A_81] : memref<10000x32xf32, #tpu.memory_space<vmem_shared>> -> memref<1000x32xf32, #tpu.memory_space<vmem_shared>>
        %dma_start3A_83 = arith.constant 0 : i32
        %dma_start3A_84 = tpu.memref_slice %arg11[%mul3A_80, %dma_start3A_83] : memref<10000x32xf32, #tpu.memory_space<vmem_shared>> -> memref<1000x32xf32, #tpu.memory_space<vmem_shared>>
        tpu.enqueue_dma source(%arg10 : memref<1000x32xf32, #tpu.memory_space<vmem>>) target(%dma_start3A_84 : memref<1000x32xf32, #tpu.memory_space<vmem_shared>>) target_semaphore(%run_scoped3A : memref<!tpu.dma_semaphore, #tpu.memory_space<semaphore_mem>>)
        %dma_wait3A = arith.constant 0 : i32
        %dma_wait3A_85 = tpu.memref_slice %arg11[%mul3A_80, %dma_wait3A] : memref<10000x32xf32, #tpu.memory_space<vmem_shared>> -> memref<1000x32xf32, #tpu.memory_space<vmem_shared>>
        %dma_wait3A_86 = arith.constant 0 : i32
        %dma_wait3A_87 = tpu.memref_slice %arg11[%mul3A_80, %dma_wait3A_86] : memref<10000x32xf32, #tpu.memory_space<vmem_shared>> -> memref<1000x32xf32, #tpu.memory_space<vmem_shared>>
        tpu.wait_dma2 semaphore(%run_scoped3A : memref<!tpu.dma_semaphore, #tpu.memory_space<semaphore_mem>>) src(%arg10 : memref<1000x32xf32, #tpu.memory_space<vmem>>) dst(%dma_wait3A_87 : memref<1000x32xf32, #tpu.memory_space<vmem_shared>>)
        tpu.yield
      }) : () -> ()
    } else {
    }
    %mul3A_3 = arith.constant 125 : i32
    %mul3A_4 = arith.muli %add3A, %mul3A_3 : i32
    "tpu.region"() ({
      %run_scoped3A = tpu.sem_alloc : memref<!tpu.dma_semaphore, #tpu.memory_space<semaphore_mem>>
      %dma_start3A_77 = arith.constant 0 : i32
      %dma_start3A_78 = tpu.memref_slice %arg3[%mul3A_4, %dma_start3A_77] : memref<4000x80xi32, #tpu.memory_space<hbm>> -> memref<125x80xi32, #tpu.memory_space<hbm>>
      %dma_start3A_79 = arith.constant 0 : i32
      %dma_start3A_80 = tpu.memref_slice %arg3[%mul3A_4, %dma_start3A_79] : memref<4000x80xi32, #tpu.memory_space<hbm>> -> memref<125x80xi32, #tpu.memory_space<hbm>>
      tpu.enqueue_dma source(%dma_start3A_80 : memref<125x80xi32, #tpu.memory_space<hbm>>) target(%arg7 : memref<125x80xi32, #tpu.memory_space<vmem>>) target_semaphore(%run_scoped3A : memref<!tpu.dma_semaphore, #tpu.memory_space<semaphore_mem>>)
      %dma_wait3A = arith.constant 0 : i32
      %dma_wait3A_81 = tpu.memref_slice %arg3[%mul3A_4, %dma_wait3A] : memref<4000x80xi32, #tpu.memory_space<hbm>> -> memref<125x80xi32, #tpu.memory_space<hbm>>
      %dma_wait3A_82 = arith.constant 0 : i32
      %dma_wait3A_83 = tpu.memref_slice %arg3[%mul3A_4, %dma_wait3A_82] : memref<4000x80xi32, #tpu.memory_space<hbm>> -> memref<125x80xi32, #tpu.memory_space<hbm>>
      tpu.wait_dma2 semaphore(%run_scoped3A : memref<!tpu.dma_semaphore, #tpu.memory_space<semaphore_mem>>) src(%dma_wait3A_83 : memref<125x80xi32, #tpu.memory_space<hbm>>) dst(%arg7 : memref<125x80xi32, #tpu.memory_space<vmem>>)
      tpu.yield
    }) : () -> ()
    %mul3A_5 = arith.constant 125 : i32
    %mul3A_6 = arith.muli %add3A, %mul3A_5 : i32
    "tpu.region"() ({
      %run_scoped3A = tpu.sem_alloc : memref<!tpu.dma_semaphore, #tpu.memory_space<semaphore_mem>>
      %dma_start3A_77 = arith.constant 0 : i32
      %dma_start3A_78 = tpu.memref_slice %arg4[%mul3A_6, %dma_start3A_77] : memref<4000x80xi32, #tpu.memory_space<hbm>> -> memref<125x80xi32, #tpu.memory_space<hbm>>
      %dma_start3A_79 = arith.constant 0 : i32
      %dma_start3A_80 = tpu.memref_slice %arg4[%mul3A_6, %dma_start3A_79] : memref<4000x80xi32, #tpu.memory_space<hbm>> -> memref<125x80xi32, #tpu.memory_space<hbm>>
      tpu.enqueue_dma source(%dma_start3A_80 : memref<125x80xi32, #tpu.memory_space<hbm>>) target(%arg8 : memref<125x80xi32, #tpu.memory_space<vmem>>) target_semaphore(%run_scoped3A : memref<!tpu.dma_semaphore, #tpu.memory_space<semaphore_mem>>)
      %dma_wait3A = arith.constant 0 : i32
      %dma_wait3A_81 = tpu.memref_slice %arg4[%mul3A_6, %dma_wait3A] : memref<4000x80xi32, #tpu.memory_space<hbm>> -> memref<125x80xi32, #tpu.memory_space<hbm>>
      %dma_wait3A_82 = arith.constant 0 : i32
      %dma_wait3A_83 = tpu.memref_slice %arg4[%mul3A_6, %dma_wait3A_82] : memref<4000x80xi32, #tpu.memory_space<hbm>> -> memref<125x80xi32, #tpu.memory_space<hbm>>
      tpu.wait_dma2 semaphore(%run_scoped3A : memref<!tpu.dma_semaphore, #tpu.memory_space<semaphore_mem>>) src(%dma_wait3A_83 : memref<125x80xi32, #tpu.memory_space<hbm>>) dst(%arg8 : memref<125x80xi32, #tpu.memory_space<vmem>>)
      tpu.yield
    }) : () -> ()
    %barrier3A = arith.constant 0 : index
    tpu.barrier barrier_id(%barrier3A)
    %dma_start3A = arith.constant 0 : i32
    %dma_start3A_7 = arith.constant 0 : i32
    %dma_start3A_8 = arith.constant 0 : i32
    %dma_start3A_9 = arith.constant 0 : i32
    %dma_start3A_10 = tpu.memref_slice %arg9[%dma_start3A_7, %dma_start3A_8, %dma_start3A_9] : memref<5x80x32xf32, #tpu.memory_space<vmem>> -> memref<1x80x32xf32, #tpu.memory_space<vmem>>
    %dma_start3A_11 = tpu.memref_squeeze %dma_start3A_10 : memref<1x80x32xf32, #tpu.memory_space<vmem>> -> memref<80x32xf32, #tpu.memory_space<vmem>>
    %dma_start3A_12 = arith.constant 0 : i32
    %dma_start3A_13 = tpu.memref_slice %arg7[%dma_start3A, %dma_start3A_12] : memref<125x80xi32, #tpu.memory_space<vmem>> -> memref<1x80xi32, #tpu.memory_space<vmem>>
    %dma_start3A_14 = tpu.memref_squeeze %dma_start3A_13 : memref<1x80xi32, #tpu.memory_space<vmem>> -> memref<80xi32, #tpu.memory_space<vmem>>
    %dma_start3A_15 = arith.constant 0 : i32
    %dma_start3A_16 = arith.constant 0 : i32
    %dma_start3A_17 = tpu.memref_slice %arg2[%dma_start3A_15, %dma_start3A_16] : memref<10000x32xf32, #tpu.memory_space<hbm>> -> memref<10000x32xf32, #tpu.memory_space<hbm>>
    tpu.enqueue_indirect_dma source(%dma_start3A_17 : memref<10000x32xf32, #tpu.memory_space<hbm>>) target(%dma_start3A_11 : memref<80x32xf32, #tpu.memory_space<vmem>>) offsets(%dma_start3A_14 : memref<80xi32, #tpu.memory_space<vmem>>) semaphore(%arg12 : memref<!tpu.dma_semaphore, #tpu.memory_space<semaphore_mem>>)
    %dma_start3A_18 = arith.constant 1 : i32
    %dma_start3A_19 = arith.constant 1 : i32
    %dma_start3A_20 = arith.constant 0 : i32
    %dma_start3A_21 = arith.constant 0 : i32
    %dma_start3A_22 = tpu.memref_slice %arg9[%dma_start3A_19, %dma_start3A_20, %dma_start3A_21] : memref<5x80x32xf32, #tpu.memory_space<vmem>> -> memref<1x80x32xf32, #tpu.memory_space<vmem>>
    %dma_start3A_23 = tpu.memref_squeeze %dma_start3A_22 : memref<1x80x32xf32, #tpu.memory_space<vmem>> -> memref<80x32xf32, #tpu.memory_space<vmem>>
    %dma_start3A_24 = arith.constant 0 : i32
    %dma_start3A_25 = tpu.memref_slice %arg7[%dma_start3A_18, %dma_start3A_24] : memref<125x80xi32, #tpu.memory_space<vmem>> -> memref<1x80xi32, #tpu.memory_space<vmem>>
    %dma_start3A_26 = tpu.memref_squeeze %dma_start3A_25 : memref<1x80xi32, #tpu.memory_space<vmem>> -> memref<80xi32, #tpu.memory_space<vmem>>
    %dma_start3A_27 = arith.constant 0 : i32
    %dma_start3A_28 = arith.constant 0 : i32
    %dma_start3A_29 = tpu.memref_slice %arg2[%dma_start3A_27, %dma_start3A_28] : memref<10000x32xf32, #tpu.memory_space<hbm>> -> memref<10000x32xf32, #tpu.memory_space<hbm>>
    tpu.enqueue_indirect_dma source(%dma_start3A_29 : memref<10000x32xf32, #tpu.memory_space<hbm>>) target(%dma_start3A_23 : memref<80x32xf32, #tpu.memory_space<vmem>>) offsets(%dma_start3A_26 : memref<80xi32, #tpu.memory_space<vmem>>) semaphore(%arg13 : memref<!tpu.dma_semaphore, #tpu.memory_space<semaphore_mem>>)
    %dma_start3A_30 = arith.constant 2 : i32
    %dma_start3A_31 = arith.constant 2 : i32
    %dma_start3A_32 = arith.constant 0 : i32
    %dma_start3A_33 = arith.constant 0 : i32
    %dma_start3A_34 = tpu.memref_slice %arg9[%dma_start3A_31, %dma_start3A_32, %dma_start3A_33] : memref<5x80x32xf32, #tpu.memory_space<vmem>> -> memref<1x80x32xf32, #tpu.memory_space<vmem>>
    %dma_start3A_35 = tpu.memref_squeeze %dma_start3A_34 : memref<1x80x32xf32, #tpu.memory_space<vmem>> -> memref<80x32xf32, #tpu.memory_space<vmem>>
    %dma_start3A_36 = arith.constant 0 : i32
    %dma_start3A_37 = tpu.memref_slice %arg7[%dma_start3A_30, %dma_start3A_36] : memref<125x80xi32, #tpu.memory_space<vmem>> -> memref<1x80xi32, #tpu.memory_space<vmem>>
    %dma_start3A_38 = tpu.memref_squeeze %dma_start3A_37 : memref<1x80xi32, #tpu.memory_space<vmem>> -> memref<80xi32, #tpu.memory_space<vmem>>
    %dma_start3A_39 = arith.constant 0 : i32
    %dma_start3A_40 = arith.constant 0 : i32
    %dma_start3A_41 = tpu.memref_slice %arg2[%dma_start3A_39, %dma_start3A_40] : memref<10000x32xf32, #tpu.memory_space<hbm>> -> memref<10000x32xf32, #tpu.memory_space<hbm>>
    tpu.enqueue_indirect_dma source(%dma_start3A_41 : memref<10000x32xf32, #tpu.memory_space<hbm>>) target(%dma_start3A_35 : memref<80x32xf32, #tpu.memory_space<vmem>>) offsets(%dma_start3A_38 : memref<80xi32, #tpu.memory_space<vmem>>) semaphore(%arg14 : memref<!tpu.dma_semaphore, #tpu.memory_space<semaphore_mem>>)
    %dma_start3A_42 = arith.constant 3 : i32
    %dma_start3A_43 = arith.constant 3 : i32
    %dma_start3A_44 = arith.constant 0 : i32
    %dma_start3A_45 = arith.constant 0 : i32
    %dma_start3A_46 = tpu.memref_slice %arg9[%dma_start3A_43, %dma_start3A_44, %dma_start3A_45] : memref<5x80x32xf32, #tpu.memory_space<vmem>> -> memref<1x80x32xf32, #tpu.memory_space<vmem>>
    %dma_start3A_47 = tpu.memref_squeeze %dma_start3A_46 : memref<1x80x32xf32, #tpu.memory_space<vmem>> -> memref<80x32xf32, #tpu.memory_space<vmem>>
    %dma_start3A_48 = arith.constant 0 : i32
    %dma_start3A_49 = tpu.memref_slice %arg7[%dma_start3A_42, %dma_start3A_48] : memref<125x80xi32, #tpu.memory_space<vmem>> -> memref<1x80xi32, #tpu.memory_space<vmem>>
    %dma_start3A_50 = tpu.memref_squeeze %dma_start3A_49 : memref<1x80xi32, #tpu.memory_space<vmem>> -> memref<80xi32, #tpu.memory_space<vmem>>
    %dma_start3A_51 = arith.constant 0 : i32
    %dma_start3A_52 = arith.constant 0 : i32
    %dma_start3A_53 = tpu.memref_slice %arg2[%dma_start3A_51, %dma_start3A_52] : memref<10000x32xf32, #tpu.memory_space<hbm>> -> memref<10000x32xf32, #tpu.memory_space<hbm>>
    tpu.enqueue_indirect_dma source(%dma_start3A_53 : memref<10000x32xf32, #tpu.memory_space<hbm>>) target(%dma_start3A_47 : memref<80x32xf32, #tpu.memory_space<vmem>>) offsets(%dma_start3A_50 : memref<80xi32, #tpu.memory_space<vmem>>) semaphore(%arg15 : memref<!tpu.dma_semaphore, #tpu.memory_space<semaphore_mem>>)
    %dma_start3A_54 = arith.constant 4 : i32
    %dma_start3A_55 = arith.constant 4 : i32
    %dma_start3A_56 = arith.constant 0 : i32
    %dma_start3A_57 = arith.constant 0 : i32
    %dma_start3A_58 = tpu.memref_slice %arg9[%dma_start3A_55, %dma_start3A_56, %dma_start3A_57] : memref<5x80x32xf32, #tpu.memory_space<vmem>> -> memref<1x80x32xf32, #tpu.memory_space<vmem>>
    %dma_start3A_59 = tpu.memref_squeeze %dma_start3A_58 : memref<1x80x32xf32, #tpu.memory_space<vmem>> -> memref<80x32xf32, #tpu.memory_space<vmem>>
    %dma_start3A_60 = arith.constant 0 : i32
    %dma_start3A_61 = tpu.memref_slice %arg7[%dma_start3A_54, %dma_start3A_60] : memref<125x80xi32, #tpu.memory_space<vmem>> -> memref<1x80xi32, #tpu.memory_space<vmem>>
    %dma_start3A_62 = tpu.memref_squeeze %dma_start3A_61 : memref<1x80xi32, #tpu.memory_space<vmem>> -> memref<80xi32, #tpu.memory_space<vmem>>
    %dma_start3A_63 = arith.constant 0 : i32
    %dma_start3A_64 = arith.constant 0 : i32
    %dma_start3A_65 = tpu.memref_slice %arg2[%dma_start3A_63, %dma_start3A_64] : memref<10000x32xf32, #tpu.memory_space<hbm>> -> memref<10000x32xf32, #tpu.memory_space<hbm>>
    tpu.enqueue_indirect_dma source(%dma_start3A_65 : memref<10000x32xf32, #tpu.memory_space<hbm>>) target(%dma_start3A_59 : memref<80x32xf32, #tpu.memory_space<vmem>>) offsets(%dma_start3A_62 : memref<80xi32, #tpu.memory_space<vmem>>) semaphore(%arg16 : memref<!tpu.dma_semaphore, #tpu.memory_space<semaphore_mem>>)
    %scan3A = arith.constant 0 : i32
    %scan3A_66 = arith.constant 0 : i32
    %scan3A_67 = arith.constant 25 : i32
    %scan3A_68 = arith.addi %scan3A_66, %scan3A_67 : i32
    %scan3A_69 = arith.constant 1 : i32
    scf.for %scan3A_77 = %scan3A_66 to %scan3A_68 step %scan3A_69  : i32 {
      %mul3A_78 = arith.constant 5 : i32
      %mul3A_79 = arith.muli %scan3A_77, %mul3A_78 : i32
      %add3A_80 = arith.constant 0 : i32
      %add3A_81 = arith.addi %mul3A_79, %add3A_80 : i32
      %dma_wait3A = arith.constant 0 : i32
      %dma_wait3A_82 = arith.constant 0 : i32
      %dma_wait3A_83 = arith.constant 0 : i32
      %dma_wait3A_84 = tpu.memref_slice %arg9[%dma_wait3A, %dma_wait3A_82, %dma_wait3A_83] : memref<5x80x32xf32, #tpu.memory_space<vmem>> -> memref<1x80x32xf32, #tpu.memory_space<vmem>>
      %dma_wait3A_85 = tpu.memref_squeeze %dma_wait3A_84 : memref<1x80x32xf32, #tpu.memory_space<vmem>> -> memref<80x32xf32, #tpu.memory_space<vmem>>
      %dma_wait3A_86 = arith.constant 0 : i32
      %dma_wait3A_87 = tpu.memref_slice %arg7[%add3A_81, %dma_wait3A_86] : memref<125x80xi32, #tpu.memory_space<vmem>> -> memref<1x80xi32, #tpu.memory_space<vmem>>
      %dma_wait3A_88 = tpu.memref_squeeze %dma_wait3A_87 : memref<1x80xi32, #tpu.memory_space<vmem>> -> memref<80xi32, #tpu.memory_space<vmem>>
      %dma_wait3A_89 = arith.constant 0 : i32
      %dma_wait3A_90 = arith.constant 0 : i32
      %dma_wait3A_91 = tpu.memref_slice %arg2[%dma_wait3A_89, %dma_wait3A_90] : memref<10000x32xf32, #tpu.memory_space<hbm>> -> memref<10000x32xf32, #tpu.memory_space<hbm>>
      tpu.wait_indirect_dma semaphore(%arg12 : memref<!tpu.dma_semaphore, #tpu.memory_space<semaphore_mem>>) src(%dma_wait3A_91 : memref<10000x32xf32, #tpu.memory_space<hbm>>) dst(%dma_wait3A_85 : memref<80x32xf32, #tpu.memory_space<vmem>>)
      %run_scoped3A = arith.constant 0 : i32
      "tpu.region"() ({
        %run_scoped3A_181 = tpu.sem_alloc : memref<!tpu.dma_semaphore, #tpu.memory_space<semaphore_mem>>
        %dma_start3A_182 = arith.constant 0 : i32
        %dma_start3A_183 = arith.constant 0 : i32
        %dma_start3A_184 = tpu.memref_slice %arg9[%run_scoped3A, %dma_start3A_182, %dma_start3A_183] : memref<5x80x32xf32, #tpu.memory_space<vmem>> -> memref<1x80x32xf32, #tpu.memory_space<vmem>>
        %dma_start3A_185 = tpu.memref_squeeze %dma_start3A_184 : memref<1x80x32xf32, #tpu.memory_space<vmem>> -> memref<80x32xf32, #tpu.memory_space<vmem>>
        %dma_start3A_186 = arith.constant 0 : i32
        %dma_start3A_187 = tpu.memref_slice %arg8[%add3A_81, %dma_start3A_186] : memref<125x80xi32, #tpu.memory_space<vmem>> -> memref<1x80xi32, #tpu.memory_space<vmem>>
        %dma_start3A_188 = tpu.memref_squeeze %dma_start3A_187 : memref<1x80xi32, #tpu.memory_space<vmem>> -> memref<80xi32, #tpu.memory_space<vmem>>
        %dma_start3A_189 = arith.constant 0 : i32
        %dma_start3A_190 = arith.constant 0 : i32
        %dma_start3A_191 = tpu.memref_slice %arg11[%dma_start3A_189, %dma_start3A_190] : memref<10000x32xf32, #tpu.memory_space<vmem_shared>> -> memref<10000x32xf32, #tpu.memory_space<vmem_shared>>
        tpu.enqueue_indirect_dma source(%dma_start3A_185 : memref<80x32xf32, #tpu.memory_space<vmem>>) target(%dma_start3A_191 : memref<10000x32xf32, #tpu.memory_space<vmem_shared>>) offsets(%dma_start3A_188 : memref<80xi32, #tpu.memory_space<vmem>>) semaphore(%run_scoped3A_181 : memref<!tpu.dma_semaphore, #tpu.memory_space<semaphore_mem>>) {add = true}
        %dma_wait3A_192 = arith.constant 0 : i32
        %dma_wait3A_193 = arith.constant 0 : i32
        %dma_wait3A_194 = tpu.memref_slice %arg9[%run_scoped3A, %dma_wait3A_192, %dma_wait3A_193] : memref<5x80x32xf32, #tpu.memory_space<vmem>> -> memref<1x80x32xf32, #tpu.memory_space<vmem>>
        %dma_wait3A_195 = tpu.memref_squeeze %dma_wait3A_194 : memref<1x80x32xf32, #tpu.memory_space<vmem>> -> memref<80x32xf32, #tpu.memory_space<vmem>>
        %dma_wait3A_196 = arith.constant 0 : i32
        %dma_wait3A_197 = tpu.memref_slice %arg8[%add3A_81, %dma_wait3A_196] : memref<125x80xi32, #tpu.memory_space<vmem>> -> memref<1x80xi32, #tpu.memory_space<vmem>>
        %dma_wait3A_198 = tpu.memref_squeeze %dma_wait3A_197 : memref<1x80xi32, #tpu.memory_space<vmem>> -> memref<80xi32, #tpu.memory_space<vmem>>
        %dma_wait3A_199 = arith.constant 0 : i32
        %dma_wait3A_200 = arith.constant 0 : i32
        %dma_wait3A_201 = tpu.memref_slice %arg11[%dma_wait3A_199, %dma_wait3A_200] : memref<10000x32xf32, #tpu.memory_space<vmem_shared>> -> memref<10000x32xf32, #tpu.memory_space<vmem_shared>>
        tpu.wait_indirect_dma semaphore(%run_scoped3A_181 : memref<!tpu.dma_semaphore, #tpu.memory_space<semaphore_mem>>) src(%dma_wait3A_195 : memref<80x32xf32, #tpu.memory_space<vmem>>) dst(%dma_wait3A_201 : memref<10000x32xf32, #tpu.memory_space<vmem_shared>>)
        tpu.yield
      }) : () -> ()
      %lt3A_92 = arith.constant 24 : i32
      %lt3A_93 = arith.cmpi slt, %scan3A_77, %lt3A_92 : i32
      %convert_element_type3A_94 = arith.extui %lt3A_93 : i1 to i32
      %cond3A_95 = arith.constant 0 : i32
      %cond3A_96 = arith.cmpi ne, %convert_element_type3A_94, %cond3A_95 : i32
      scf.if %cond3A_96 {
        %add3A_181 = arith.constant 5 : i32
        %add3A_182 = arith.addi %add3A_81, %add3A_181 : i32
        %dma_start3A_183 = arith.constant 0 : i32
        %dma_start3A_184 = arith.constant 0 : i32
        %dma_start3A_185 = arith.constant 0 : i32
        %dma_start3A_186 = tpu.memref_slice %arg9[%dma_start3A_183, %dma_start3A_184, %dma_start3A_185] : memref<5x80x32xf32, #tpu.memory_space<vmem>> -> memref<1x80x32xf32, #tpu.memory_space<vmem>>
        %dma_start3A_187 = tpu.memref_squeeze %dma_start3A_186 : memref<1x80x32xf32, #tpu.memory_space<vmem>> -> memref<80x32xf32, #tpu.memory_space<vmem>>
        %dma_start3A_188 = arith.constant 0 : i32
        %dma_start3A_189 = tpu.memref_slice %arg7[%add3A_182, %dma_start3A_188] : memref<125x80xi32, #tpu.memory_space<vmem>> -> memref<1x80xi32, #tpu.memory_space<vmem>>
        %dma_start3A_190 = tpu.memref_squeeze %dma_start3A_189 : memref<1x80xi32, #tpu.memory_space<vmem>> -> memref<80xi32, #tpu.memory_space<vmem>>
        %dma_start3A_191 = arith.constant 0 : i32
        %dma_start3A_192 = arith.constant 0 : i32
        %dma_start3A_193 = tpu.memref_slice %arg2[%dma_start3A_191, %dma_start3A_192] : memref<10000x32xf32, #tpu.memory_space<hbm>> -> memref<10000x32xf32, #tpu.memory_space<hbm>>
        tpu.enqueue_indirect_dma source(%dma_start3A_193 : memref<10000x32xf32, #tpu.memory_space<hbm>>) target(%dma_start3A_187 : memref<80x32xf32, #tpu.memory_space<vmem>>) offsets(%dma_start3A_190 : memref<80xi32, #tpu.memory_space<vmem>>) semaphore(%arg12 : memref<!tpu.dma_semaphore, #tpu.memory_space<semaphore_mem>>)
      } else {
      }
      %mul3A_97 = arith.constant 5 : i32
      %mul3A_98 = arith.muli %scan3A_77, %mul3A_97 : i32
      %add3A_99 = arith.constant 1 : i32
      %add3A_100 = arith.addi %mul3A_98, %add3A_99 : i32
      %dma_wait3A_101 = arith.constant 1 : i32
      %dma_wait3A_102 = arith.constant 0 : i32
      %dma_wait3A_103 = arith.constant 0 : i32
      %dma_wait3A_104 = tpu.memref_slice %arg9[%dma_wait3A_101, %dma_wait3A_102, %dma_wait3A_103] : memref<5x80x32xf32, #tpu.memory_space<vmem>> -> memref<1x80x32xf32, #tpu.memory_space<vmem>>
      %dma_wait3A_105 = tpu.memref_squeeze %dma_wait3A_104 : memref<1x80x32xf32, #tpu.memory_space<vmem>> -> memref<80x32xf32, #tpu.memory_space<vmem>>
      %dma_wait3A_106 = arith.constant 0 : i32
      %dma_wait3A_107 = tpu.memref_slice %arg7[%add3A_100, %dma_wait3A_106] : memref<125x80xi32, #tpu.memory_space<vmem>> -> memref<1x80xi32, #tpu.memory_space<vmem>>
      %dma_wait3A_108 = tpu.memref_squeeze %dma_wait3A_107 : memref<1x80xi32, #tpu.memory_space<vmem>> -> memref<80xi32, #tpu.memory_space<vmem>>
      %dma_wait3A_109 = arith.constant 0 : i32
      %dma_wait3A_110 = arith.constant 0 : i32
      %dma_wait3A_111 = tpu.memref_slice %arg2[%dma_wait3A_109, %dma_wait3A_110] : memref<10000x32xf32, #tpu.memory_space<hbm>> -> memref<10000x32xf32, #tpu.memory_space<hbm>>
      tpu.wait_indirect_dma semaphore(%arg13 : memref<!tpu.dma_semaphore, #tpu.memory_space<semaphore_mem>>) src(%dma_wait3A_111 : memref<10000x32xf32, #tpu.memory_space<hbm>>) dst(%dma_wait3A_105 : memref<80x32xf32, #tpu.memory_space<vmem>>)
      %run_scoped3A_112 = arith.constant 1 : i32
      "tpu.region"() ({
        %run_scoped3A_181 = tpu.sem_alloc : memref<!tpu.dma_semaphore, #tpu.memory_space<semaphore_mem>>
        %dma_start3A_182 = arith.constant 0 : i32
        %dma_start3A_183 = arith.constant 0 : i32
        %dma_start3A_184 = tpu.memref_slice %arg9[%run_scoped3A_112, %dma_start3A_182, %dma_start3A_183] : memref<5x80x32xf32, #tpu.memory_space<vmem>> -> memref<1x80x32xf32, #tpu.memory_space<vmem>>
        %dma_start3A_185 = tpu.memref_squeeze %dma_start3A_184 : memref<1x80x32xf32, #tpu.memory_space<vmem>> -> memref<80x32xf32, #tpu.memory_space<vmem>>
        %dma_start3A_186 = arith.constant 0 : i32
        %dma_start3A_187 = tpu.memref_slice %arg8[%add3A_100, %dma_start3A_186] : memref<125x80xi32, #tpu.memory_space<vmem>> -> memref<1x80xi32, #tpu.memory_space<vmem>>
        %dma_start3A_188 = tpu.memref_squeeze %dma_start3A_187 : memref<1x80xi32, #tpu.memory_space<vmem>> -> memref<80xi32, #tpu.memory_space<vmem>>
        %dma_start3A_189 = arith.constant 0 : i32
        %dma_start3A_190 = arith.constant 0 : i32
        %dma_start3A_191 = tpu.memref_slice %arg11[%dma_start3A_189, %dma_start3A_190] : memref<10000x32xf32, #tpu.memory_space<vmem_shared>> -> memref<10000x32xf32, #tpu.memory_space<vmem_shared>>
        tpu.enqueue_indirect_dma source(%dma_start3A_185 : memref<80x32xf32, #tpu.memory_space<vmem>>) target(%dma_start3A_191 : memref<10000x32xf32, #tpu.memory_space<vmem_shared>>) offsets(%dma_start3A_188 : memref<80xi32, #tpu.memory_space<vmem>>) semaphore(%run_scoped3A_181 : memref<!tpu.dma_semaphore, #tpu.memory_space<semaphore_mem>>) {add = true}
        %dma_wait3A_192 = arith.constant 0 : i32
        %dma_wait3A_193 = arith.constant 0 : i32
        %dma_wait3A_194 = tpu.memref_slice %arg9[%run_scoped3A_112, %dma_wait3A_192, %dma_wait3A_193] : memref<5x80x32xf32, #tpu.memory_space<vmem>> -> memref<1x80x32xf32, #tpu.memory_space<vmem>>
        %dma_wait3A_195 = tpu.memref_squeeze %dma_wait3A_194 : memref<1x80x32xf32, #tpu.memory_space<vmem>> -> memref<80x32xf32, #tpu.memory_space<vmem>>
        %dma_wait3A_196 = arith.constant 0 : i32
        %dma_wait3A_197 = tpu.memref_slice %arg8[%add3A_100, %dma_wait3A_196] : memref<125x80xi32, #tpu.memory_space<vmem>> -> memref<1x80xi32, #tpu.memory_space<vmem>>
        %dma_wait3A_198 = tpu.memref_squeeze %dma_wait3A_197 : memref<1x80xi32, #tpu.memory_space<vmem>> -> memref<80xi32, #tpu.memory_space<vmem>>
        %dma_wait3A_199 = arith.constant 0 : i32
        %dma_wait3A_200 = arith.constant 0 : i32
        %dma_wait3A_201 = tpu.memref_slice %arg11[%dma_wait3A_199, %dma_wait3A_200] : memref<10000x32xf32, #tpu.memory_space<vmem_shared>> -> memref<10000x32xf32, #tpu.memory_space<vmem_shared>>
        tpu.wait_indirect_dma semaphore(%run_scoped3A_181 : memref<!tpu.dma_semaphore, #tpu.memory_space<semaphore_mem>>) src(%dma_wait3A_195 : memref<80x32xf32, #tpu.memory_space<vmem>>) dst(%dma_wait3A_201 : memref<10000x32xf32, #tpu.memory_space<vmem_shared>>)
        tpu.yield
      }) : () -> ()
      %lt3A_113 = arith.constant 24 : i32
      %lt3A_114 = arith.cmpi slt, %scan3A_77, %lt3A_113 : i32
      %convert_element_type3A_115 = arith.extui %lt3A_114 : i1 to i32
      %cond3A_116 = arith.constant 0 : i32
      %cond3A_117 = arith.cmpi ne, %convert_element_type3A_115, %cond3A_116 : i32
      scf.if %cond3A_117 {
        %add3A_181 = arith.constant 5 : i32
        %add3A_182 = arith.addi %add3A_100, %add3A_181 : i32
        %dma_start3A_183 = arith.constant 1 : i32
        %dma_start3A_184 = arith.constant 0 : i32
        %dma_start3A_185 = arith.constant 0 : i32
        %dma_start3A_186 = tpu.memref_slice %arg9[%dma_start3A_183, %dma_start3A_184, %dma_start3A_185] : memref<5x80x32xf32, #tpu.memory_space<vmem>> -> memref<1x80x32xf32, #tpu.memory_space<vmem>>
        %dma_start3A_187 = tpu.memref_squeeze %dma_start3A_186 : memref<1x80x32xf32, #tpu.memory_space<vmem>> -> memref<80x32xf32, #tpu.memory_space<vmem>>
        %dma_start3A_188 = arith.constant 0 : i32
        %dma_start3A_189 = tpu.memref_slice %arg7[%add3A_182, %dma_start3A_188] : memref<125x80xi32, #tpu.memory_space<vmem>> -> memref<1x80xi32, #tpu.memory_space<vmem>>
        %dma_start3A_190 = tpu.memref_squeeze %dma_start3A_189 : memref<1x80xi32, #tpu.memory_space<vmem>> -> memref<80xi32, #tpu.memory_space<vmem>>
        %dma_start3A_191 = arith.constant 0 : i32
        %dma_start3A_192 = arith.constant 0 : i32
        %dma_start3A_193 = tpu.memref_slice %arg2[%dma_start3A_191, %dma_start3A_192] : memref<10000x32xf32, #tpu.memory_space<hbm>> -> memref<10000x32xf32, #tpu.memory_space<hbm>>
        tpu.enqueue_indirect_dma source(%dma_start3A_193 : memref<10000x32xf32, #tpu.memory_space<hbm>>) target(%dma_start3A_187 : memref<80x32xf32, #tpu.memory_space<vmem>>) offsets(%dma_start3A_190 : memref<80xi32, #tpu.memory_space<vmem>>) semaphore(%arg13 : memref<!tpu.dma_semaphore, #tpu.memory_space<semaphore_mem>>)
      } else {
      }
      %mul3A_118 = arith.constant 5 : i32
      %mul3A_119 = arith.muli %scan3A_77, %mul3A_118 : i32
      %add3A_120 = arith.constant 2 : i32
      %add3A_121 = arith.addi %mul3A_119, %add3A_120 : i32
      %dma_wait3A_122 = arith.constant 2 : i32
      %dma_wait3A_123 = arith.constant 0 : i32
      %dma_wait3A_124 = arith.constant 0 : i32
      %dma_wait3A_125 = tpu.memref_slice %arg9[%dma_wait3A_122, %dma_wait3A_123, %dma_wait3A_124] : memref<5x80x32xf32, #tpu.memory_space<vmem>> -> memref<1x80x32xf32, #tpu.memory_space<vmem>>
      %dma_wait3A_126 = tpu.memref_squeeze %dma_wait3A_125 : memref<1x80x32xf32, #tpu.memory_space<vmem>> -> memref<80x32xf32, #tpu.memory_space<vmem>>
      %dma_wait3A_127 = arith.constant 0 : i32
      %dma_wait3A_128 = tpu.memref_slice %arg7[%add3A_121, %dma_wait3A_127] : memref<125x80xi32, #tpu.memory_space<vmem>> -> memref<1x80xi32, #tpu.memory_space<vmem>>
      %dma_wait3A_129 = tpu.memref_squeeze %dma_wait3A_128 : memref<1x80xi32, #tpu.memory_space<vmem>> -> memref<80xi32, #tpu.memory_space<vmem>>
      %dma_wait3A_130 = arith.constant 0 : i32
      %dma_wait3A_131 = arith.constant 0 : i32
      %dma_wait3A_132 = tpu.memref_slice %arg2[%dma_wait3A_130, %dma_wait3A_131] : memref<10000x32xf32, #tpu.memory_space<hbm>> -> memref<10000x32xf32, #tpu.memory_space<hbm>>
      tpu.wait_indirect_dma semaphore(%arg14 : memref<!tpu.dma_semaphore, #tpu.memory_space<semaphore_mem>>) src(%dma_wait3A_132 : memref<10000x32xf32, #tpu.memory_space<hbm>>) dst(%dma_wait3A_126 : memref<80x32xf32, #tpu.memory_space<vmem>>)
      %run_scoped3A_133 = arith.constant 2 : i32
      "tpu.region"() ({
        %run_scoped3A_181 = tpu.sem_alloc : memref<!tpu.dma_semaphore, #tpu.memory_space<semaphore_mem>>
        %dma_start3A_182 = arith.constant 0 : i32
        %dma_start3A_183 = arith.constant 0 : i32
        %dma_start3A_184 = tpu.memref_slice %arg9[%run_scoped3A_133, %dma_start3A_182, %dma_start3A_183] : memref<5x80x32xf32, #tpu.memory_space<vmem>> -> memref<1x80x32xf32, #tpu.memory_space<vmem>>
        %dma_start3A_185 = tpu.memref_squeeze %dma_start3A_184 : memref<1x80x32xf32, #tpu.memory_space<vmem>> -> memref<80x32xf32, #tpu.memory_space<vmem>>
        %dma_start3A_186 = arith.constant 0 : i32
        %dma_start3A_187 = tpu.memref_slice %arg8[%add3A_121, %dma_start3A_186] : memref<125x80xi32, #tpu.memory_space<vmem>> -> memref<1x80xi32, #tpu.memory_space<vmem>>
        %dma_start3A_188 = tpu.memref_squeeze %dma_start3A_187 : memref<1x80xi32, #tpu.memory_space<vmem>> -> memref<80xi32, #tpu.memory_space<vmem>>
        %dma_start3A_189 = arith.constant 0 : i32
        %dma_start3A_190 = arith.constant 0 : i32
        %dma_start3A_191 = tpu.memref_slice %arg11[%dma_start3A_189, %dma_start3A_190] : memref<10000x32xf32, #tpu.memory_space<vmem_shared>> -> memref<10000x32xf32, #tpu.memory_space<vmem_shared>>
        tpu.enqueue_indirect_dma source(%dma_start3A_185 : memref<80x32xf32, #tpu.memory_space<vmem>>) target(%dma_start3A_191 : memref<10000x32xf32, #tpu.memory_space<vmem_shared>>) offsets(%dma_start3A_188 : memref<80xi32, #tpu.memory_space<vmem>>) semaphore(%run_scoped3A_181 : memref<!tpu.dma_semaphore, #tpu.memory_space<semaphore_mem>>) {add = true}
        %dma_wait3A_192 = arith.constant 0 : i32
        %dma_wait3A_193 = arith.constant 0 : i32
        %dma_wait3A_194 = tpu.memref_slice %arg9[%run_scoped3A_133, %dma_wait3A_192, %dma_wait3A_193] : memref<5x80x32xf32, #tpu.memory_space<vmem>> -> memref<1x80x32xf32, #tpu.memory_space<vmem>>
        %dma_wait3A_195 = tpu.memref_squeeze %dma_wait3A_194 : memref<1x80x32xf32, #tpu.memory_space<vmem>> -> memref<80x32xf32, #tpu.memory_space<vmem>>
        %dma_wait3A_196 = arith.constant 0 : i32
        %dma_wait3A_197 = tpu.memref_slice %arg8[%add3A_121, %dma_wait3A_196] : memref<125x80xi32, #tpu.memory_space<vmem>> -> memref<1x80xi32, #tpu.memory_space<vmem>>
        %dma_wait3A_198 = tpu.memref_squeeze %dma_wait3A_197 : memref<1x80xi32, #tpu.memory_space<vmem>> -> memref<80xi32, #tpu.memory_space<vmem>>
        %dma_wait3A_199 = arith.constant 0 : i32
        %dma_wait3A_200 = arith.constant 0 : i32
        %dma_wait3A_201 = tpu.memref_slice %arg11[%dma_wait3A_199, %dma_wait3A_200] : memref<10000x32xf32, #tpu.memory_space<vmem_shared>> -> memref<10000x32xf32, #tpu.memory_space<vmem_shared>>
        tpu.wait_indirect_dma semaphore(%run_scoped3A_181 : memref<!tpu.dma_semaphore, #tpu.memory_space<semaphore_mem>>) src(%dma_wait3A_195 : memref<80x32xf32, #tpu.memory_space<vmem>>) dst(%dma_wait3A_201 : memref<10000x32xf32, #tpu.memory_space<vmem_shared>>)
        tpu.yield
      }) : () -> ()
      %lt3A_134 = arith.constant 24 : i32
      %lt3A_135 = arith.cmpi slt, %scan3A_77, %lt3A_134 : i32
      %convert_element_type3A_136 = arith.extui %lt3A_135 : i1 to i32
      %cond3A_137 = arith.constant 0 : i32
      %cond3A_138 = arith.cmpi ne, %convert_element_type3A_136, %cond3A_137 : i32
      scf.if %cond3A_138 {
        %add3A_181 = arith.constant 5 : i32
        %add3A_182 = arith.addi %add3A_121, %add3A_181 : i32
        %dma_start3A_183 = arith.constant 2 : i32
        %dma_start3A_184 = arith.constant 0 : i32
        %dma_start3A_185 = arith.constant 0 : i32
        %dma_start3A_186 = tpu.memref_slice %arg9[%dma_start3A_183, %dma_start3A_184, %dma_start3A_185] : memref<5x80x32xf32, #tpu.memory_space<vmem>> -> memref<1x80x32xf32, #tpu.memory_space<vmem>>
        %dma_start3A_187 = tpu.memref_squeeze %dma_start3A_186 : memref<1x80x32xf32, #tpu.memory_space<vmem>> -> memref<80x32xf32, #tpu.memory_space<vmem>>
        %dma_start3A_188 = arith.constant 0 : i32
        %dma_start3A_189 = tpu.memref_slice %arg7[%add3A_182, %dma_start3A_188] : memref<125x80xi32, #tpu.memory_space<vmem>> -> memref<1x80xi32, #tpu.memory_space<vmem>>
        %dma_start3A_190 = tpu.memref_squeeze %dma_start3A_189 : memref<1x80xi32, #tpu.memory_space<vmem>> -> memref<80xi32, #tpu.memory_space<vmem>>
        %dma_start3A_191 = arith.constant 0 : i32
        %dma_start3A_192 = arith.constant 0 : i32
        %dma_start3A_193 = tpu.memref_slice %arg2[%dma_start3A_191, %dma_start3A_192] : memref<10000x32xf32, #tpu.memory_space<hbm>> -> memref<10000x32xf32, #tpu.memory_space<hbm>>
        tpu.enqueue_indirect_dma source(%dma_start3A_193 : memref<10000x32xf32, #tpu.memory_space<hbm>>) target(%dma_start3A_187 : memref<80x32xf32, #tpu.memory_space<vmem>>) offsets(%dma_start3A_190 : memref<80xi32, #tpu.memory_space<vmem>>) semaphore(%arg14 : memref<!tpu.dma_semaphore, #tpu.memory_space<semaphore_mem>>)
      } else {
      }
      %mul3A_139 = arith.constant 5 : i32
      %mul3A_140 = arith.muli %scan3A_77, %mul3A_139 : i32
      %add3A_141 = arith.constant 3 : i32
      %add3A_142 = arith.addi %mul3A_140, %add3A_141 : i32
      %dma_wait3A_143 = arith.constant 3 : i32
      %dma_wait3A_144 = arith.constant 0 : i32
      %dma_wait3A_145 = arith.constant 0 : i32
      %dma_wait3A_146 = tpu.memref_slice %arg9[%dma_wait3A_143, %dma_wait3A_144, %dma_wait3A_145] : memref<5x80x32xf32, #tpu.memory_space<vmem>> -> memref<1x80x32xf32, #tpu.memory_space<vmem>>
      %dma_wait3A_147 = tpu.memref_squeeze %dma_wait3A_146 : memref<1x80x32xf32, #tpu.memory_space<vmem>> -> memref<80x32xf32, #tpu.memory_space<vmem>>
      %dma_wait3A_148 = arith.constant 0 : i32
      %dma_wait3A_149 = tpu.memref_slice %arg7[%add3A_142, %dma_wait3A_148] : memref<125x80xi32, #tpu.memory_space<vmem>> -> memref<1x80xi32, #tpu.memory_space<vmem>>
      %dma_wait3A_150 = tpu.memref_squeeze %dma_wait3A_149 : memref<1x80xi32, #tpu.memory_space<vmem>> -> memref<80xi32, #tpu.memory_space<vmem>>
      %dma_wait3A_151 = arith.constant 0 : i32
      %dma_wait3A_152 = arith.constant 0 : i32
      %dma_wait3A_153 = tpu.memref_slice %arg2[%dma_wait3A_151, %dma_wait3A_152] : memref<10000x32xf32, #tpu.memory_space<hbm>> -> memref<10000x32xf32, #tpu.memory_space<hbm>>
      tpu.wait_indirect_dma semaphore(%arg15 : memref<!tpu.dma_semaphore, #tpu.memory_space<semaphore_mem>>) src(%dma_wait3A_153 : memref<10000x32xf32, #tpu.memory_space<hbm>>) dst(%dma_wait3A_147 : memref<80x32xf32, #tpu.memory_space<vmem>>)
      %run_scoped3A_154 = arith.constant 3 : i32
      "tpu.region"() ({
        %run_scoped3A_181 = tpu.sem_alloc : memref<!tpu.dma_semaphore, #tpu.memory_space<semaphore_mem>>
        %dma_start3A_182 = arith.constant 0 : i32
        %dma_start3A_183 = arith.constant 0 : i32
        %dma_start3A_184 = tpu.memref_slice %arg9[%run_scoped3A_154, %dma_start3A_182, %dma_start3A_183] : memref<5x80x32xf32, #tpu.memory_space<vmem>> -> memref<1x80x32xf32, #tpu.memory_space<vmem>>
        %dma_start3A_185 = tpu.memref_squeeze %dma_start3A_184 : memref<1x80x32xf32, #tpu.memory_space<vmem>> -> memref<80x32xf32, #tpu.memory_space<vmem>>
        %dma_start3A_186 = arith.constant 0 : i32
        %dma_start3A_187 = tpu.memref_slice %arg8[%add3A_142, %dma_start3A_186] : memref<125x80xi32, #tpu.memory_space<vmem>> -> memref<1x80xi32, #tpu.memory_space<vmem>>
        %dma_start3A_188 = tpu.memref_squeeze %dma_start3A_187 : memref<1x80xi32, #tpu.memory_space<vmem>> -> memref<80xi32, #tpu.memory_space<vmem>>
        %dma_start3A_189 = arith.constant 0 : i32
        %dma_start3A_190 = arith.constant 0 : i32
        %dma_start3A_191 = tpu.memref_slice %arg11[%dma_start3A_189, %dma_start3A_190] : memref<10000x32xf32, #tpu.memory_space<vmem_shared>> -> memref<10000x32xf32, #tpu.memory_space<vmem_shared>>
        tpu.enqueue_indirect_dma source(%dma_start3A_185 : memref<80x32xf32, #tpu.memory_space<vmem>>) target(%dma_start3A_191 : memref<10000x32xf32, #tpu.memory_space<vmem_shared>>) offsets(%dma_start3A_188 : memref<80xi32, #tpu.memory_space<vmem>>) semaphore(%run_scoped3A_181 : memref<!tpu.dma_semaphore, #tpu.memory_space<semaphore_mem>>) {add = true}
        %dma_wait3A_192 = arith.constant 0 : i32
        %dma_wait3A_193 = arith.constant 0 : i32
        %dma_wait3A_194 = tpu.memref_slice %arg9[%run_scoped3A_154, %dma_wait3A_192, %dma_wait3A_193] : memref<5x80x32xf32, #tpu.memory_space<vmem>> -> memref<1x80x32xf32, #tpu.memory_space<vmem>>
        %dma_wait3A_195 = tpu.memref_squeeze %dma_wait3A_194 : memref<1x80x32xf32, #tpu.memory_space<vmem>> -> memref<80x32xf32, #tpu.memory_space<vmem>>
        %dma_wait3A_196 = arith.constant 0 : i32
        %dma_wait3A_197 = tpu.memref_slice %arg8[%add3A_142, %dma_wait3A_196] : memref<125x80xi32, #tpu.memory_space<vmem>> -> memref<1x80xi32, #tpu.memory_space<vmem>>
        %dma_wait3A_198 = tpu.memref_squeeze %dma_wait3A_197 : memref<1x80xi32, #tpu.memory_space<vmem>> -> memref<80xi32, #tpu.memory_space<vmem>>
        %dma_wait3A_199 = arith.constant 0 : i32
        %dma_wait3A_200 = arith.constant 0 : i32
        %dma_wait3A_201 = tpu.memref_slice %arg11[%dma_wait3A_199, %dma_wait3A_200] : memref<10000x32xf32, #tpu.memory_space<vmem_shared>> -> memref<10000x32xf32, #tpu.memory_space<vmem_shared>>
        tpu.wait_indirect_dma semaphore(%run_scoped3A_181 : memref<!tpu.dma_semaphore, #tpu.memory_space<semaphore_mem>>) src(%dma_wait3A_195 : memref<80x32xf32, #tpu.memory_space<vmem>>) dst(%dma_wait3A_201 : memref<10000x32xf32, #tpu.memory_space<vmem_shared>>)
        tpu.yield
      }) : () -> ()
      %lt3A_155 = arith.constant 24 : i32
      %lt3A_156 = arith.cmpi slt, %scan3A_77, %lt3A_155 : i32
      %convert_element_type3A_157 = arith.extui %lt3A_156 : i1 to i32
      %cond3A_158 = arith.constant 0 : i32
      %cond3A_159 = arith.cmpi ne, %convert_element_type3A_157, %cond3A_158 : i32
      scf.if %cond3A_159 {
        %add3A_181 = arith.constant 5 : i32
        %add3A_182 = arith.addi %add3A_142, %add3A_181 : i32
        %dma_start3A_183 = arith.constant 3 : i32
        %dma_start3A_184 = arith.constant 0 : i32
        %dma_start3A_185 = arith.constant 0 : i32
        %dma_start3A_186 = tpu.memref_slice %arg9[%dma_start3A_183, %dma_start3A_184, %dma_start3A_185] : memref<5x80x32xf32, #tpu.memory_space<vmem>> -> memref<1x80x32xf32, #tpu.memory_space<vmem>>
        %dma_start3A_187 = tpu.memref_squeeze %dma_start3A_186 : memref<1x80x32xf32, #tpu.memory_space<vmem>> -> memref<80x32xf32, #tpu.memory_space<vmem>>
        %dma_start3A_188 = arith.constant 0 : i32
        %dma_start3A_189 = tpu.memref_slice %arg7[%add3A_182, %dma_start3A_188] : memref<125x80xi32, #tpu.memory_space<vmem>> -> memref<1x80xi32, #tpu.memory_space<vmem>>
        %dma_start3A_190 = tpu.memref_squeeze %dma_start3A_189 : memref<1x80xi32, #tpu.memory_space<vmem>> -> memref<80xi32, #tpu.memory_space<vmem>>
        %dma_start3A_191 = arith.constant 0 : i32
        %dma_start3A_192 = arith.constant 0 : i32
        %dma_start3A_193 = tpu.memref_slice %arg2[%dma_start3A_191, %dma_start3A_192] : memref<10000x32xf32, #tpu.memory_space<hbm>> -> memref<10000x32xf32, #tpu.memory_space<hbm>>
        tpu.enqueue_indirect_dma source(%dma_start3A_193 : memref<10000x32xf32, #tpu.memory_space<hbm>>) target(%dma_start3A_187 : memref<80x32xf32, #tpu.memory_space<vmem>>) offsets(%dma_start3A_190 : memref<80xi32, #tpu.memory_space<vmem>>) semaphore(%arg15 : memref<!tpu.dma_semaphore, #tpu.memory_space<semaphore_mem>>)
      } else {
      }
      %mul3A_160 = arith.constant 5 : i32
      %mul3A_161 = arith.muli %scan3A_77, %mul3A_160 : i32
      %add3A_162 = arith.constant 4 : i32
      %add3A_163 = arith.addi %mul3A_161, %add3A_162 : i32
      %dma_wait3A_164 = arith.constant 4 : i32
      %dma_wait3A_165 = arith.constant 0 : i32
      %dma_wait3A_166 = arith.constant 0 : i32
      %dma_wait3A_167 = tpu.memref_slice %arg9[%dma_wait3A_164, %dma_wait3A_165, %dma_wait3A_166] : memref<5x80x32xf32, #tpu.memory_space<vmem>> -> memref<1x80x32xf32, #tpu.memory_space<vmem>>
      %dma_wait3A_168 = tpu.memref_squeeze %dma_wait3A_167 : memref<1x80x32xf32, #tpu.memory_space<vmem>> -> memref<80x32xf32, #tpu.memory_space<vmem>>
      %dma_wait3A_169 = arith.constant 0 : i32
      %dma_wait3A_170 = tpu.memref_slice %arg7[%add3A_163, %dma_wait3A_169] : memref<125x80xi32, #tpu.memory_space<vmem>> -> memref<1x80xi32, #tpu.memory_space<vmem>>
      %dma_wait3A_171 = tpu.memref_squeeze %dma_wait3A_170 : memref<1x80xi32, #tpu.memory_space<vmem>> -> memref<80xi32, #tpu.memory_space<vmem>>
      %dma_wait3A_172 = arith.constant 0 : i32
      %dma_wait3A_173 = arith.constant 0 : i32
      %dma_wait3A_174 = tpu.memref_slice %arg2[%dma_wait3A_172, %dma_wait3A_173] : memref<10000x32xf32, #tpu.memory_space<hbm>> -> memref<10000x32xf32, #tpu.memory_space<hbm>>
      tpu.wait_indirect_dma semaphore(%arg16 : memref<!tpu.dma_semaphore, #tpu.memory_space<semaphore_mem>>) src(%dma_wait3A_174 : memref<10000x32xf32, #tpu.memory_space<hbm>>) dst(%dma_wait3A_168 : memref<80x32xf32, #tpu.memory_space<vmem>>)
      %run_scoped3A_175 = arith.constant 4 : i32
      "tpu.region"() ({
        %run_scoped3A_181 = tpu.sem_alloc : memref<!tpu.dma_semaphore, #tpu.memory_space<semaphore_mem>>
        %dma_start3A_182 = arith.constant 0 : i32
        %dma_start3A_183 = arith.constant 0 : i32
        %dma_start3A_184 = tpu.memref_slice %arg9[%run_scoped3A_175, %dma_start3A_182, %dma_start3A_183] : memref<5x80x32xf32, #tpu.memory_space<vmem>> -> memref<1x80x32xf32, #tpu.memory_space<vmem>>
        %dma_start3A_185 = tpu.memref_squeeze %dma_start3A_184 : memref<1x80x32xf32, #tpu.memory_space<vmem>> -> memref<80x32xf32, #tpu.memory_space<vmem>>
        %dma_start3A_186 = arith.constant 0 : i32
        %dma_start3A_187 = tpu.memref_slice %arg8[%add3A_163, %dma_start3A_186] : memref<125x80xi32, #tpu.memory_space<vmem>> -> memref<1x80xi32, #tpu.memory_space<vmem>>
        %dma_start3A_188 = tpu.memref_squeeze %dma_start3A_187 : memref<1x80xi32, #tpu.memory_space<vmem>> -> memref<80xi32, #tpu.memory_space<vmem>>
        %dma_start3A_189 = arith.constant 0 : i32
        %dma_start3A_190 = arith.constant 0 : i32
        %dma_start3A_191 = tpu.memref_slice %arg11[%dma_start3A_189, %dma_start3A_190] : memref<10000x32xf32, #tpu.memory_space<vmem_shared>> -> memref<10000x32xf32, #tpu.memory_space<vmem_shared>>
        tpu.enqueue_indirect_dma source(%dma_start3A_185 : memref<80x32xf32, #tpu.memory_space<vmem>>) target(%dma_start3A_191 : memref<10000x32xf32, #tpu.memory_space<vmem_shared>>) offsets(%dma_start3A_188 : memref<80xi32, #tpu.memory_space<vmem>>) semaphore(%run_scoped3A_181 : memref<!tpu.dma_semaphore, #tpu.memory_space<semaphore_mem>>) {add = true}
        %dma_wait3A_192 = arith.constant 0 : i32
        %dma_wait3A_193 = arith.constant 0 : i32
        %dma_wait3A_194 = tpu.memref_slice %arg9[%run_scoped3A_175, %dma_wait3A_192, %dma_wait3A_193] : memref<5x80x32xf32, #tpu.memory_space<vmem>> -> memref<1x80x32xf32, #tpu.memory_space<vmem>>
        %dma_wait3A_195 = tpu.memref_squeeze %dma_wait3A_194 : memref<1x80x32xf32, #tpu.memory_space<vmem>> -> memref<80x32xf32, #tpu.memory_space<vmem>>
        %dma_wait3A_196 = arith.constant 0 : i32
        %dma_wait3A_197 = tpu.memref_slice %arg8[%add3A_163, %dma_wait3A_196] : memref<125x80xi32, #tpu.memory_space<vmem>> -> memref<1x80xi32, #tpu.memory_space<vmem>>
        %dma_wait3A_198 = tpu.memref_squeeze %dma_wait3A_197 : memref<1x80xi32, #tpu.memory_space<vmem>> -> memref<80xi32, #tpu.memory_space<vmem>>
        %dma_wait3A_199 = arith.constant 0 : i32
        %dma_wait3A_200 = arith.constant 0 : i32
        %dma_wait3A_201 = tpu.memref_slice %arg11[%dma_wait3A_199, %dma_wait3A_200] : memref<10000x32xf32, #tpu.memory_space<vmem_shared>> -> memref<10000x32xf32, #tpu.memory_space<vmem_shared>>
        tpu.wait_indirect_dma semaphore(%run_scoped3A_181 : memref<!tpu.dma_semaphore, #tpu.memory_space<semaphore_mem>>) src(%dma_wait3A_195 : memref<80x32xf32, #tpu.memory_space<vmem>>) dst(%dma_wait3A_201 : memref<10000x32xf32, #tpu.memory_space<vmem_shared>>)
        tpu.yield
      }) : () -> ()
      %lt3A_176 = arith.constant 24 : i32
      %lt3A_177 = arith.cmpi slt, %scan3A_77, %lt3A_176 : i32
      %convert_element_type3A_178 = arith.extui %lt3A_177 : i1 to i32
      %cond3A_179 = arith.constant 0 : i32
      %cond3A_180 = arith.cmpi ne, %convert_element_type3A_178, %cond3A_179 : i32
      scf.if %cond3A_180 {
        %add3A_181 = arith.constant 5 : i32
        %add3A_182 = arith.addi %add3A_163, %add3A_181 : i32
        %dma_start3A_183 = arith.constant 4 : i32
        %dma_start3A_184 = arith.constant 0 : i32
        %dma_start3A_185 = arith.constant 0 : i32
        %dma_start3A_186 = tpu.memref_slice %arg9[%dma_start3A_183, %dma_start3A_184, %dma_start3A_185] : memref<5x80x32xf32, #tpu.memory_space<vmem>> -> memref<1x80x32xf32, #tpu.memory_space<vmem>>
        %dma_start3A_187 = tpu.memref_squeeze %dma_start3A_186 : memref<1x80x32xf32, #tpu.memory_space<vmem>> -> memref<80x32xf32, #tpu.memory_space<vmem>>
        %dma_start3A_188 = arith.constant 0 : i32
        %dma_start3A_189 = tpu.memref_slice %arg7[%add3A_182, %dma_start3A_188] : memref<125x80xi32, #tpu.memory_space<vmem>> -> memref<1x80xi32, #tpu.memory_space<vmem>>
        %dma_start3A_190 = tpu.memref_squeeze %dma_start3A_189 : memref<1x80xi32, #tpu.memory_space<vmem>> -> memref<80xi32, #tpu.memory_space<vmem>>
        %dma_start3A_191 = arith.constant 0 : i32
        %dma_start3A_192 = arith.constant 0 : i32
        %dma_start3A_193 = tpu.memref_slice %arg2[%dma_start3A_191, %dma_start3A_192] : memref<10000x32xf32, #tpu.memory_space<hbm>> -> memref<10000x32xf32, #tpu.memory_space<hbm>>
        tpu.enqueue_indirect_dma source(%dma_start3A_193 : memref<10000x32xf32, #tpu.memory_space<hbm>>) target(%dma_start3A_187 : memref<80x32xf32, #tpu.memory_space<vmem>>) offsets(%dma_start3A_190 : memref<80xi32, #tpu.memory_space<vmem>>) semaphore(%arg16 : memref<!tpu.dma_semaphore, #tpu.memory_space<semaphore_mem>>)
      } else {
      }
    }
    %scan3A_70 = arith.constant 25 : i32
    %barrier3A_71 = arith.constant 0 : index
    tpu.barrier barrier_id(%barrier3A_71)
    %lt3A_72 = arith.constant 10 : i32
    %lt3A_73 = arith.cmpi slt, %arg1, %lt3A_72 : i32
    %convert_element_type3A_74 = arith.extui %lt3A_73 : i1 to i32
    %cond3A_75 = arith.constant 0 : i32
    %cond3A_76 = arith.cmpi ne, %convert_element_type3A_74, %cond3A_75 : i32
    scf.if %cond3A_76 {
      %mul3A_77 = arith.constant 1000 : i32
      %mul3A_78 = arith.muli %arg1, %mul3A_77 : i32
      "tpu.region"() ({
        %run_scoped3A = tpu.sem_alloc : memref<!tpu.dma_semaphore, #tpu.memory_space<semaphore_mem>>
        %dma_start3A_79 = arith.constant 0 : i32
        %dma_start3A_80 = tpu.memref_slice %arg11[%mul3A_78, %dma_start3A_79] : memref<10000x32xf32, #tpu.memory_space<vmem_shared>> -> memref<1000x32xf32, #tpu.memory_space<vmem_shared>>
        %dma_start3A_81 = arith.constant 0 : i32
        %dma_start3A_82 = tpu.memref_slice %arg11[%mul3A_78, %dma_start3A_81] : memref<10000x32xf32, #tpu.memory_space<vmem_shared>> -> memref<1000x32xf32, #tpu.memory_space<vmem_shared>>
        tpu.enqueue_dma source(%dma_start3A_82 : memref<1000x32xf32, #tpu.memory_space<vmem_shared>>) target(%arg10 : memref<1000x32xf32, #tpu.memory_space<vmem>>) target_semaphore(%run_scoped3A : memref<!tpu.dma_semaphore, #tpu.memory_space<semaphore_mem>>)
        %dma_wait3A = arith.constant 0 : i32
        %dma_wait3A_83 = tpu.memref_slice %arg11[%mul3A_78, %dma_wait3A] : memref<10000x32xf32, #tpu.memory_space<vmem_shared>> -> memref<1000x32xf32, #tpu.memory_space<vmem_shared>>
        %dma_wait3A_84 = arith.constant 0 : i32
        %dma_wait3A_85 = tpu.memref_slice %arg11[%mul3A_78, %dma_wait3A_84] : memref<10000x32xf32, #tpu.memory_space<vmem_shared>> -> memref<1000x32xf32, #tpu.memory_space<vmem_shared>>
        tpu.wait_dma2 semaphore(%run_scoped3A : memref<!tpu.dma_semaphore, #tpu.memory_space<semaphore_mem>>) src(%dma_wait3A_85 : memref<1000x32xf32, #tpu.memory_space<vmem_shared>>) dst(%arg10 : memref<1000x32xf32, #tpu.memory_space<vmem>>)
        tpu.yield
      }) : () -> ()
      "tpu.region"() ({
        %run_scoped3A = tpu.sem_alloc : memref<!tpu.dma_semaphore, #tpu.memory_space<semaphore_mem>>
        %dma_start3A_79 = arith.constant 0 : i32
        %dma_start3A_80 = arith.constant 0 : i32
        %dma_start3A_81 = tpu.memref_slice %arg6[%arg0, %arg1, %dma_start3A_79, %dma_start3A_80] : memref<2x10x1000x32xf32, #tpu.memory_space<hbm>> -> memref<1x1x1000x32xf32, #tpu.memory_space<hbm>>
        %dma_start3A_82 = tpu.memref_squeeze %dma_start3A_81 : memref<1x1x1000x32xf32, #tpu.memory_space<hbm>> -> memref<1000x32xf32, #tpu.memory_space<hbm>>
        %dma_start3A_83 = arith.constant 0 : i32
        %dma_start3A_84 = arith.constant 0 : i32
        %dma_start3A_85 = tpu.memref_slice %arg6[%arg0, %arg1, %dma_start3A_83, %dma_start3A_84] : memref<2x10x1000x32xf32, #tpu.memory_space<hbm>> -> memref<1x1x1000x32xf32, #tpu.memory_space<hbm>>
        %dma_start3A_86 = tpu.memref_squeeze %dma_start3A_85 : memref<1x1x1000x32xf32, #tpu.memory_space<hbm>> -> memref<1000x32xf32, #tpu.memory_space<hbm>>
        tpu.enqueue_dma source(%arg10 : memref<1000x32xf32, #tpu.memory_space<vmem>>) target(%dma_start3A_86 : memref<1000x32xf32, #tpu.memory_space<hbm>>) target_semaphore(%run_scoped3A : memref<!tpu.dma_semaphore, #tpu.memory_space<semaphore_mem>>)
        %dma_wait3A = arith.constant 0 : i32
        %dma_wait3A_87 = arith.constant 0 : i32
        %dma_wait3A_88 = tpu.memref_slice %arg6[%arg0, %arg1, %dma_wait3A, %dma_wait3A_87] : memref<2x10x1000x32xf32, #tpu.memory_space<hbm>> -> memref<1x1x1000x32xf32, #tpu.memory_space<hbm>>
        %dma_wait3A_89 = tpu.memref_squeeze %dma_wait3A_88 : memref<1x1x1000x32xf32, #tpu.memory_space<hbm>> -> memref<1000x32xf32, #tpu.memory_space<hbm>>
        %dma_wait3A_90 = arith.constant 0 : i32
        %dma_wait3A_91 = arith.constant 0 : i32
        %dma_wait3A_92 = tpu.memref_slice %arg6[%arg0, %arg1, %dma_wait3A_90, %dma_wait3A_91] : memref<2x10x1000x32xf32, #tpu.memory_space<hbm>> -> memref<1x1x1000x32xf32, #tpu.memory_space<hbm>>
        %dma_wait3A_93 = tpu.memref_squeeze %dma_wait3A_92 : memref<1x1x1000x32xf32, #tpu.memory_space<hbm>> -> memref<1000x32xf32, #tpu.memory_space<hbm>>
        tpu.wait_dma2 semaphore(%run_scoped3A : memref<!tpu.dma_semaphore, #tpu.memory_space<semaphore_mem>>) src(%arg10 : memref<1000x32xf32, #tpu.memory_space<vmem>>) dst(%dma_wait3A_93 : memref<1000x32xf32, #tpu.memory_space<hbm>>)
        tpu.yield
      }) : () -> ()
    } else {
    }
    return
  }
}

module attributes {stable_mosaic.version = 14 : i64} {
  func.func @_tc_prep_body(%arg0: memref<2x10000x1xf32, #tpu.memory_space<vmem>>, %arg1: memref<10000x128xf32, #tpu.memory_space<vmem>>, %arg2: memref<128x32xf32, #tpu.memory_space<vmem>>, %arg3: memref<10000x1xf32, #tpu.memory_space<vmem>>, %arg4: memref<10000x32xf32, #tpu.memory_space<vmem>>) attributes {dimension_semantics = [], scalar_prefetch = 0 : i64, scratch_operands = 0 : i64, tpu.core_type = #tpu.core_type<tc>} {
    %get3A = arith.constant 0 : index
    %get3A_0 = arith.constant 0 : index
    %get3A_1 = arith.constant 0 : index
    %get3A_2 = vector.load %arg0[%get3A, %get3A_0, %get3A_1] : memref<2x10000x1xf32, #tpu.memory_space<vmem>>, vector<1x10000x1xf32>
    %get3A_3 = vector.shape_cast %get3A_2 : vector<1x10000x1xf32> to vector<10000x1xf32>
    %get3A_4 = arith.constant 1 : index
    %get3A_5 = arith.constant 0 : index
    %get3A_6 = arith.constant 0 : index
    %get3A_7 = vector.load %arg0[%get3A_4, %get3A_5, %get3A_6] : memref<2x10000x1xf32, #tpu.memory_space<vmem>>, vector<1x10000x1xf32>
    %get3A_8 = vector.shape_cast %get3A_7 : vector<1x10000x1xf32> to vector<10000x1xf32>
    %add3A = arith.addf %get3A_3, %get3A_8 : vector<10000x1xf32>
    %add3A_9 = arith.constant 1.000000e+00 : f32
    %add3A_10 = vector.broadcast %add3A_9 : f32 to vector<10000x1xf32>
    %add3A_11 = arith.addf %add3A, %add3A_10 : vector<10000x1xf32>
    %rsqrt3A = math.rsqrt %add3A_11 : vector<10000x1xf32>
    %swap3A = arith.constant 0 : index
    %swap3A_12 = arith.constant 0 : index
    %swap3A_13 = vector.load %arg3[%swap3A, %swap3A_12] : memref<10000x1xf32, #tpu.memory_space<vmem>>, vector<10000x1xf32>
    tpu.vector_store %arg3[%swap3A, %swap3A_12], %rsqrt3A {strides = array<i32>} : memref<10000x1xf32, #tpu.memory_space<vmem>>, vector<10000x1xf32>,
    %get3A_14 = arith.constant 0 : index
    %get3A_15 = arith.constant 0 : index
    %get3A_16 = vector.load %arg1[%get3A_14, %get3A_15] : memref<10000x128xf32, #tpu.memory_space<vmem>>, vector<10000x128xf32>
    %mul3A = vector.broadcast %rsqrt3A : vector<10000x1xf32> to vector<10000x128xf32>
    %mul3A_17 = arith.mulf %get3A_16, %mul3A : vector<10000x128xf32>
    %get3A_18 = arith.constant 0 : index
    %get3A_19 = arith.constant 0 : index
    %get3A_20 = vector.load %arg2[%get3A_18, %get3A_19] : memref<128x32xf32, #tpu.memory_space<vmem>>, vector<128x32xf32>
    %dot_general3A = arith.constant dense<0.000000e+00> : vector<10000x32xf32>
    %dot_general3A_21 = tpu.matmul %mul3A_17, %get3A_20, %dot_general3A {dimension_numbers = #tpu.dot_dimension_numbers<[1], [0], [0], [1], [0, 0, 1, 1], [], []>, transpose_lhs_hint = false} : vector<10000x128xf32>, vector<128x32xf32>, vector<10000x32xf32> -> vector<10000x32xf32>
    %swap3A_22 = arith.constant 0 : index
    %swap3A_23 = arith.constant 0 : index
    %swap3A_24 = vector.load %arg4[%swap3A_22, %swap3A_23] : memref<10000x32xf32, #tpu.memory_space<vmem>>, vector<10000x32xf32>
    tpu.vector_store %arg4[%swap3A_22, %swap3A_23], %dot_general3A_21 {strides = array<i32>} : memref<10000x32xf32, #tpu.memory_space<vmem>>, vector<10000x32xf32>,
    return
  }
}

module attributes {stable_mosaic.version = 14 : i64} {
  func.func @_tc_mid_body(%arg0: memref<2x10000x32xf32, #tpu.memory_space<vmem>>, %arg1: memref<10000x32xf32, #tpu.memory_space<vmem>>, %arg2: memref<10000x1xf32, #tpu.memory_space<vmem>>, %arg3: memref<1x32xf32, #tpu.memory_space<vmem>>, %arg4: memref<1x32xf32, #tpu.memory_space<vmem>>, %arg5: memref<1x32xf32, #tpu.memory_space<vmem>>, %arg6: memref<1x32xf32, #tpu.memory_space<vmem>>, %arg7: memref<1x32xf32, #tpu.memory_space<vmem>>, %arg8: memref<10000x32xf32, #tpu.memory_space<vmem>>) attributes {dimension_semantics = [], scalar_prefetch = 0 : i64, scratch_operands = 0 : i64, tpu.core_type = #tpu.core_type<tc>} {
    %get3A = arith.constant 0 : index
    %get3A_0 = arith.constant 0 : index
    %get3A_1 = vector.load %arg2[%get3A, %get3A_0] : memref<10000x1xf32, #tpu.memory_space<vmem>>, vector<10000x1xf32>
    %get3A_2 = arith.constant 0 : index
    %get3A_3 = arith.constant 0 : index
    %get3A_4 = arith.constant 0 : index
    %get3A_5 = vector.load %arg0[%get3A_2, %get3A_3, %get3A_4] : memref<2x10000x32xf32, #tpu.memory_space<vmem>>, vector<1x10000x32xf32>
    %get3A_6 = vector.shape_cast %get3A_5 : vector<1x10000x32xf32> to vector<10000x32xf32>
    %get3A_7 = arith.constant 1 : index
    %get3A_8 = arith.constant 0 : index
    %get3A_9 = arith.constant 0 : index
    %get3A_10 = vector.load %arg0[%get3A_7, %get3A_8, %get3A_9] : memref<2x10000x32xf32, #tpu.memory_space<vmem>>, vector<1x10000x32xf32>
    %get3A_11 = vector.shape_cast %get3A_10 : vector<1x10000x32xf32> to vector<10000x32xf32>
    %add3A = arith.addf %get3A_6, %get3A_11 : vector<10000x32xf32>
    %get3A_12 = arith.constant 0 : index
    %get3A_13 = arith.constant 0 : index
    %get3A_14 = vector.load %arg1[%get3A_12, %get3A_13] : memref<10000x32xf32, #tpu.memory_space<vmem>>, vector<10000x32xf32>
    %add3A_15 = arith.addf %add3A, %get3A_14 : vector<10000x32xf32>
    %mul3A = vector.broadcast %get3A_1 : vector<10000x1xf32> to vector<10000x32xf32>
    %mul3A_16 = arith.mulf %mul3A, %add3A_15 : vector<10000x32xf32>
    %get3A_17 = arith.constant 0 : index
    %get3A_18 = arith.constant 0 : index
    %get3A_19 = vector.load %arg3[%get3A_17, %get3A_18] : memref<1x32xf32, #tpu.memory_space<vmem>>, vector<1x32xf32>
    %add3A_20 = vector.broadcast %get3A_19 : vector<1x32xf32> to vector<10000x32xf32>
    %add3A_21 = arith.addf %mul3A_16, %add3A_20 : vector<10000x32xf32>
    %get3A_22 = arith.constant 0 : index
    %get3A_23 = arith.constant 0 : index
    %get3A_24 = vector.load %arg4[%get3A_22, %get3A_23] : memref<1x32xf32, #tpu.memory_space<vmem>>, vector<1x32xf32>
    %get3A_25 = arith.constant 0 : index
    %get3A_26 = arith.constant 0 : index
    %get3A_27 = vector.load %arg7[%get3A_25, %get3A_26] : memref<1x32xf32, #tpu.memory_space<vmem>>, vector<1x32xf32>
    %add3A_28 = arith.constant 9.99999974E-6 : f32
    %add3A_29 = vector.broadcast %add3A_28 : f32 to vector<1x32xf32>
    %add3A_30 = arith.addf %get3A_27, %add3A_29 : vector<1x32xf32>
    %rsqrt3A = math.rsqrt %add3A_30 : vector<1x32xf32>
    %mul3A_31 = arith.mulf %get3A_24, %rsqrt3A : vector<1x32xf32>
    %get3A_32 = arith.constant 0 : index
    %get3A_33 = arith.constant 0 : index
    %get3A_34 = vector.load %arg6[%get3A_32, %get3A_33] : memref<1x32xf32, #tpu.memory_space<vmem>>, vector<1x32xf32>
    %sub3A = vector.broadcast %get3A_34 : vector<1x32xf32> to vector<10000x32xf32>
    %sub3A_35 = arith.subf %add3A_21, %sub3A : vector<10000x32xf32>
    %mul3A_36 = vector.broadcast %mul3A_31 : vector<1x32xf32> to vector<10000x32xf32>
    %mul3A_37 = arith.mulf %sub3A_35, %mul3A_36 : vector<10000x32xf32>
    %get3A_38 = arith.constant 0 : index
    %get3A_39 = arith.constant 0 : index
    %get3A_40 = vector.load %arg5[%get3A_38, %get3A_39] : memref<1x32xf32, #tpu.memory_space<vmem>>, vector<1x32xf32>
    %add3A_41 = vector.broadcast %get3A_40 : vector<1x32xf32> to vector<10000x32xf32>
    %add3A_42 = arith.addf %mul3A_37, %add3A_41 : vector<10000x32xf32>
    %max3A = arith.constant 0.000000e+00 : f32
    %max3A_43 = vector.broadcast %max3A : f32 to vector<10000x32xf32>
    %max3A_44 = arith.maximumf %add3A_42, %max3A_43 : vector<10000x32xf32>
    %mul3A_45 = vector.broadcast %get3A_1 : vector<10000x1xf32> to vector<10000x32xf32>
    %mul3A_46 = arith.mulf %mul3A_45, %max3A_44 : vector<10000x32xf32>
    %swap3A = arith.constant 0 : index
    %swap3A_47 = arith.constant 0 : index
    %swap3A_48 = vector.load %arg8[%swap3A, %swap3A_47] : memref<10000x32xf32, #tpu.memory_space<vmem>>, vector<10000x32xf32>
    tpu.vector_store %arg8[%swap3A, %swap3A_47], %mul3A_46 {strides = array<i32>} : memref<10000x32xf32, #tpu.memory_space<vmem>>, vector<10000x32xf32>,
    return
  }
}

module attributes {stable_mosaic.version = 14 : i64} {
  func.func @_tc_out_body(%arg0: memref<2x10000x32xf32, #tpu.memory_space<vmem>>, %arg1: memref<10000x32xf32, #tpu.memory_space<vmem>>, %arg2: memref<10000x1xf32, #tpu.memory_space<vmem>>, %arg3: memref<32x128xf32, #tpu.memory_space<vmem>>, %arg4: memref<1x128xf32, #tpu.memory_space<vmem>>, %arg5: memref<10000x128xf32, #tpu.memory_space<vmem>>) attributes {dimension_semantics = [], scalar_prefetch = 0 : i64, scratch_operands = 0 : i64, tpu.core_type = #tpu.core_type<tc>} {
    %get3A = arith.constant 0 : index
    %get3A_0 = arith.constant 0 : index
    %get3A_1 = vector.load %arg2[%get3A, %get3A_0] : memref<10000x1xf32, #tpu.memory_space<vmem>>, vector<10000x1xf32>
    %get3A_2 = arith.constant 0 : index
    %get3A_3 = arith.constant 0 : index
    %get3A_4 = arith.constant 0 : index
    %get3A_5 = vector.load %arg0[%get3A_2, %get3A_3, %get3A_4] : memref<2x10000x32xf32, #tpu.memory_space<vmem>>, vector<1x10000x32xf32>
    %get3A_6 = vector.shape_cast %get3A_5 : vector<1x10000x32xf32> to vector<10000x32xf32>
    %get3A_7 = arith.constant 1 : index
    %get3A_8 = arith.constant 0 : index
    %get3A_9 = arith.constant 0 : index
    %get3A_10 = vector.load %arg0[%get3A_7, %get3A_8, %get3A_9] : memref<2x10000x32xf32, #tpu.memory_space<vmem>>, vector<1x10000x32xf32>
    %get3A_11 = vector.shape_cast %get3A_10 : vector<1x10000x32xf32> to vector<10000x32xf32>
    %add3A = arith.addf %get3A_6, %get3A_11 : vector<10000x32xf32>
    %get3A_12 = arith.constant 0 : index
    %get3A_13 = arith.constant 0 : index
    %get3A_14 = vector.load %arg1[%get3A_12, %get3A_13] : memref<10000x32xf32, #tpu.memory_space<vmem>>, vector<10000x32xf32>
    %add3A_15 = arith.addf %add3A, %get3A_14 : vector<10000x32xf32>
    %mul3A = vector.broadcast %get3A_1 : vector<10000x1xf32> to vector<10000x32xf32>
    %mul3A_16 = arith.mulf %mul3A, %add3A_15 : vector<10000x32xf32>
    %get3A_17 = arith.constant 0 : index
    %get3A_18 = arith.constant 0 : index
    %get3A_19 = vector.load %arg3[%get3A_17, %get3A_18] : memref<32x128xf32, #tpu.memory_space<vmem>>, vector<32x128xf32>
    %dot_general3A = arith.constant dense<0.000000e+00> : vector<10000x128xf32>
    %dot_general3A_20 = tpu.matmul %mul3A_16, %get3A_19, %dot_general3A {dimension_numbers = #tpu.dot_dimension_numbers<[1], [0], [0], [1], [0, 0, 1, 1], [], []>, transpose_lhs_hint = false} : vector<10000x32xf32>, vector<32x128xf32>, vector<10000x128xf32> -> vector<10000x128xf32>
    %get3A_21 = arith.constant 0 : index
    %get3A_22 = arith.constant 0 : index
    %get3A_23 = vector.load %arg4[%get3A_21, %get3A_22] : memref<1x128xf32, #tpu.memory_space<vmem>>, vector<1x128xf32>
    %add3A_24 = vector.broadcast %get3A_23 : vector<1x128xf32> to vector<10000x128xf32>
    %add3A_25 = arith.addf %dot_general3A_20, %add3A_24 : vector<10000x128xf32>
    %swap3A = arith.constant 0 : index
    %swap3A_26 = arith.constant 0 : index
    %swap3A_27 = vector.load %arg5[%swap3A, %swap3A_26] : memref<10000x128xf32, #tpu.memory_space<vmem>>, vector<10000x128xf32>
    tpu.vector_store %arg5[%swap3A, %swap3A_26], %add3A_25 {strides = array<i32>} : memref<10000x128xf32, #tpu.memory_space<vmem>>, vector<10000x128xf32>,
    return
  }
}

</mosaic_0001>

<sc_bundles>
// kernel: kernel.11.cloned.1.call-start
scs
__scs_entry_jumppad:
0x0: {  	(pc) =	sbr.rel $0x88, $3  }
0x1: {  	(tag) =	ssettag $0x0;
	lr =	simm.s32 $0x1  }
0x2: {  	[smem:$0x3F97] =	sst lr;
	_ =	strace $0xD0000000  }
0x3: {  	_ = 	snop  }
0x4: {  	_ = 	snop  }
0x5: {  	_ = 	snop  }
0x6: {  	_ = 	snop  }
0x7: {  	_ = 	snop  }
__scs_overlays_trampoline_lowered:
0x8: {  	[smem:$0x3FA6] =	sst s0  }
0x9: {  	[smem:$0x3FA7] =	sst s1  }
0xa: {  	[smem:$0x3FA8] =	sst s2  }
0xb: {  	[smem:$0x3FA9] =	sst s3  }
0xc: {  	[smem:$0x3FAA] =	sst s4  }
0xd: {  	[smem:$0x3FAB] =	sst s5  }
0xe: {  	[smem:$0x3FAC] =	sst s6  }
0xf: {  	[smem:$0x3FAD] =	sst s7  }
0x10: {  	[smem:$0x3FAE] =	sst s8  }
0x11: {  	[smem:$0x3FAF] =	sst s9;
	s0 =	simm.s32 @!p0 $0x0  }
0x12: {  	s1 =	sld [smem:$0x3F95];
	s0 =	simm.s32 @p0 $0x1  }
0x13: {  	[smem:$0x3FB0] =	sst s0;
	s0 =	simm.s32 @!p1 $0x0  }
0x14: {  	s2 =	sld [smem:$0x3F94];
	s0 =	simm.s32 @p1 $0x1  }
0x15: {  	[smem:$0x3FB1] =	sst s0;
	s0 =	simm.s32 @!p2 $0x0  }
0x16: {  	s3 =	sld [smem:$0x3FDB];
	s0 =	simm.s32 @p2 $0x1  }
0x17: {  	s4 =	simm.s32 $0x1BF5;
	[smem:$0x3FB3] =	sst s0  }
0x18: {  	s0 =	sld [smem:$0x3F96];
	_ =	swait.ge [sflag:s4], $0x0  }
0x19: {  	s7 =	sld [smem:$0x3F97]  }
0x1a: {  	s8 =	sadd.s32 $0xFFFFE003, lr  }
0x1b: {  	s9 =	sadd.s32 $0xFFFFFEF7, lr;
	s5 =	simm.s32 $0xFFFFFFFF;
	p2 =	slt.u32 s8, $0xFFFFF086  }
0x1c: {  	p1 =	slt.u32 s9, $0xF7A;
	s5 =	simm.s32 @!p2 $0x0  }
0x1d: {  	s5 =	simm.s32 @p1 $0x1;
	p0 =	seq.s32 s7, s2  }
0x1e: {  	s7 =	smul.u32 @!p0 $0xF7A, s2;
	p2 =	seq.s32 @!p0 s5, $0x0  }
0x1f: {  	s9 =	smul.u32 $0xF7A, s1;
	s8 =	simm.s32 @!p0 $0x1BF5;
	p2 =	por !p2, p0  }
0x20: {  	[sflag:s8] =	ssyncset.s32 @!p0 $0xFFFFF086;
	s6 =	sadd.s32 @!p0 s3, s7;
	s7 =	simm.s32 @!p0 $0x108  }
0x21: {  	s3 =	sadd.s32 s3, s9;
	s6 =	sadd.s32 @!p0 $0x88, s6;
	s7 =	simm.s32 @p2 $0x1082  }
0x22: {  	[simem:s7], [sflag:s8] =	dma.local @!p0 [hbm:s6], $0xF7A  }
0x23: {  	s9 =	sor.u32 $0xD0000000, s2;
	s6 =	simm.s32 $0x108;
	_ =	swait.ge @!p0 [sflag:s8], $0x0  }
0x24: {  	s3 =	sadd.s32 $0x88, s3;
	s6 =	simm.s32 @!p1 $0x1082;
	[sflag:s4] =	ssyncset.s32 $0xFFFFF086  }
0x25: {  	[simem:s6], [sflag:s4] =	dma.local [hbm:s3], $0xF7A  }
0x26: {  	[smem:$0x3F97] =	sst s1;
	(tag) =	ssettag s2;
	_ =	strace s9  }
0x27: {  	s1 =	sld [smem:$0x3FA7]  }
0x28: {  	s2 =	sld [smem:$0x3FA8]  }
0x29: {  	s4 =	sld [smem:$0x3FAA]  }
0x2a: {  	p0 =	seq.s32 s5, $0x0;
	s5 =	sld [smem:$0x3FAB]  }
0x2b: {  	s6 =	sld [smem:$0x3FAC]  }
0x2c: {  	s7 =	sld [smem:$0x3FAD]  }
0x2d: {  	s3 =	simm.s32 $0x108;
	s8 =	sld [smem:$0x3FAE]  }
0x2e: {  	s3 =	simm.s32 @!p0 $0x1082;
	s9 =	sld [smem:$0x3FAF]  }
0x2f: {  	lr =	sadd.s32 s0, s3;
	s0 =	sld [smem:$0x3FA6]  }
0x30: {  	s3 =	sld [smem:$0x3FA9]  }
0x31: {  	[smem:$0x3FB2] =	sst s10  }
0x32: {  	s10 =	sld [smem:$0x3FB0];
	_ =	sdelay $0x3  }
0x33: {  	p0 =	seq.s32 s10, $0x1;
	s10 =	sld [smem:$0x3FB2];
	_ =	sdelay $0x3  }
0x34: {  	[smem:$0x3FB2] =	sst s10  }
0x35: {  	s10 =	sld [smem:$0x3FB1];
	_ =	sdelay $0x3  }
0x36: {  	p1 =	seq.s32 s10, $0x1;
	s10 =	sld [smem:$0x3FB2];
	_ =	sdelay $0x3  }
0x37: {  	[smem:$0x3FB2] =	sst s10  }
0x38: {  	s10 =	sld [smem:$0x3FB3]  }
0x39: {  	_ = 	snop;
	(pc) =	sbr.ind lr, $3  }
0x3a: {  	_ = 	snop  }
0x3b: {  	_ = 	snop  }
0x3c: {  	p2 =	seq.s32 s10, $0x1;
	s10 =	sld [smem:$0x3FB2]  }
0x3d: {  	_ =	shalt  }
0x3e: {  	_ =	shalt  }
0x3f: {  	_ =	shalt  }
0x40: {  	_ =	shalt  }
0x41: {  	_ =	shalt  }
0x42: {  	_ =	shalt  }
0x43: {  	_ =	shalt  }
0x44: {  	_ =	shalt  }
0x45: {  	_ =	shalt  }
0x46: {  	_ =	shalt  }
0x47: {  	_ =	shalt  }
0x48: {  	_ =	shalt  }
0x49: {  	_ =	shalt  }
0x4a: {  	_ =	shalt  }
0x4b: {  	_ =	shalt  }
0x4c: {  	_ =	shalt  }
0x4d: {  	_ =	shalt  }
0x4e: {  	_ =	shalt  }
0x4f: {  	_ =	shalt  }
0x50: {  	_ =	shalt  }
0x51: {  	_ =	shalt  }
0x52: {  	_ =	shalt  }
0x53: {  	_ =	shalt  }
0x54: {  	_ =	shalt  }
0x55: {  	_ =	shalt  }
0x56: {  	_ =	shalt  }
0x57: {  	_ =	shalt  }
0x58: {  	_ =	shalt  }
0x59: {  	_ =	shalt  }
0x5a: {  	_ =	shalt  }
0x5b: {  	_ =	shalt  }
0x5c: {  	_ =	shalt  }
0x5d: {  	_ =	shalt  }
0x5e: {  	_ =	shalt  }
0x5f: {  	_ =	shalt  }
0x60: {  	_ =	shalt  }
0x61: {  	_ =	shalt  }
0x62: {  	_ =	shalt  }
0x63: {  	_ =	shalt  }
0x64: {  	_ =	shalt  }
0x65: {  	_ =	shalt  }
0x66: {  	_ =	shalt  }
0x67: {  	_ =	shalt  }
0x68: {  	_ =	shalt  }
0x69: {  	_ =	shalt  }
0x6a: {  	_ =	shalt  }
0x6b: {  	_ =	shalt  }
0x6c: {  	_ =	shalt  }
0x6d: {  	_ =	shalt  }
0x6e: {  	_ =	shalt  }
0x6f: {  	_ =	shalt  }
0x70: {  	_ =	shalt  }
0x71: {  	_ =	shalt  }
0x72: {  	_ =	shalt  }
0x73: {  	_ =	shalt  }
0x74: {  	_ =	shalt  }
0x75: {  	_ =	shalt  }
0x76: {  	_ =	shalt  }
0x77: {  	_ =	shalt  }
0x78: {  	_ =	shalt  }
0x79: {  	_ =	shalt  }
0x7a: {  	_ =	shalt  }
0x7b: {  	_ =	shalt  }
0x7c: {  	_ =	shalt  }
0x7d: {  	_ =	shalt  }
0x7e: {  	_ =	shalt  }
0x7f: {  	_ =	shalt  }
0x80: {  	_ =	shalt  }
0x81: {  	_ =	shalt  }
0x82: {  	_ =	shalt  }
0x83: {  	_ =	shalt  }
0x84: {  	_ =	shalt  }
0x85: {  	_ =	shalt  }
0x86: {  	_ =	shalt  }
0x87: {  	_ =	shalt  }
.Lfunc_end0:
.L_simem_size_0:
called_computation.1_lowered:
.L_overlay_start_0:
0x88: {  	s2 =	sld [smem:$0x3FD9]  }
0x89: {  	s3 =	sld [smem:$0x3FFE];
	_ =	sdelay $0x1  }
0x8a: {  	s1 =	srdreg.scid  }
0x8b: {  	s0 =	sand.u32 $0x1, s1  }
0x8c: {  	s17 =	sshll.u32 s0, $0xA;
	s2 =	sadd.s32 s3, s2  }
0x8d: {  	s2 =	sadd.s32 s2, s17  }
0x8e: {  	[smem:$0x3FBE] =	sst s2  }
0x8f: {  	_ = 	snop  }
0x90: {  	s2 =	sld [smem:$0x3FD0];
	(tm) =	ssettm $0x1  }
0x91: {  	s18 =	sld [smem:$0x3FFB];
	_ =	sdelay $0x3  }
0x92: {  	_ =	strace s18  }
0x93: {  	s3 =	sld [smem:$0x3FFC];
	_ =	sdelay $0x3  }
0x94: {  	_ =	strace s3  }
0x95: {  	s3 =	sld [smem:$0x3FFD];
	_ =	sdelay $0x3  }
0x96: {  	_ =	strace s3  }
0x97: {  	_ =	strace $0x8FFFFFFF  }
0x98: {  	s19 =	sld [smem:$0x3FDB];
	_ =	sdelay $0x1  }
0x99: {  	s4 =	simm.s32 $_scs_section_size  }
0x9a: {  	s5 =	simm.s32 $_size__tile_overlayer_lowered;
	s6 =	simm.s32 $_tile_overlayer_lowered  }
0x9b: {  	s22 =	simm.s32 $0x1BFF;
	s21 =	sshll.u32 s6, $0x1;
	s3 =	sadd.s32 s4, s19  }
0x9c: {  	s7 =	simm.s32 $0x0;
	s20 =	sshll.u32 s5, $0x1;
	s5 =	sadd.s32 s21, s3  }
0x9d: {  	[timem:s7], [sflag:s22] =	dma.local [hbm:s5], s20  }
0x9e: {  	_ =	swait.ge [sflag:s22], s20  }
0x9f: {  	s4 =	ssub.s32 $0x0, s20;
	[sflag:s22] =	ssyncset.done $0x0  }
0xa0: {  	[sflag:s22] =	ssyncadd.s32 s4;
	_ =	sdelay $0x1  }
0xa1: {  	s23 =	simm.s32 $0x1B8B  }
0xa2: {  	_ =	swait.ge [sflag:s23], $0x1  }
0xa3: {  	[sflag:s23] =	ssyncset.done $0x0  }
0xa4: {  	s25 =	simm.s32 $0x1B8E;
	s24 =	sld [smem:$0x3FFE];
	[sflag:s23] =	ssyncadd.s32 $0xFFFFFFFF  }
0xa5: {  	s26 =	simm.s32 $execute0_lowered;
	[smem:$0x3FD2] =	sst s25  }
0xa6: {  	s5 =	sshll.u32 s26, $0x1;
	_ =	strace $0x80000049;
	[dreg:$0x1] =	wrdreg $0xFFFFFFFF  }
0xa7: {  	s28 =	simm.s32 $_size_execute0_lowered;
	s3 =	sadd.s32 s3, s5;
	[dreg:$0x0] =	wrdreg $0x0  }
0xa8: {  	s5 =	sshll.u32 s28, $0x1;
	[dreg:$0x2] =	wrdreg s3  }
0xa9: {  	[dreg:$0x3] =	wrdreg s5  }
0xaa: {  	[dreg:$0x4] =	wrdreg $0xC0  }
0xab: {  	_ =	task [dreg:s7], $0x5FFFF  }
0xac: {  	[dreg:$0x1] =	wrdreg $0xFFFFFFFF  }
0xad: {  	[dreg:$0x0] =	wrdreg $0x60  }
0xae: {  	[dreg:$0x2] =	wrdreg s24  }
0xaf: {  	[dreg:$0x3] =	wrdreg s2  }
0xb0: {  	[dreg:$0x4] =	wrdreg $0xFD200  }
0xb1: {  	[dreg:$0x5] =	wrdreg $0x9  }
0xb2: {  	_ =	task.clear_ibuf [dreg:s7], $0x6FFFF;
	_ =	strace $0x90000049  }
0xb3: {  	s29 =	simm.s32 $0x9;
	_ =	strace $0x8000004B  }
0xb4: {  	_ =	swait.ge [sflag:s29], $0x1  }
0xb5: {  	[sflag:s29] =	ssyncadd.s32 $0xFFFFFFFF  }
0xb6: {  	_ =	strace $0x9000004B  }
0xb7: {  	_ =	sfence  }
0xb8: {  	s30 =	sld [smem:$0x0];
	_ =	sdelay $0x2  }
0xb9: {  	s31 =	sshll.u32 s1, $0xD;
	s1 =	sshrl.u32 s1, $0x2  }
0xba: {  	s3 =	sand.u32 $0x4000, s31;
	s1 =	sadd.s32 s1, s30  }
0xbb: {  	s0 =	sor.u32 s3, s0;
	s1 =	sshll.u32 s1, $0x11  }
0xbc: {  	s0 =	sor.u32 s1, s0  }
0xbd: {  	s0 =	sadd.s32 $0x8F2B, s0  }
0xbe: {  	[sflag:s0] =	ssyncadd.remote.s32 $0x1  }
0xbf: {  	_ =	sfence.sel $0xFFFF  }
0xc0: {  	[dreg:$0x0] =	wrdreg $0xFFFFFFFF;
	(pc) =	sbr.abs _section_cstart, $3  }
0xc1: {  	[dreg:$0x1] =	wrdreg $0xFFFFFFFF  }
0xc2: {  	_ =	task.clear_ibuf [dreg:s7], $0x2FFFF;
	_ =	strace $0x9FFFFFFF  }
0xc3: {  	(tm) =	ssettm $0x7FFFFFFF  }
tec
execute0_lowered:
.L_overlay_start_1:
0x0: {  	(tag) =	ssettag $0x1  }
0x1: {  	s0 =	rddreg [dreg:$0x0]  }
0x2: {  	s1 =	srdreg.scid;
	s10 =	rddreg [dreg:$0x1]  }
0x3: {  	s2 =	rddreg [dreg:$0x2];
	s12 =	stileid.u32;
	s3 =	simm.s32 $0x0  }
0x4: {  	s14 =	simm.s32 $0x50;
	s15 =	simm.s32 $0x4E20;
	s16 =	simm.s32 $0x5820  }
0x5: {  	s18 =	simm.s32 $0x6220;
	s20 =	simm.s32 $0x6C20;
	s22 =	simm.s32 $0x7620  }
0x6: {  	s28 =	simm.s32 $0x5;
	s29 =	simm.s32 $0x4C90;
	s30 =	simm.s32 $0x4CE0  }
0x7: {  	s31 =	simm.s32 $0x4D30;
	s13 =	simm.s32 $0x0;
	s7 =	smul.u32 $0x7D00, s12  }
0x8: {  	s1 =	sand.u32 $0x1, s1;
	[smem:$0x7FF] =	sst s3;
	s24 =	smul.u32 $0x1F400, s12  }
0x9: {  	p0 =	sgt.u32 s12, $0x9;
	s4 =	sshll.u32 s1, $0x4;
	_ =	strace $0x8000004A  }
0xa: {  	s23 =	ssub.s32 $0x2, s1;
	s1 =	smul.u32 $0x4E200, s1;
	s4 =	sor.u32 s12, s4  }
0xb: {  	s6 =	sshrl.u32 s7, $0x3;
	s9 =	sshrl.u32 s23, $0x1;
	s26 =	sshrl.u32 s24, $0x2  }
0xc: {  	s12 =	simm.s32 $0x6;
	s24 =	simm.s32 $0x2;
	s5 =	smul.u32 $0x4E2, s4  }
0xd: {  	s4 =	sadd.s32 $0x15A00, s0;
	s11 =	ssub.s32 s23, s9;
	s25 =	sadd.s32 s7, s1  }
0xe: {  	s9 =	sadd.s32 s26, s2;
	s23 =	simm.s32 $0x1;
	s26 =	simm.s32 $0x4  }
0xf: {  	s1 =	simm.s32 $0x4DD0;
	s8 =	sadd.s32 s5, s0;
	s0 =	sadd.s32 s6, s0  }
0x10: {  	s11 =	smax.u32 s11, $0x1;
	s6 =	sadd.s32 s7, s2;
	s5 =	sadd.s32 $0x1F800, s0  }
0x11: {  	s7 =	sadd.s32 $0x1E00, s8;
	s0 =	sshrl.u32 s25, $0x3;
	s8 =	sadd.s32 $0xBC00, s8  }
0x12: {  	s25 =	simm.s32 $0x3;
	s10 =	sadd.s32 s10, s0;
	s0 =	simm.s32 $0x4D80  }
.LBB2_1:
0x13: {  	s17 =	simm.s32 @!p0 $0x0;
	s19 =	simm.s32 @!p0 $0x8020  }
0x14: {  	[tilespmem:s19], [sflag:$0x6] =	stream.linear.gather @!p0 [hbm4b:s5+s17], $0x7D00, $0x38;
	[tilespmem:$0x14B40] =	vst v63  }
0x15: {  	s17 =	simm.s32 @!p0 $0x6  }
0x16: {  	_ =	swait.ge @!p0 [sflag:s17], $0x7D00  }
0x17: {  	[sflag:s17] =	ssyncset.done @!p0 $0x0  }
0x18: {  	[sflag:s17] =	ssyncadd.s32 @!p0 $0xFFFF8300  }
0x19: {  	[spmem:s6] =	stream.linear.scatter @!p0 [tilespmem:s19], [sflag:$0x6], $0x7D00, $0x38;
	[tilespmem:$0x14B40] =	vst v63  }
0x1a: {  	_ =	swait.ge @!p0 [sflag:s17], $0x7D00  }
0x1b: {  	[sflag:s17] =	ssyncset.done @!p0 $0x0  }
0x1c: {  	[sflag:s17] =	ssyncadd.s32 @!p0 $0xFFFF8300  }
0x1d: {  	[tilespmem:s3], [sflag:$0x6] =	stream.linear.gather [hbm4b:s7+s3], $0x2710, $0x38;
	[tilespmem:$0x14B40] =	vst v63  }
0x1e: {  	_ =	swait.ge [sflag:s12], $0x2710  }
0x1f: {  	[sflag:s12] =	ssyncset.done $0x0  }
0x20: {  	s21 =	simm.s32 $0x2710;
	[sflag:s12] =	ssyncadd.s32 $0xFFFFD8F0  }
0x21: {  	[tilespmem:s21], [sflag:$0x6] =	stream.linear.gather [hbm4b:s8+s3], $0x2710, $0x38;
	[tilespmem:$0x14B40] =	vst v63  }
0x22: {  	_ =	swait.ge [sflag:s12], $0x2710  }
0x23: {  	[sflag:s12] =	ssyncset.done $0x0  }
0x24: {  	[sflag:s12] =	ssyncadd.s32 $0xFFFFD8F0  }
0x25: {  	[bflag:$0x0] =	sbarrier.arrive $0xFFFF  }
0x26: {  	[tilespmem:s15], [sflag:$0x1] =	stream.indirect.gather [hbm4b:s4+s14], $0x20, s3, s14, $0xb8;
	[tilespmem:$0x14B40] =	vst v63  }
0x27: {  	_ = 	snop  }
0x28: {  	[tilespmem:s16], [sflag:$0x2] =	stream.indirect.gather [hbm4b:s4+s14], $0x20, s14, s14, $0xb8;
	[tilespmem:$0x14B40] =	vst v63  }
0x29: {  	s19 =	simm.s32 $0xA0  }
0x2a: {  	[tilespmem:s18], [sflag:$0x3] =	stream.indirect.gather [hbm4b:s4+s14], $0x20, s19, s14, $0xb8;
	[tilespmem:$0x14B40] =	vst v63  }
0x2b: {  	s21 =	simm.s32 $0xF0  }
0x2c: {  	[tilespmem:s20], [sflag:$0x4] =	stream.indirect.gather [hbm4b:s4+s14], $0x20, s21, s14, $0xb8;
	[tilespmem:$0x14B40] =	vst v63  }
0x2d: {  	s19 =	simm.s32 $0x140  }
0x2e: {  	[tilespmem:s22], [sflag:$0x5] =	stream.indirect.gather [hbm4b:s4+s14], $0x20, s19, s14, $0xb8;
	[tilespmem:$0x14B40] =	vst v63  }
0x2f: {  	_ =	swait.ge [sflag:s23], $0xA00  }
0x30: {  	[sflag:s23] =	ssyncset.done $0x0  }
0x31: {  	s21 =	simm.s32 $0x2710;
	[sflag:s23] =	ssyncadd.s32 $0xFFFFF600  }
0x32: {  	[spmem:s2] =	stream.indirect.scatter.add.f32 [tilespmem:s15], [sflag:$0x6], $0x20, s21, s14, $0xb8;
	[tilespmem:$0x14B40] =	vst v63  }
0x33: {  	_ =	swait.ge [sflag:s12], $0xA00  }
0x34: {  	[sflag:s12] =	ssyncset.done $0x0  }
0x35: {  	s19 =	simm.s32 $0x190;
	[sflag:s12] =	ssyncadd.s32 $0xFFFFF600  }
0x36: {  	[tilespmem:s15], [sflag:$0x1] =	stream.indirect.gather [hbm4b:s4+s14], $0x20, s19, s14, $0xb8;
	[tilespmem:$0x14B40] =	vst v63  }
0x37: {  	_ =	swait.ge [sflag:s24], $0xA00  }
0x38: {  	[sflag:s24] =	ssyncset.done $0x0  }
0x39: {  	s21 =	simm.s32 $0x2760;
	[sflag:s24] =	ssyncadd.s32 $0xFFFFF600  }
0x3a: {  	[spmem:s2] =	stream.indirect.scatter.add.f32 [tilespmem:s16], [sflag:$0x6], $0x20, s21, s14, $0xb8;
	[tilespmem:$0x14B40] =	vst v63  }
0x3b: {  	_ =	swait.ge [sflag:s12], $0xA00  }
0x3c: {  	[sflag:s12] =	ssyncset.done $0x0  }
0x3d: {  	s19 =	simm.s32 $0x1E0;
	[sflag:s12] =	ssyncadd.s32 $0xFFFFF600  }
0x3e: {  	[tilespmem:s16], [sflag:$0x2] =	stream.indirect.gather [hbm4b:s4+s14], $0x20, s19, s14, $0xb8;
	[tilespmem:$0x14B40] =	vst v63  }
0x3f: {  	_ =	swait.ge [sflag:s25], $0xA00  }
0x40: {  	[sflag:s25] =	ssyncset.done $0x0  }
0x41: {  	s21 =	simm.s32 $0x27B0;
	[sflag:s25] =	ssyncadd.s32 $0xFFFFF600  }
0x42: {  	[spmem:s2] =	stream.indirect.scatter.add.f32 [tilespmem:s18], [sflag:$0x6], $0x20, s21, s14, $0xb8;
	[tilespmem:$0x14B40] =	vst v63  }
0x43: {  	_ =	swait.ge [sflag:s12], $0xA00  }
0x44: {  	[sflag:s12] =	ssyncset.done $0x0  }
0x45: {  	s19 =	simm.s32 $0x230;
	[sflag:s12] =	ssyncadd.s32 $0xFFFFF600  }
0x46: {  	[tilespmem:s18], [sflag:$0x3] =	stream.indirect.gather [hbm4b:s4+s14], $0x20, s19, s14, $0xb8;
	[tilespmem:$0x14B40] =	vst v63  }
0x47: {  	_ =	swait.ge [sflag:s26], $0xA00  }
0x48: {  	[sflag:s26] =	ssyncset.done $0x0  }
0x49: {  	s21 =	simm.s32 $0x2800;
	[sflag:s26] =	ssyncadd.s32 $0xFFFFF600  }
0x4a: {  	[spmem:s2] =	stream.indirect.scatter.add.f32 [tilespmem:s20], [sflag:$0x6], $0x20, s21, s14, $0xb8;
	[tilespmem:$0x14B40] =	vst v63  }
0x4b: {  	_ =	swait.ge [sflag:s12], $0xA00  }
0x4c: {  	[sflag:s12] =	ssyncset.done $0x0  }
0x4d: {  	s19 =	simm.s32 $0x280;
	[sflag:s12] =	ssyncadd.s32 $0xFFFFF600  }
0x4e: {  	[tilespmem:s20], [sflag:$0x4] =	stream.indirect.gather [hbm4b:s4+s14], $0x20, s19, s14, $0xb8;
	[tilespmem:$0x14B40] =	vst v63  }
0x4f: {  	_ =	swait.ge [sflag:s28], $0xA00  }
0x50: {  	[sflag:s28] =	ssyncset.done $0x0  }
0x51: {  	s21 =	simm.s32 $0x2850;
	[sflag:s28] =	ssyncadd.s32 $0xFFFFF600  }
0x52: {  	[spmem:s2] =	stream.indirect.scatter.add.f32 [tilespmem:s22], [sflag:$0x6], $0x20, s21, s14, $0xb8;
	[tilespmem:$0x14B40] =	vst v63  }
0x53: {  	_ =	swait.ge [sflag:s12], $0xA00  }
0x54: {  	[sflag:s12] =	ssyncset.done $0x0  }
0x55: {  	s17 =	simm.s32 $0x640;
	s19 =	simm.s32 $0x2D0;
	[sflag:s12] =	ssyncadd.s32 $0xFFFFF600  }
.LBB2_2:
0x56: {  	[tilespmem:s22], [sflag:$0x5] =	stream.indirect.gather [hbm4b:s4+s14], $0x20, s19, s14, $0xb8;
	[tilespmem:$0x14B40] =	vst v63  }
0x57: {  	s19 =	smov.u32 s17  }
0x58: {  	p1 =	sne.s32 s17, $0x8FC0;
	s17 =	sadd.s32 $0x640, s17;
	_ =	swait.ge [sflag:s23], $0xA00  }
0x59: {  	s19 =	sshra.s32 s19, $0x2;
	[sflag:s23] =	ssyncset.done $0x0  }
0x5a: {  	s21 =	sadd.s32 $0x2710, s19;
	[sflag:s23] =	ssyncadd.s32 $0xFFFFF600  }
0x5b: {  	[spmem:s2] =	stream.indirect.scatter.add.f32 [tilespmem:s15], [sflag:$0x6], $0x20, s21, s14, $0xb8;
	[tilespmem:$0x14B40] =	vst v63  }
0x5c: {  	_ =	swait.ge [sflag:s12], $0xA00  }
0x5d: {  	[sflag:s12] =	ssyncset.done $0x0  }
0x5e: {  	s21 =	sadd.s32 $0x190, s19;
	[sflag:s12] =	ssyncadd.s32 $0xFFFFF600  }
0x5f: {  	[tilespmem:s15], [sflag:$0x1] =	stream.indirect.gather [hbm4b:s4+s14], $0x20, s21, s14, $0xb8;
	[tilespmem:$0x14B40] =	vst v63  }
0x60: {  	_ =	swait.ge [sflag:s24], $0xA00  }
0x61: {  	[sflag:s24] =	ssyncset.done $0x0  }
0x62: {  	s21 =	sadd.s32 $0x2760, s19;
	[sflag:s24] =	ssyncadd.s32 $0xFFFFF600  }
0x63: {  	[spmem:s2] =	stream.indirect.scatter.add.f32 [tilespmem:s16], [sflag:$0x6], $0x20, s21, s14, $0xb8;
	[tilespmem:$0x14B40] =	vst v63  }
0x64: {  	_ =	swait.ge [sflag:s12], $0xA00  }
0x65: {  	[sflag:s12] =	ssyncset.done $0x0  }
0x66: {  	s21 =	sadd.s32 $0x1E0, s19;
	[sflag:s12] =	ssyncadd.s32 $0xFFFFF600  }
0x67: {  	[tilespmem:s16], [sflag:$0x2] =	stream.indirect.gather [hbm4b:s4+s14], $0x20, s21, s14, $0xb8;
	[tilespmem:$0x14B40] =	vst v63  }
0x68: {  	_ =	swait.ge [sflag:s25], $0xA00  }
0x69: {  	[sflag:s25] =	ssyncset.done $0x0  }
0x6a: {  	s21 =	sadd.s32 $0x27B0, s19;
	[sflag:s25] =	ssyncadd.s32 $0xFFFFF600  }
0x6b: {  	[spmem:s2] =	stream.indirect.scatter.add.f32 [tilespmem:s18], [sflag:$0x6], $0x20, s21, s14, $0xb8;
	[tilespmem:$0x14B40] =	vst v63  }
0x6c: {  	_ =	swait.ge [sflag:s12], $0xA00  }
0x6d: {  	[sflag:s12] =	ssyncset.done $0x0  }
0x6e: {  	s21 =	sadd.s32 $0x230, s19;
	[sflag:s12] =	ssyncadd.s32 $0xFFFFF600  }
0x6f: {  	[tilespmem:s18], [sflag:$0x3] =	stream.indirect.gather [hbm4b:s4+s14], $0x20, s21, s14, $0xb8;
	[tilespmem:$0x14B40] =	vst v63  }
0x70: {  	_ =	swait.ge [sflag:s26], $0xA00  }
0x71: {  	[sflag:s26] =	ssyncset.done $0x0  }
0x72: {  	s21 =	sadd.s32 $0x2800, s19;
	[sflag:s26] =	ssyncadd.s32 $0xFFFFF600  }
0x73: {  	[spmem:s2] =	stream.indirect.scatter.add.f32 [tilespmem:s20], [sflag:$0x6], $0x20, s21, s14, $0xb8;
	[tilespmem:$0x14B40] =	vst v63  }
0x74: {  	_ =	swait.ge [sflag:s12], $0xA00  }
0x75: {  	[sflag:s12] =	ssyncset.done $0x0  }
0x76: {  	s21 =	sadd.s32 $0x280, s19;
	[sflag:s12] =	ssyncadd.s32 $0xFFFFF600  }
0x77: {  	[tilespmem:s20], [sflag:$0x4] =	stream.indirect.gather [hbm4b:s4+s14], $0x20, s21, s14, $0xb8;
	[tilespmem:$0x14B40] =	vst v63  }
0x78: {  	_ =	swait.ge [sflag:s28], $0xA00  }
0x79: {  	[sflag:s28] =	ssyncset.done $0x0  }
.Ltmp0:
0x7a: {  	s21 =	sadd.s32 $0x2850, s19;
	[sflag:s28] =	ssyncadd.s32 $0xFFFFF600;
	(pc) =	sbr.rel @p1 .LBB2_2-.Ltmp0, $4  }
0x7b: {  	[spmem:s2] =	stream.indirect.scatter.add.f32 [tilespmem:s22], [sflag:$0x6], $0x20, s21, s14, $0xb8;
	[tilespmem:$0x14B40] =	vst v63  }
0x7c: {  	_ =	swait.ge [sflag:s12], $0xA00  }
0x7d: {  	[sflag:s12] =	ssyncset.done $0x0  }
0x7e: {  	s19 =	sadd.s32 $0x2D0, s19;
	[sflag:s12] =	ssyncadd.s32 $0xFFFFF600  }
0x7f: {  	[tilespmem:s22], [sflag:$0x5] =	stream.indirect.gather [hbm4b:s4+s14], $0x20, s19, s14, $0xb8;
	[tilespmem:$0x14B40] =	vst v63  }
0x80: {  	_ =	swait.ge [sflag:s23], $0xA00  }
0x81: {  	[sflag:s23] =	ssyncset.done $0x0  }
0x82: {  	[sflag:s23] =	ssyncadd.s32 $0xFFFFF600  }
0x83: {  	[spmem:s2] =	stream.indirect.scatter.add.f32 [tilespmem:s15], [sflag:$0x6], $0x20, s29, s14, $0xb8;
	[tilespmem:$0x14B40] =	vst v63  }
0x84: {  	_ =	swait.ge [sflag:s12], $0xA00  }
0x85: {  	[sflag:s12] =	ssyncset.done $0x0  }
0x86: {  	[sflag:s12] =	ssyncadd.s32 $0xFFFFF600  }
0x87: {  	_ =	swait.ge [sflag:s24], $0xA00  }
0x88: {  	[sflag:s24] =	ssyncset.done $0x0  }
0x89: {  	[sflag:s24] =	ssyncadd.s32 $0xFFFFF600  }
0x8a: {  	[spmem:s2] =	stream.indirect.scatter.add.f32 [tilespmem:s16], [sflag:$0x6], $0x20, s30, s14, $0xb8;
	[tilespmem:$0x14B40] =	vst v63  }
0x8b: {  	_ =	swait.ge [sflag:s12], $0xA00  }
0x8c: {  	[sflag:s12] =	ssyncset.done $0x0  }
0x8d: {  	[sflag:s12] =	ssyncadd.s32 $0xFFFFF600  }
0x8e: {  	_ =	swait.ge [sflag:s25], $0xA00  }
0x8f: {  	[sflag:s25] =	ssyncset.done $0x0  }
0x90: {  	[sflag:s25] =	ssyncadd.s32 $0xFFFFF600  }
0x91: {  	[spmem:s2] =	stream.indirect.scatter.add.f32 [tilespmem:s18], [sflag:$0x6], $0x20, s31, s14, $0xb8;
	[tilespmem:$0x14B40] =	vst v63  }
0x92: {  	_ =	swait.ge [sflag:s12], $0xA00  }
0x93: {  	[sflag:s12] =	ssyncset.done $0x0  }
0x94: {  	[sflag:s12] =	ssyncadd.s32 $0xFFFFF600  }
0x95: {  	_ =	swait.ge [sflag:s26], $0xA00  }
0x96: {  	[sflag:s26] =	ssyncset.done $0x0  }
0x97: {  	[sflag:s26] =	ssyncadd.s32 $0xFFFFF600  }
0x98: {  	[spmem:s2] =	stream.indirect.scatter.add.f32 [tilespmem:s20], [sflag:$0x6], $0x20, s0, s14, $0xb8;
	[tilespmem:$0x14B40] =	vst v63  }
0x99: {  	_ =	swait.ge [sflag:s12], $0xA00  }
0x9a: {  	[sflag:s12] =	ssyncset.done $0x0  }
0x9b: {  	[sflag:s12] =	ssyncadd.s32 $0xFFFFF600  }
0x9c: {  	_ =	swait.ge [sflag:s28], $0xA00  }
0x9d: {  	[sflag:s28] =	ssyncset.done $0x0  }
0x9e: {  	[sflag:s28] =	ssyncadd.s32 $0xFFFFF600  }
0x9f: {  	[spmem:s2] =	stream.indirect.scatter.add.f32 [tilespmem:s22], [sflag:$0x6], $0x20, s1, s14, $0xb8;
	[tilespmem:$0x14B40] =	vst v63  }
0xa0: {  	_ =	swait.ge [sflag:s12], $0xA00  }
0xa1: {  	[sflag:s12] =	ssyncset.done $0x0  }
0xa2: {  	[sflag:s12] =	ssyncadd.s32 $0xFFFFF600  }
0xa3: {  	s17 =	simm.s32 @!p0 $0x8020;
	s19 =	simm.s32 @!p0 $0x6;
	[bflag:$0x0] =	sbarrier.arrive $0xFFFF  }
0xa4: {  	[tilespmem:s17], [sflag:$0x6] =	stream.linear.gather @!p0 [spmem:s9], $0x7D00, $0x38;
	[tilespmem:$0x14B40] =	vst v63  }
0xa5: {  	s13 =	sadd.s32 $0x1, s13;
	_ =	swait.ge @!p0 [sflag:s19], $0x7D00  }
0xa6: {  	p1 =	sne.s32 s13, s11;
	[sflag:s19] =	ssyncset.done @!p0 $0x0  }
.Ltmp1:
0xa7: {  	s21 =	simm.s32 @!p0 $0x0;
	[sflag:s19] =	ssyncadd.s32 @!p0 $0xFFFF8300;
	(pc) =	sbr.rel @p1 .LBB2_1-.Ltmp1, $4  }
0xa8: {  	[hbm4b:s10+s21] =	stream.linear.scatter @!p0 [tilespmem:s17], [sflag:$0x6], $0x7D00, $0x38;
	[tilespmem:$0x14B40] =	vst v63  }
0xa9: {  	_ =	swait.ge @!p0 [sflag:s19], $0x7D00  }
0xaa: {  	[sflag:s19] =	ssyncset.done @!p0 $0x0  }
0xab: {  	[sflag:s19] =	ssyncadd.s32 @!p0 $0xFFFF8300  }
0xac: {  	_ =	sfence.sel $0x180000  }
0xad: {  	[bflag:$0x0] =	sbarrier.arrive $0xFFFF  }
0xae: {  	_ =	strace $0x9000004A  }
0xaf: {  	s0 =	stileid.u32;
	[bflag:$0x2] =	sbarrier.arrive $0xFFFF  }
0xb0: {  	p0 =	sne.s32 s0, $0x0;
	s0 =	rddreg [dreg:$0x3]  }
0xb1: {  	s0 =	sadd.s32 @!p0 $0x100000, s0  }
0xb2: {  	[sflag:s0] =	ssyncadd.tile.s32 @!p0 $0x1;
	_ =	shalt  }
.Lfunc_end2:
_tile_overlayer_lowered:
.L_overlay_start_2:
0xb3: {  	(tag) =	ssettag $0x2  }
0xb4: {  	s0 =	rddreg [dreg:$0x0];
	s2 =	stileid.u32  }
0xb5: {  	s1 =	rddreg [dreg:$0x1];
	p0 =	sne.s32 s2, $0x0  }
0xb6: {  	s3 =	rddreg [dreg:$0x2];
	[bflag:$0x3] =	sbarrier.arrive $0xFFFF;
	s2 =	simm.s32 @!p0 $0x1C06  }
0xb7: {  	[timem:s3], [sflag:s2] =	dma.local @!p0 [hbm:s0], s1  }
0xb8: {  	s0 =	simm.s32 @!p0 $0x6  }
0xb9: {  	_ =	swait.ge @!p0 [sflag:s0], s1  }
0xba: {  	s1 =	ssub.s32 @!p0 $0x0, s1;
	[sflag:s0] =	ssyncset.done @!p0 $0x0  }
0xbb: {  	[sflag:s0] =	ssyncadd.s32 @!p0 s1  }
0xbc: {  	[bflag:$0x3] =	sbarrier.arrive $0xFFFF  }
0xbd: {  	_ =	shalt  }

// kernel: kernel.14.cloned.1.call-start
scs
__scs_entry_jumppad:
0x0: {  	(pc) =	sbr.rel $0x88, $3  }
0x1: {  	(tag) =	ssettag $0x0;
	lr =	simm.s32 $0x1  }
0x2: {  	[smem:$0x3F97] =	sst lr;
	_ =	strace $0xD0000000  }
0x3: {  	_ = 	snop  }
0x4: {  	_ = 	snop  }
0x5: {  	_ = 	snop  }
0x6: {  	_ = 	snop  }
0x7: {  	_ = 	snop  }
__scs_overlays_trampoline_lowered:
0x8: {  	[smem:$0x3FA6] =	sst s0  }
0x9: {  	[smem:$0x3FA7] =	sst s1  }
0xa: {  	[smem:$0x3FA8] =	sst s2  }
0xb: {  	[smem:$0x3FA9] =	sst s3  }
0xc: {  	[smem:$0x3FAA] =	sst s4  }
0xd: {  	[smem:$0x3FAB] =	sst s5  }
0xe: {  	[smem:$0x3FAC] =	sst s6  }
0xf: {  	[smem:$0x3FAD] =	sst s7  }
0x10: {  	[smem:$0x3FAE] =	sst s8  }
0x11: {  	[smem:$0x3FAF] =	sst s9;
	s0 =	simm.s32 @!p0 $0x0  }
0x12: {  	s1 =	sld [smem:$0x3F95];
	s0 =	simm.s32 @p0 $0x1  }
0x13: {  	[smem:$0x3FB0] =	sst s0;
	s0 =	simm.s32 @!p1 $0x0  }
0x14: {  	s2 =	sld [smem:$0x3F94];
	s0 =	simm.s32 @p1 $0x1  }
0x15: {  	[smem:$0x3FB1] =	sst s0;
	s0 =	simm.s32 @!p2 $0x0  }
0x16: {  	s3 =	sld [smem:$0x3FDB];
	s0 =	simm.s32 @p2 $0x1  }
0x17: {  	s4 =	simm.s32 $0x1BF5;
	[smem:$0x3FB3] =	sst s0  }
0x18: {  	s0 =	sld [smem:$0x3F96];
	_ =	swait.ge [sflag:s4], $0x0  }
0x19: {  	s7 =	sld [smem:$0x3F97]  }
0x1a: {  	s8 =	sadd.s32 $0xFFFFE003, lr  }
0x1b: {  	s9 =	sadd.s32 $0xFFFFFEF7, lr;
	s5 =	simm.s32 $0xFFFFFFFF;
	p2 =	slt.u32 s8, $0xFFFFF086  }
0x1c: {  	p1 =	slt.u32 s9, $0xF7A;
	s5 =	simm.s32 @!p2 $0x0  }
0x1d: {  	s5 =	simm.s32 @p1 $0x1;
	p0 =	seq.s32 s7, s2  }
0x1e: {  	s7 =	smul.u32 @!p0 $0xF7A, s2;
	p2 =	seq.s32 @!p0 s5, $0x0  }
0x1f: {  	s9 =	smul.u32 $0xF7A, s1;
	s8 =	simm.s32 @!p0 $0x1BF5;
	p2 =	por !p2, p0  }
0x20: {  	[sflag:s8] =	ssyncset.s32 @!p0 $0xFFFFF086;
	s6 =	sadd.s32 @!p0 s3, s7;
	s7 =	simm.s32 @!p0 $0x108  }
0x21: {  	s3 =	sadd.s32 s3, s9;
	s6 =	sadd.s32 @!p0 $0x88, s6;
	s7 =	simm.s32 @p2 $0x1082  }
0x22: {  	[simem:s7], [sflag:s8] =	dma.local @!p0 [hbm:s6], $0xF7A  }
0x23: {  	s9 =	sor.u32 $0xD0000000, s2;
	s6 =	simm.s32 $0x108;
	_ =	swait.ge @!p0 [sflag:s8], $0x0  }
0x24: {  	s3 =	sadd.s32 $0x88, s3;
	s6 =	simm.s32 @!p1 $0x1082;
	[sflag:s4] =	ssyncset.s32 $0xFFFFF086  }
0x25: {  	[simem:s6], [sflag:s4] =	dma.local [hbm:s3], $0xF7A  }
0x26: {  	[smem:$0x3F97] =	sst s1;
	(tag) =	ssettag s2;
	_ =	strace s9  }
0x27: {  	s1 =	sld [smem:$0x3FA7]  }
0x28: {  	s2 =	sld [smem:$0x3FA8]  }
0x29: {  	s4 =	sld [smem:$0x3FAA]  }
0x2a: {  	p0 =	seq.s32 s5, $0x0;
	s5 =	sld [smem:$0x3FAB]  }
0x2b: {  	s6 =	sld [smem:$0x3FAC]  }
0x2c: {  	s7 =	sld [smem:$0x3FAD]  }
0x2d: {  	s3 =	simm.s32 $0x108;
	s8 =	sld [smem:$0x3FAE]  }
0x2e: {  	s3 =	simm.s32 @!p0 $0x1082;
	s9 =	sld [smem:$0x3FAF]  }
0x2f: {  	lr =	sadd.s32 s0, s3;
	s0 =	sld [smem:$0x3FA6]  }
0x30: {  	s3 =	sld [smem:$0x3FA9]  }
0x31: {  	[smem:$0x3FB2] =	sst s10  }
0x32: {  	s10 =	sld [smem:$0x3FB0];
	_ =	sdelay $0x3  }
0x33: {  	p0 =	seq.s32 s10, $0x1;
	s10 =	sld [smem:$0x3FB2];
	_ =	sdelay $0x3  }
0x34: {  	[smem:$0x3FB2] =	sst s10  }
0x35: {  	s10 =	sld [smem:$0x3FB1];
	_ =	sdelay $0x3  }
0x36: {  	p1 =	seq.s32 s10, $0x1;
	s10 =	sld [smem:$0x3FB2];
	_ =	sdelay $0x3  }
0x37: {  	[smem:$0x3FB2] =	sst s10  }
0x38: {  	s10 =	sld [smem:$0x3FB3]  }
0x39: {  	_ = 	snop;
	(pc) =	sbr.ind lr, $3  }
0x3a: {  	_ = 	snop  }
0x3b: {  	_ = 	snop  }
0x3c: {  	p2 =	seq.s32 s10, $0x1;
	s10 =	sld [smem:$0x3FB2]  }
0x3d: {  	_ =	shalt  }
0x3e: {  	_ =	shalt  }
0x3f: {  	_ =	shalt  }
0x40: {  	_ =	shalt  }
0x41: {  	_ =	shalt  }
0x42: {  	_ =	shalt  }
0x43: {  	_ =	shalt  }
0x44: {  	_ =	shalt  }
0x45: {  	_ =	shalt  }
0x46: {  	_ =	shalt  }
0x47: {  	_ =	shalt  }
0x48: {  	_ =	shalt  }
0x49: {  	_ =	shalt  }
0x4a: {  	_ =	shalt  }
0x4b: {  	_ =	shalt  }
0x4c: {  	_ =	shalt  }
0x4d: {  	_ =	shalt  }
0x4e: {  	_ =	shalt  }
0x4f: {  	_ =	shalt  }
0x50: {  	_ =	shalt  }
0x51: {  	_ =	shalt  }
0x52: {  	_ =	shalt  }
0x53: {  	_ =	shalt  }
0x54: {  	_ =	shalt  }
0x55: {  	_ =	shalt  }
0x56: {  	_ =	shalt  }
0x57: {  	_ =	shalt  }
0x58: {  	_ =	shalt  }
0x59: {  	_ =	shalt  }
0x5a: {  	_ =	shalt  }
0x5b: {  	_ =	shalt  }
0x5c: {  	_ =	shalt  }
0x5d: {  	_ =	shalt  }
0x5e: {  	_ =	shalt  }
0x5f: {  	_ =	shalt  }
0x60: {  	_ =	shalt  }
0x61: {  	_ =	shalt  }
0x62: {  	_ =	shalt  }
0x63: {  	_ =	shalt  }
0x64: {  	_ =	shalt  }
0x65: {  	_ =	shalt  }
0x66: {  	_ =	shalt  }
0x67: {  	_ =	shalt  }
0x68: {  	_ =	shalt  }
0x69: {  	_ =	shalt  }
0x6a: {  	_ =	shalt  }
0x6b: {  	_ =	shalt  }
0x6c: {  	_ =	shalt  }
0x6d: {  	_ =	shalt  }
0x6e: {  	_ =	shalt  }
0x6f: {  	_ =	shalt  }
0x70: {  	_ =	shalt  }
0x71: {  	_ =	shalt  }
0x72: {  	_ =	shalt  }
0x73: {  	_ =	shalt  }
0x74: {  	_ =	shalt  }
0x75: {  	_ =	shalt  }
0x76: {  	_ =	shalt  }
0x77: {  	_ =	shalt  }
0x78: {  	_ =	shalt  }
0x79: {  	_ =	shalt  }
0x7a: {  	_ =	shalt  }
0x7b: {  	_ =	shalt  }
0x7c: {  	_ =	shalt  }
0x7d: {  	_ =	shalt  }
0x7e: {  	_ =	shalt  }
0x7f: {  	_ =	shalt  }
0x80: {  	_ =	shalt  }
0x81: {  	_ =	shalt  }
0x82: {  	_ =	shalt  }
0x83: {  	_ =	shalt  }
0x84: {  	_ =	shalt  }
0x85: {  	_ =	shalt  }
0x86: {  	_ =	shalt  }
0x87: {  	_ =	shalt  }
.Lfunc_end0:
.L_simem_size_0:
called_computation.2_lowered:
.L_overlay_start_0:
0x88: {  	s2 =	sld [smem:$0x3FD9]  }
0x89: {  	s3 =	sld [smem:$0x3FFE];
	_ =	sdelay $0x1  }
0x8a: {  	s1 =	srdreg.scid  }
0x8b: {  	s0 =	sand.u32 $0x1, s1  }
0x8c: {  	s17 =	sshll.u32 s0, $0xA;
	s2 =	sadd.s32 s3, s2  }
0x8d: {  	s2 =	sadd.s32 s2, s17  }
0x8e: {  	[smem:$0x3FBE] =	sst s2  }
0x8f: {  	_ = 	snop  }
0x90: {  	s2 =	sld [smem:$0x3FD0];
	(tm) =	ssettm $0x1  }
0x91: {  	s18 =	sld [smem:$0x3FFB];
	_ =	sdelay $0x3  }
0x92: {  	_ =	strace s18  }
0x93: {  	s3 =	sld [smem:$0x3FFC];
	_ =	sdelay $0x3  }
0x94: {  	_ =	strace s3  }
0x95: {  	s3 =	sld [smem:$0x3FFD];
	_ =	sdelay $0x3  }
0x96: {  	_ =	strace s3  }
0x97: {  	_ =	strace $0x8FFFFFFF  }
0x98: {  	s19 =	sld [smem:$0x3FDB];
	_ =	sdelay $0x1  }
0x99: {  	s4 =	simm.s32 $_scs_section_size  }
0x9a: {  	s5 =	simm.s32 $_size__tile_overlayer_lowered;
	s6 =	simm.s32 $_tile_overlayer_lowered  }
0x9b: {  	s22 =	simm.s32 $0x1BFF;
	s21 =	sshll.u32 s6, $0x1;
	s3 =	sadd.s32 s4, s19  }
0x9c: {  	s7 =	simm.s32 $0x0;
	s20 =	sshll.u32 s5, $0x1;
	s5 =	sadd.s32 s21, s3  }
0x9d: {  	[timem:s7], [sflag:s22] =	dma.local [hbm:s5], s20  }
0x9e: {  	_ =	swait.ge [sflag:s22], s20  }
0x9f: {  	s4 =	ssub.s32 $0x0, s20;
	[sflag:s22] =	ssyncset.done $0x0  }
0xa0: {  	[sflag:s22] =	ssyncadd.s32 s4;
	_ =	sdelay $0x1  }
0xa1: {  	s23 =	simm.s32 $0x1B8B  }
0xa2: {  	_ =	swait.ge [sflag:s23], $0x1  }
0xa3: {  	[sflag:s23] =	ssyncset.done $0x0  }
0xa4: {  	s25 =	simm.s32 $0x1B8E;
	s24 =	sld [smem:$0x3FFE];
	[sflag:s23] =	ssyncadd.s32 $0xFFFFFFFF  }
0xa5: {  	s26 =	simm.s32 $execute0_lowered;
	[smem:$0x3FD2] =	sst s25  }
0xa6: {  	s5 =	sshll.u32 s26, $0x1;
	_ =	strace $0x8000004C;
	[dreg:$0x1] =	wrdreg $0xFFFFFFFF  }
0xa7: {  	s28 =	simm.s32 $_size_execute0_lowered;
	s3 =	sadd.s32 s3, s5;
	[dreg:$0x0] =	wrdreg $0x0  }
0xa8: {  	s5 =	sshll.u32 s28, $0x1;
	[dreg:$0x2] =	wrdreg s3  }
0xa9: {  	[dreg:$0x3] =	wrdreg s5  }
0xaa: {  	[dreg:$0x4] =	wrdreg $0xC0  }
0xab: {  	_ =	task [dreg:s7], $0x5FFFF  }
0xac: {  	[dreg:$0x1] =	wrdreg $0xFFFFFFFF  }
0xad: {  	[dreg:$0x0] =	wrdreg $0x60  }
0xae: {  	[dreg:$0x2] =	wrdreg s24  }
0xaf: {  	[dreg:$0x3] =	wrdreg s2  }
0xb0: {  	[dreg:$0x4] =	wrdreg $0xFD200  }
0xb1: {  	[dreg:$0x5] =	wrdreg $0x9  }
0xb2: {  	_ =	task.clear_ibuf [dreg:s7], $0x6FFFF;
	_ =	strace $0x9000004C  }
0xb3: {  	s29 =	simm.s32 $0x9;
	_ =	strace $0x8000004E  }
0xb4: {  	_ =	swait.ge [sflag:s29], $0x1  }
0xb5: {  	[sflag:s29] =	ssyncadd.s32 $0xFFFFFFFF  }
0xb6: {  	_ =	strace $0x9000004E  }
0xb7: {  	_ =	sfence  }
0xb8: {  	s30 =	sld [smem:$0x0];
	_ =	sdelay $0x2  }
0xb9: {  	s31 =	sshll.u32 s1, $0xD;
	s1 =	sshrl.u32 s1, $0x2  }
0xba: {  	s3 =	sand.u32 $0x4000, s31;
	s1 =	sadd.s32 s1, s30  }
0xbb: {  	s0 =	sor.u32 s3, s0;
	s1 =	sshll.u32 s1, $0x11  }
0xbc: {  	s0 =	sor.u32 s1, s0  }
0xbd: {  	s0 =	sadd.s32 $0x8F2B, s0  }
0xbe: {  	[sflag:s0] =	ssyncadd.remote.s32 $0x1  }
0xbf: {  	_ =	sfence.sel $0xFFFF  }
0xc0: {  	[dreg:$0x0] =	wrdreg $0xFFFFFFFF;
	(pc) =	sbr.abs _section_cstart, $3  }
0xc1: {  	[dreg:$0x1] =	wrdreg $0xFFFFFFFF  }
0xc2: {  	_ =	task.clear_ibuf [dreg:s7], $0x2FFFF;
	_ =	strace $0x9FFFFFFF  }
0xc3: {  	(tm) =	ssettm $0x7FFFFFFF  }
tec
execute0_lowered:
.L_overlay_start_1:
0x0: {  	(tag) =	ssettag $0x1  }
0x1: {  	s0 =	rddreg [dreg:$0x0]  }
0x2: {  	s1 =	srdreg.scid;
	s10 =	rddreg [dreg:$0x1]  }
0x3: {  	s2 =	rddreg [dreg:$0x2];
	s12 =	stileid.u32;
	s3 =	simm.s32 $0x0  }
0x4: {  	s14 =	simm.s32 $0x50;
	s15 =	simm.s32 $0x4E20;
	s16 =	simm.s32 $0x5820  }
0x5: {  	s18 =	simm.s32 $0x6220;
	s20 =	simm.s32 $0x6C20;
	s22 =	simm.s32 $0x7620  }
0x6: {  	s28 =	simm.s32 $0x5;
	s29 =	simm.s32 $0x4C90;
	s30 =	simm.s32 $0x4CE0  }
0x7: {  	s31 =	simm.s32 $0x4D30;
	s13 =	simm.s32 $0x0;
	s7 =	smul.u32 $0x7D00, s12  }
0x8: {  	s1 =	sand.u32 $0x1, s1;
	[smem:$0x7FF] =	sst s3;
	s24 =	smul.u32 $0x1F400, s12  }
0x9: {  	p0 =	sgt.u32 s12, $0x9;
	s4 =	sshll.u32 s1, $0x4;
	_ =	strace $0x8000004D  }
0xa: {  	s23 =	ssub.s32 $0x2, s1;
	s1 =	smul.u32 $0x4E200, s1;
	s4 =	sor.u32 s12, s4  }
0xb: {  	s6 =	sshrl.u32 s7, $0x3;
	s9 =	sshrl.u32 s23, $0x1;
	s26 =	sshrl.u32 s24, $0x2  }
0xc: {  	s12 =	simm.s32 $0x6;
	s24 =	simm.s32 $0x2;
	s5 =	smul.u32 $0x4E2, s4  }
0xd: {  	s4 =	sadd.s32 $0x15A00, s0;
	s11 =	ssub.s32 s23, s9;
	s25 =	sadd.s32 s7, s1  }
0xe: {  	s9 =	sadd.s32 s26, s2;
	s23 =	simm.s32 $0x1;
	s26 =	simm.s32 $0x4  }
0xf: {  	s1 =	simm.s32 $0x4DD0;
	s8 =	sadd.s32 s5, s0;
	s0 =	sadd.s32 s6, s0  }
0x10: {  	s11 =	smax.u32 s11, $0x1;
	s6 =	sadd.s32 s7, s2;
	s5 =	sadd.s32 $0x1F800, s0  }
0x11: {  	s7 =	sadd.s32 $0x1E00, s8;
	s0 =	sshrl.u32 s25, $0x3;
	s8 =	sadd.s32 $0xBC00, s8  }
0x12: {  	s25 =	simm.s32 $0x3;
	s10 =	sadd.s32 s10, s0;
	s0 =	simm.s32 $0x4D80  }
.LBB2_1:
0x13: {  	s17 =	simm.s32 @!p0 $0x0;
	s19 =	simm.s32 @!p0 $0x8020  }
0x14: {  	[tilespmem:s19], [sflag:$0x6] =	stream.linear.gather @!p0 [hbm4b:s5+s17], $0x7D00, $0x38;
	[tilespmem:$0x14B40] =	vst v63  }
0x15: {  	s17 =	simm.s32 @!p0 $0x6  }
0x16: {  	_ =	swait.ge @!p0 [sflag:s17], $0x7D00  }
0x17: {  	[sflag:s17] =	ssyncset.done @!p0 $0x0  }
0x18: {  	[sflag:s17] =	ssyncadd.s32 @!p0 $0xFFFF8300  }
0x19: {  	[spmem:s6] =	stream.linear.scatter @!p0 [tilespmem:s19], [sflag:$0x6], $0x7D00, $0x38;
	[tilespmem:$0x14B40] =	vst v63  }
0x1a: {  	_ =	swait.ge @!p0 [sflag:s17], $0x7D00  }
0x1b: {  	[sflag:s17] =	ssyncset.done @!p0 $0x0  }
0x1c: {  	[sflag:s17] =	ssyncadd.s32 @!p0 $0xFFFF8300  }
0x1d: {  	[tilespmem:s3], [sflag:$0x6] =	stream.linear.gather [hbm4b:s7+s3], $0x2710, $0x38;
	[tilespmem:$0x14B40] =	vst v63  }
0x1e: {  	_ =	swait.ge [sflag:s12], $0x2710  }
0x1f: {  	[sflag:s12] =	ssyncset.done $0x0  }
0x20: {  	s21 =	simm.s32 $0x2710;
	[sflag:s12] =	ssyncadd.s32 $0xFFFFD8F0  }
0x21: {  	[tilespmem:s21], [sflag:$0x6] =	stream.linear.gather [hbm4b:s8+s3], $0x2710, $0x38;
	[tilespmem:$0x14B40] =	vst v63  }
0x22: {  	_ =	swait.ge [sflag:s12], $0x2710  }
0x23: {  	[sflag:s12] =	ssyncset.done $0x0  }
0x24: {  	[sflag:s12] =	ssyncadd.s32 $0xFFFFD8F0  }
0x25: {  	[bflag:$0x0] =	sbarrier.arrive $0xFFFF  }
0x26: {  	[tilespmem:s15], [sflag:$0x1] =	stream.indirect.gather [hbm4b:s4+s14], $0x20, s3, s14, $0xb8;
	[tilespmem:$0x14B40] =	vst v63  }
0x27: {  	_ = 	snop  }
0x28: {  	[tilespmem:s16], [sflag:$0x2] =	stream.indirect.gather [hbm4b:s4+s14], $0x20, s14, s14, $0xb8;
	[tilespmem:$0x14B40] =	vst v63  }
0x29: {  	s19 =	simm.s32 $0xA0  }
0x2a: {  	[tilespmem:s18], [sflag:$0x3] =	stream.indirect.gather [hbm4b:s4+s14], $0x20, s19, s14, $0xb8;
	[tilespmem:$0x14B40] =	vst v63  }
0x2b: {  	s21 =	simm.s32 $0xF0  }
0x2c: {  	[tilespmem:s20], [sflag:$0x4] =	stream.indirect.gather [hbm4b:s4+s14], $0x20, s21, s14, $0xb8;
	[tilespmem:$0x14B40] =	vst v63  }
0x2d: {  	s19 =	simm.s32 $0x140  }
0x2e: {  	[tilespmem:s22], [sflag:$0x5] =	stream.indirect.gather [hbm4b:s4+s14], $0x20, s19, s14, $0xb8;
	[tilespmem:$0x14B40] =	vst v63  }
0x2f: {  	_ =	swait.ge [sflag:s23], $0xA00  }
0x30: {  	[sflag:s23] =	ssyncset.done $0x0  }
0x31: {  	s21 =	simm.s32 $0x2710;
	[sflag:s23] =	ssyncadd.s32 $0xFFFFF600  }
0x32: {  	[spmem:s2] =	stream.indirect.scatter.add.f32 [tilespmem:s15], [sflag:$0x6], $0x20, s21, s14, $0xb8;
	[tilespmem:$0x14B40] =	vst v63  }
0x33: {  	_ =	swait.ge [sflag:s12], $0xA00  }
0x34: {  	[sflag:s12] =	ssyncset.done $0x0  }
0x35: {  	s19 =	simm.s32 $0x190;
	[sflag:s12] =	ssyncadd.s32 $0xFFFFF600  }
0x36: {  	[tilespmem:s15], [sflag:$0x1] =	stream.indirect.gather [hbm4b:s4+s14], $0x20, s19, s14, $0xb8;
	[tilespmem:$0x14B40] =	vst v63  }
0x37: {  	_ =	swait.ge [sflag:s24], $0xA00  }
0x38: {  	[sflag:s24] =	ssyncset.done $0x0  }
0x39: {  	s21 =	simm.s32 $0x2760;
	[sflag:s24] =	ssyncadd.s32 $0xFFFFF600  }
0x3a: {  	[spmem:s2] =	stream.indirect.scatter.add.f32 [tilespmem:s16], [sflag:$0x6], $0x20, s21, s14, $0xb8;
	[tilespmem:$0x14B40] =	vst v63  }
0x3b: {  	_ =	swait.ge [sflag:s12], $0xA00  }
0x3c: {  	[sflag:s12] =	ssyncset.done $0x0  }
0x3d: {  	s19 =	simm.s32 $0x1E0;
	[sflag:s12] =	ssyncadd.s32 $0xFFFFF600  }
0x3e: {  	[tilespmem:s16], [sflag:$0x2] =	stream.indirect.gather [hbm4b:s4+s14], $0x20, s19, s14, $0xb8;
	[tilespmem:$0x14B40] =	vst v63  }
0x3f: {  	_ =	swait.ge [sflag:s25], $0xA00  }
0x40: {  	[sflag:s25] =	ssyncset.done $0x0  }
0x41: {  	s21 =	simm.s32 $0x27B0;
	[sflag:s25] =	ssyncadd.s32 $0xFFFFF600  }
0x42: {  	[spmem:s2] =	stream.indirect.scatter.add.f32 [tilespmem:s18], [sflag:$0x6], $0x20, s21, s14, $0xb8;
	[tilespmem:$0x14B40] =	vst v63  }
0x43: {  	_ =	swait.ge [sflag:s12], $0xA00  }
0x44: {  	[sflag:s12] =	ssyncset.done $0x0  }
0x45: {  	s19 =	simm.s32 $0x230;
	[sflag:s12] =	ssyncadd.s32 $0xFFFFF600  }
0x46: {  	[tilespmem:s18], [sflag:$0x3] =	stream.indirect.gather [hbm4b:s4+s14], $0x20, s19, s14, $0xb8;
	[tilespmem:$0x14B40] =	vst v63  }
0x47: {  	_ =	swait.ge [sflag:s26], $0xA00  }
0x48: {  	[sflag:s26] =	ssyncset.done $0x0  }
0x49: {  	s21 =	simm.s32 $0x2800;
	[sflag:s26] =	ssyncadd.s32 $0xFFFFF600  }
0x4a: {  	[spmem:s2] =	stream.indirect.scatter.add.f32 [tilespmem:s20], [sflag:$0x6], $0x20, s21, s14, $0xb8;
	[tilespmem:$0x14B40] =	vst v63  }
0x4b: {  	_ =	swait.ge [sflag:s12], $0xA00  }
0x4c: {  	[sflag:s12] =	ssyncset.done $0x0  }
0x4d: {  	s19 =	simm.s32 $0x280;
	[sflag:s12] =	ssyncadd.s32 $0xFFFFF600  }
0x4e: {  	[tilespmem:s20], [sflag:$0x4] =	stream.indirect.gather [hbm4b:s4+s14], $0x20, s19, s14, $0xb8;
	[tilespmem:$0x14B40] =	vst v63  }
0x4f: {  	_ =	swait.ge [sflag:s28], $0xA00  }
0x50: {  	[sflag:s28] =	ssyncset.done $0x0  }
0x51: {  	s21 =	simm.s32 $0x2850;
	[sflag:s28] =	ssyncadd.s32 $0xFFFFF600  }
0x52: {  	[spmem:s2] =	stream.indirect.scatter.add.f32 [tilespmem:s22], [sflag:$0x6], $0x20, s21, s14, $0xb8;
	[tilespmem:$0x14B40] =	vst v63  }
0x53: {  	_ =	swait.ge [sflag:s12], $0xA00  }
0x54: {  	[sflag:s12] =	ssyncset.done $0x0  }
0x55: {  	s17 =	simm.s32 $0x640;
	s19 =	simm.s32 $0x2D0;
	[sflag:s12] =	ssyncadd.s32 $0xFFFFF600  }
.LBB2_2:
0x56: {  	[tilespmem:s22], [sflag:$0x5] =	stream.indirect.gather [hbm4b:s4+s14], $0x20, s19, s14, $0xb8;
	[tilespmem:$0x14B40] =	vst v63  }
0x57: {  	s19 =	smov.u32 s17  }
0x58: {  	p1 =	sne.s32 s17, $0x8FC0;
	s17 =	sadd.s32 $0x640, s17;
	_ =	swait.ge [sflag:s23], $0xA00  }
0x59: {  	s19 =	sshra.s32 s19, $0x2;
	[sflag:s23] =	ssyncset.done $0x0  }
0x5a: {  	s21 =	sadd.s32 $0x2710, s19;
	[sflag:s23] =	ssyncadd.s32 $0xFFFFF600  }
0x5b: {  	[spmem:s2] =	stream.indirect.scatter.add.f32 [tilespmem:s15], [sflag:$0x6], $0x20, s21, s14, $0xb8;
	[tilespmem:$0x14B40] =	vst v63  }
0x5c: {  	_ =	swait.ge [sflag:s12], $0xA00  }
0x5d: {  	[sflag:s12] =	ssyncset.done $0x0  }
0x5e: {  	s21 =	sadd.s32 $0x190, s19;
	[sflag:s12] =	ssyncadd.s32 $0xFFFFF600  }
0x5f: {  	[tilespmem:s15], [sflag:$0x1] =	stream.indirect.gather [hbm4b:s4+s14], $0x20, s21, s14, $0xb8;
	[tilespmem:$0x14B40] =	vst v63  }
0x60: {  	_ =	swait.ge [sflag:s24], $0xA00  }
0x61: {  	[sflag:s24] =	ssyncset.done $0x0  }
0x62: {  	s21 =	sadd.s32 $0x2760, s19;
	[sflag:s24] =	ssyncadd.s32 $0xFFFFF600  }
0x63: {  	[spmem:s2] =	stream.indirect.scatter.add.f32 [tilespmem:s16], [sflag:$0x6], $0x20, s21, s14, $0xb8;
	[tilespmem:$0x14B40] =	vst v63  }
0x64: {  	_ =	swait.ge [sflag:s12], $0xA00  }
0x65: {  	[sflag:s12] =	ssyncset.done $0x0  }
0x66: {  	s21 =	sadd.s32 $0x1E0, s19;
	[sflag:s12] =	ssyncadd.s32 $0xFFFFF600  }
0x67: {  	[tilespmem:s16], [sflag:$0x2] =	stream.indirect.gather [hbm4b:s4+s14], $0x20, s21, s14, $0xb8;
	[tilespmem:$0x14B40] =	vst v63  }
0x68: {  	_ =	swait.ge [sflag:s25], $0xA00  }
0x69: {  	[sflag:s25] =	ssyncset.done $0x0  }
0x6a: {  	s21 =	sadd.s32 $0x27B0, s19;
	[sflag:s25] =	ssyncadd.s32 $0xFFFFF600  }
0x6b: {  	[spmem:s2] =	stream.indirect.scatter.add.f32 [tilespmem:s18], [sflag:$0x6], $0x20, s21, s14, $0xb8;
	[tilespmem:$0x14B40] =	vst v63  }
0x6c: {  	_ =	swait.ge [sflag:s12], $0xA00  }
0x6d: {  	[sflag:s12] =	ssyncset.done $0x0  }
0x6e: {  	s21 =	sadd.s32 $0x230, s19;
	[sflag:s12] =	ssyncadd.s32 $0xFFFFF600  }
0x6f: {  	[tilespmem:s18], [sflag:$0x3] =	stream.indirect.gather [hbm4b:s4+s14], $0x20, s21, s14, $0xb8;
	[tilespmem:$0x14B40] =	vst v63  }
0x70: {  	_ =	swait.ge [sflag:s26], $0xA00  }
0x71: {  	[sflag:s26] =	ssyncset.done $0x0  }
0x72: {  	s21 =	sadd.s32 $0x2800, s19;
	[sflag:s26] =	ssyncadd.s32 $0xFFFFF600  }
0x73: {  	[spmem:s2] =	stream.indirect.scatter.add.f32 [tilespmem:s20], [sflag:$0x6], $0x20, s21, s14, $0xb8;
	[tilespmem:$0x14B40] =	vst v63  }
0x74: {  	_ =	swait.ge [sflag:s12], $0xA00  }
0x75: {  	[sflag:s12] =	ssyncset.done $0x0  }
0x76: {  	s21 =	sadd.s32 $0x280, s19;
	[sflag:s12] =	ssyncadd.s32 $0xFFFFF600  }
0x77: {  	[tilespmem:s20], [sflag:$0x4] =	stream.indirect.gather [hbm4b:s4+s14], $0x20, s21, s14, $0xb8;
	[tilespmem:$0x14B40] =	vst v63  }
0x78: {  	_ =	swait.ge [sflag:s28], $0xA00  }
0x79: {  	[sflag:s28] =	ssyncset.done $0x0  }
.Ltmp0:
0x7a: {  	s21 =	sadd.s32 $0x2850, s19;
	[sflag:s28] =	ssyncadd.s32 $0xFFFFF600;
	(pc) =	sbr.rel @p1 .LBB2_2-.Ltmp0, $4  }
0x7b: {  	[spmem:s2] =	stream.indirect.scatter.add.f32 [tilespmem:s22], [sflag:$0x6], $0x20, s21, s14, $0xb8;
	[tilespmem:$0x14B40] =	vst v63  }
0x7c: {  	_ =	swait.ge [sflag:s12], $0xA00  }
0x7d: {  	[sflag:s12] =	ssyncset.done $0x0  }
0x7e: {  	s19 =	sadd.s32 $0x2D0, s19;
	[sflag:s12] =	ssyncadd.s32 $0xFFFFF600  }
0x7f: {  	[tilespmem:s22], [sflag:$0x5] =	stream.indirect.gather [hbm4b:s4+s14], $0x20, s19, s14, $0xb8;
	[tilespmem:$0x14B40] =	vst v63  }
0x80: {  	_ =	swait.ge [sflag:s23], $0xA00  }
0x81: {  	[sflag:s23] =	ssyncset.done $0x0  }
0x82: {  	[sflag:s23] =	ssyncadd.s32 $0xFFFFF600  }
0x83: {  	[spmem:s2] =	stream.indirect.scatter.add.f32 [tilespmem:s15], [sflag:$0x6], $0x20, s29, s14, $0xb8;
	[tilespmem:$0x14B40] =	vst v63  }
0x84: {  	_ =	swait.ge [sflag:s12], $0xA00  }
0x85: {  	[sflag:s12] =	ssyncset.done $0x0  }
0x86: {  	[sflag:s12] =	ssyncadd.s32 $0xFFFFF600  }
0x87: {  	_ =	swait.ge [sflag:s24], $0xA00  }
0x88: {  	[sflag:s24] =	ssyncset.done $0x0  }
0x89: {  	[sflag:s24] =	ssyncadd.s32 $0xFFFFF600  }
0x8a: {  	[spmem:s2] =	stream.indirect.scatter.add.f32 [tilespmem:s16], [sflag:$0x6], $0x20, s30, s14, $0xb8;
	[tilespmem:$0x14B40] =	vst v63  }
0x8b: {  	_ =	swait.ge [sflag:s12], $0xA00  }
0x8c: {  	[sflag:s12] =	ssyncset.done $0x0  }
0x8d: {  	[sflag:s12] =	ssyncadd.s32 $0xFFFFF600  }
0x8e: {  	_ =	swait.ge [sflag:s25], $0xA00  }
0x8f: {  	[sflag:s25] =	ssyncset.done $0x0  }
0x90: {  	[sflag:s25] =	ssyncadd.s32 $0xFFFFF600  }
0x91: {  	[spmem:s2] =	stream.indirect.scatter.add.f32 [tilespmem:s18], [sflag:$0x6], $0x20, s31, s14, $0xb8;
	[tilespmem:$0x14B40] =	vst v63  }
0x92: {  	_ =	swait.ge [sflag:s12], $0xA00  }
0x93: {  	[sflag:s12] =	ssyncset.done $0x0  }
0x94: {  	[sflag:s12] =	ssyncadd.s32 $0xFFFFF600  }
0x95: {  	_ =	swait.ge [sflag:s26], $0xA00  }
0x96: {  	[sflag:s26] =	ssyncset.done $0x0  }
0x97: {  	[sflag:s26] =	ssyncadd.s32 $0xFFFFF600  }
0x98: {  	[spmem:s2] =	stream.indirect.scatter.add.f32 [tilespmem:s20], [sflag:$0x6], $0x20, s0, s14, $0xb8;
	[tilespmem:$0x14B40] =	vst v63  }
0x99: {  	_ =	swait.ge [sflag:s12], $0xA00  }
0x9a: {  	[sflag:s12] =	ssyncset.done $0x0  }
0x9b: {  	[sflag:s12] =	ssyncadd.s32 $0xFFFFF600  }
0x9c: {  	_ =	swait.ge [sflag:s28], $0xA00  }
0x9d: {  	[sflag:s28] =	ssyncset.done $0x0  }
0x9e: {  	[sflag:s28] =	ssyncadd.s32 $0xFFFFF600  }
0x9f: {  	[spmem:s2] =	stream.indirect.scatter.add.f32 [tilespmem:s22], [sflag:$0x6], $0x20, s1, s14, $0xb8;
	[tilespmem:$0x14B40] =	vst v63  }
0xa0: {  	_ =	swait.ge [sflag:s12], $0xA00  }
0xa1: {  	[sflag:s12] =	ssyncset.done $0x0  }
0xa2: {  	[sflag:s12] =	ssyncadd.s32 $0xFFFFF600  }
0xa3: {  	s17 =	simm.s32 @!p0 $0x8020;
	s19 =	simm.s32 @!p0 $0x6;
	[bflag:$0x0] =	sbarrier.arrive $0xFFFF  }
0xa4: {  	[tilespmem:s17], [sflag:$0x6] =	stream.linear.gather @!p0 [spmem:s9], $0x7D00, $0x38;
	[tilespmem:$0x14B40] =	vst v63  }
0xa5: {  	s13 =	sadd.s32 $0x1, s13;
	_ =	swait.ge @!p0 [sflag:s19], $0x7D00  }
0xa6: {  	p1 =	sne.s32 s13, s11;
	[sflag:s19] =	ssyncset.done @!p0 $0x0  }
.Ltmp1:
0xa7: {  	s21 =	simm.s32 @!p0 $0x0;
	[sflag:s19] =	ssyncadd.s32 @!p0 $0xFFFF8300;
	(pc) =	sbr.rel @p1 .LBB2_1-.Ltmp1, $4  }
0xa8: {  	[hbm4b:s10+s21] =	stream.linear.scatter @!p0 [tilespmem:s17], [sflag:$0x6], $0x7D00, $0x38;
	[tilespmem:$0x14B40] =	vst v63  }
0xa9: {  	_ =	swait.ge @!p0 [sflag:s19], $0x7D00  }
0xaa: {  	[sflag:s19] =	ssyncset.done @!p0 $0x0  }
0xab: {  	[sflag:s19] =	ssyncadd.s32 @!p0 $0xFFFF8300  }
0xac: {  	_ =	sfence.sel $0x180000  }
0xad: {  	[bflag:$0x0] =	sbarrier.arrive $0xFFFF  }
0xae: {  	_ =	strace $0x9000004D  }
0xaf: {  	s0 =	stileid.u32;
	[bflag:$0x2] =	sbarrier.arrive $0xFFFF  }
0xb0: {  	p0 =	sne.s32 s0, $0x0;
	s0 =	rddreg [dreg:$0x3]  }
0xb1: {  	s0 =	sadd.s32 @!p0 $0x100000, s0  }
0xb2: {  	[sflag:s0] =	ssyncadd.tile.s32 @!p0 $0x1;
	_ =	shalt  }
.Lfunc_end2:
_tile_overlayer_lowered:
.L_overlay_start_2:
0xb3: {  	(tag) =	ssettag $0x2  }
0xb4: {  	s0 =	rddreg [dreg:$0x0];
	s2 =	stileid.u32  }
0xb5: {  	s1 =	rddreg [dreg:$0x1];
	p0 =	sne.s32 s2, $0x0  }
0xb6: {  	s3 =	rddreg [dreg:$0x2];
	[bflag:$0x3] =	sbarrier.arrive $0xFFFF;
	s2 =	simm.s32 @!p0 $0x1C06  }
0xb7: {  	[timem:s3], [sflag:s2] =	dma.local @!p0 [hbm:s0], s1  }
0xb8: {  	s0 =	simm.s32 @!p0 $0x6  }
0xb9: {  	_ =	swait.ge @!p0 [sflag:s0], s1  }
0xba: {  	s1 =	ssub.s32 @!p0 $0x0, s1;
	[sflag:s0] =	ssyncset.done @!p0 $0x0  }
0xbb: {  	[sflag:s0] =	ssyncadd.s32 @!p0 s1  }
0xbc: {  	[bflag:$0x3] =	sbarrier.arrive $0xFFFF  }
0xbd: {  	_ =	shalt  }

// kernel: kernel.8.cloned.1.call-start
scs
__scs_entry_jumppad:
0x0: {  	(pc) =	sbr.rel $0x88, $3  }
0x1: {  	(tag) =	ssettag $0x0;
	lr =	simm.s32 $0x1  }
0x2: {  	[smem:$0x3F97] =	sst lr;
	_ =	strace $0xD0000000  }
0x3: {  	_ = 	snop  }
0x4: {  	_ = 	snop  }
0x5: {  	_ = 	snop  }
0x6: {  	_ = 	snop  }
0x7: {  	_ = 	snop  }
__scs_overlays_trampoline_lowered:
0x8: {  	[smem:$0x3FA6] =	sst s0  }
0x9: {  	[smem:$0x3FA7] =	sst s1  }
0xa: {  	[smem:$0x3FA8] =	sst s2  }
0xb: {  	[smem:$0x3FA9] =	sst s3  }
0xc: {  	[smem:$0x3FAA] =	sst s4  }
0xd: {  	[smem:$0x3FAB] =	sst s5  }
0xe: {  	[smem:$0x3FAC] =	sst s6  }
0xf: {  	[smem:$0x3FAD] =	sst s7  }
0x10: {  	[smem:$0x3FAE] =	sst s8  }
0x11: {  	[smem:$0x3FAF] =	sst s9;
	s0 =	simm.s32 @!p0 $0x0  }
0x12: {  	s1 =	sld [smem:$0x3F95];
	s0 =	simm.s32 @p0 $0x1  }
0x13: {  	[smem:$0x3FB0] =	sst s0;
	s0 =	simm.s32 @!p1 $0x0  }
0x14: {  	s2 =	sld [smem:$0x3F94];
	s0 =	simm.s32 @p1 $0x1  }
0x15: {  	[smem:$0x3FB1] =	sst s0;
	s0 =	simm.s32 @!p2 $0x0  }
0x16: {  	s3 =	sld [smem:$0x3FDB];
	s0 =	simm.s32 @p2 $0x1  }
0x17: {  	s4 =	simm.s32 $0x1BF5;
	[smem:$0x3FB3] =	sst s0  }
0x18: {  	s0 =	sld [smem:$0x3F96];
	_ =	swait.ge [sflag:s4], $0x0  }
0x19: {  	s7 =	sld [smem:$0x3F97]  }
0x1a: {  	s8 =	sadd.s32 $0xFFFFE003, lr  }
0x1b: {  	s9 =	sadd.s32 $0xFFFFFEF7, lr;
	s5 =	simm.s32 $0xFFFFFFFF;
	p2 =	slt.u32 s8, $0xFFFFF086  }
0x1c: {  	p1 =	slt.u32 s9, $0xF7A;
	s5 =	simm.s32 @!p2 $0x0  }
0x1d: {  	s5 =	simm.s32 @p1 $0x1;
	p0 =	seq.s32 s7, s2  }
0x1e: {  	s7 =	smul.u32 @!p0 $0xF7A, s2;
	p2 =	seq.s32 @!p0 s5, $0x0  }
0x1f: {  	s9 =	smul.u32 $0xF7A, s1;
	s8 =	simm.s32 @!p0 $0x1BF5;
	p2 =	por !p2, p0  }
0x20: {  	[sflag:s8] =	ssyncset.s32 @!p0 $0xFFFFF086;
	s6 =	sadd.s32 @!p0 s3, s7;
	s7 =	simm.s32 @!p0 $0x108  }
0x21: {  	s3 =	sadd.s32 s3, s9;
	s6 =	sadd.s32 @!p0 $0x88, s6;
	s7 =	simm.s32 @p2 $0x1082  }
0x22: {  	[simem:s7], [sflag:s8] =	dma.local @!p0 [hbm:s6], $0xF7A  }
0x23: {  	s9 =	sor.u32 $0xD0000000, s2;
	s6 =	simm.s32 $0x108;
	_ =	swait.ge @!p0 [sflag:s8], $0x0  }
0x24: {  	s3 =	sadd.s32 $0x88, s3;
	s6 =	simm.s32 @!p1 $0x1082;
	[sflag:s4] =	ssyncset.s32 $0xFFFFF086  }
0x25: {  	[simem:s6], [sflag:s4] =	dma.local [hbm:s3], $0xF7A  }
0x26: {  	[smem:$0x3F97] =	sst s1;
	(tag) =	ssettag s2;
	_ =	strace s9  }
0x27: {  	s1 =	sld [smem:$0x3FA7]  }
0x28: {  	s2 =	sld [smem:$0x3FA8]  }
0x29: {  	s4 =	sld [smem:$0x3FAA]  }
0x2a: {  	p0 =	seq.s32 s5, $0x0;
	s5 =	sld [smem:$0x3FAB]  }
0x2b: {  	s6 =	sld [smem:$0x3FAC]  }
0x2c: {  	s7 =	sld [smem:$0x3FAD]  }
0x2d: {  	s3 =	simm.s32 $0x108;
	s8 =	sld [smem:$0x3FAE]  }
0x2e: {  	s3 =	simm.s32 @!p0 $0x1082;
	s9 =	sld [smem:$0x3FAF]  }
0x2f: {  	lr =	sadd.s32 s0, s3;
	s0 =	sld [smem:$0x3FA6]  }
0x30: {  	s3 =	sld [smem:$0x3FA9]  }
0x31: {  	[smem:$0x3FB2] =	sst s10  }
0x32: {  	s10 =	sld [smem:$0x3FB0];
	_ =	sdelay $0x3  }
0x33: {  	p0 =	seq.s32 s10, $0x1;
	s10 =	sld [smem:$0x3FB2];
	_ =	sdelay $0x3  }
0x34: {  	[smem:$0x3FB2] =	sst s10  }
0x35: {  	s10 =	sld [smem:$0x3FB1];
	_ =	sdelay $0x3  }
0x36: {  	p1 =	seq.s32 s10, $0x1;
	s10 =	sld [smem:$0x3FB2];
	_ =	sdelay $0x3  }
0x37: {  	[smem:$0x3FB2] =	sst s10  }
0x38: {  	s10 =	sld [smem:$0x3FB3]  }
0x39: {  	_ = 	snop;
	(pc) =	sbr.ind lr, $3  }
0x3a: {  	_ = 	snop  }
0x3b: {  	_ = 	snop  }
0x3c: {  	p2 =	seq.s32 s10, $0x1;
	s10 =	sld [smem:$0x3FB2]  }
0x3d: {  	_ =	shalt  }
0x3e: {  	_ =	shalt  }
0x3f: {  	_ =	shalt  }
0x40: {  	_ =	shalt  }
0x41: {  	_ =	shalt  }
0x42: {  	_ =	shalt  }
0x43: {  	_ =	shalt  }
0x44: {  	_ =	shalt  }
0x45: {  	_ =	shalt  }
0x46: {  	_ =	shalt  }
0x47: {  	_ =	shalt  }
0x48: {  	_ =	shalt  }
0x49: {  	_ =	shalt  }
0x4a: {  	_ =	shalt  }
0x4b: {  	_ =	shalt  }
0x4c: {  	_ =	shalt  }
0x4d: {  	_ =	shalt  }
0x4e: {  	_ =	shalt  }
0x4f: {  	_ =	shalt  }
0x50: {  	_ =	shalt  }
0x51: {  	_ =	shalt  }
0x52: {  	_ =	shalt  }
0x53: {  	_ =	shalt  }
0x54: {  	_ =	shalt  }
0x55: {  	_ =	shalt  }
0x56: {  	_ =	shalt  }
0x57: {  	_ =	shalt  }
0x58: {  	_ =	shalt  }
0x59: {  	_ =	shalt  }
0x5a: {  	_ =	shalt  }
0x5b: {  	_ =	shalt  }
0x5c: {  	_ =	shalt  }
0x5d: {  	_ =	shalt  }
0x5e: {  	_ =	shalt  }
0x5f: {  	_ =	shalt  }
0x60: {  	_ =	shalt  }
0x61: {  	_ =	shalt  }
0x62: {  	_ =	shalt  }
0x63: {  	_ =	shalt  }
0x64: {  	_ =	shalt  }
0x65: {  	_ =	shalt  }
0x66: {  	_ =	shalt  }
0x67: {  	_ =	shalt  }
0x68: {  	_ =	shalt  }
0x69: {  	_ =	shalt  }
0x6a: {  	_ =	shalt  }
0x6b: {  	_ =	shalt  }
0x6c: {  	_ =	shalt  }
0x6d: {  	_ =	shalt  }
0x6e: {  	_ =	shalt  }
0x6f: {  	_ =	shalt  }
0x70: {  	_ =	shalt  }
0x71: {  	_ =	shalt  }
0x72: {  	_ =	shalt  }
0x73: {  	_ =	shalt  }
0x74: {  	_ =	shalt  }
0x75: {  	_ =	shalt  }
0x76: {  	_ =	shalt  }
0x77: {  	_ =	shalt  }
0x78: {  	_ =	shalt  }
0x79: {  	_ =	shalt  }
0x7a: {  	_ =	shalt  }
0x7b: {  	_ =	shalt  }
0x7c: {  	_ =	shalt  }
0x7d: {  	_ =	shalt  }
0x7e: {  	_ =	shalt  }
0x7f: {  	_ =	shalt  }
0x80: {  	_ =	shalt  }
0x81: {  	_ =	shalt  }
0x82: {  	_ =	shalt  }
0x83: {  	_ =	shalt  }
0x84: {  	_ =	shalt  }
0x85: {  	_ =	shalt  }
0x86: {  	_ =	shalt  }
0x87: {  	_ =	shalt  }
.Lfunc_end0:
.L_simem_size_0:
called_computation_lowered:
.L_overlay_start_0:
0x88: {  	s2 =	sld [smem:$0x3FD9]  }
0x89: {  	s3 =	sld [smem:$0x3FFE];
	_ =	sdelay $0x1  }
0x8a: {  	s1 =	srdreg.scid  }
0x8b: {  	s0 =	sand.u32 $0x1, s1  }
0x8c: {  	s17 =	sshll.u32 s0, $0xA;
	s2 =	sadd.s32 s3, s2  }
0x8d: {  	s2 =	sadd.s32 s2, s17  }
0x8e: {  	[smem:$0x3FBE] =	sst s2  }
0x8f: {  	_ = 	snop  }
0x90: {  	s2 =	sld [smem:$0x3FD0];
	(tm) =	ssettm $0x1  }
0x91: {  	s18 =	sld [smem:$0x3FFB];
	_ =	sdelay $0x3  }
0x92: {  	_ =	strace s18  }
0x93: {  	s3 =	sld [smem:$0x3FFC];
	_ =	sdelay $0x3  }
0x94: {  	_ =	strace s3  }
0x95: {  	s3 =	sld [smem:$0x3FFD];
	_ =	sdelay $0x3  }
0x96: {  	_ =	strace s3  }
0x97: {  	_ =	strace $0x8FFFFFFF  }
0x98: {  	s19 =	sld [smem:$0x3FDB];
	_ =	sdelay $0x1  }
0x99: {  	s4 =	simm.s32 $_scs_section_size  }
0x9a: {  	s5 =	simm.s32 $_size__tile_overlayer_lowered;
	s6 =	simm.s32 $_tile_overlayer_lowered  }
0x9b: {  	s22 =	simm.s32 $0x1BFF;
	s21 =	sshll.u32 s6, $0x1;
	s3 =	sadd.s32 s4, s19  }
0x9c: {  	s7 =	simm.s32 $0x0;
	s20 =	sshll.u32 s5, $0x1;
	s5 =	sadd.s32 s21, s3  }
0x9d: {  	[timem:s7], [sflag:s22] =	dma.local [hbm:s5], s20  }
0x9e: {  	_ =	swait.ge [sflag:s22], s20  }
0x9f: {  	s4 =	ssub.s32 $0x0, s20;
	[sflag:s22] =	ssyncset.done $0x0  }
0xa0: {  	[sflag:s22] =	ssyncadd.s32 s4;
	_ =	sdelay $0x1  }
0xa1: {  	s23 =	simm.s32 $0x1B8B  }
0xa2: {  	_ =	swait.ge [sflag:s23], $0x1  }
0xa3: {  	[sflag:s23] =	ssyncset.done $0x0  }
0xa4: {  	s25 =	simm.s32 $0x1B8E;
	s24 =	sld [smem:$0x3FFE];
	[sflag:s23] =	ssyncadd.s32 $0xFFFFFFFF  }
0xa5: {  	s26 =	simm.s32 $execute0_lowered;
	[smem:$0x3FD2] =	sst s25  }
0xa6: {  	s5 =	sshll.u32 s26, $0x1;
	_ =	strace $0x80000046;
	[dreg:$0x1] =	wrdreg $0xFFFFFFFF  }
0xa7: {  	s28 =	simm.s32 $_size_execute0_lowered;
	s3 =	sadd.s32 s3, s5;
	[dreg:$0x0] =	wrdreg $0x0  }
0xa8: {  	s5 =	sshll.u32 s28, $0x1;
	[dreg:$0x2] =	wrdreg s3  }
0xa9: {  	[dreg:$0x3] =	wrdreg s5  }
0xaa: {  	[dreg:$0x4] =	wrdreg $0xC0  }
0xab: {  	_ =	task [dreg:s7], $0x5FFFF  }
0xac: {  	[dreg:$0x1] =	wrdreg $0xFFFFFFFF  }
0xad: {  	[dreg:$0x0] =	wrdreg $0x60  }
0xae: {  	[dreg:$0x2] =	wrdreg s24  }
0xaf: {  	[dreg:$0x3] =	wrdreg s2  }
0xb0: {  	[dreg:$0x4] =	wrdreg $0x2B480  }
0xb1: {  	[dreg:$0x5] =	wrdreg $0x9  }
0xb2: {  	_ =	task.clear_ibuf [dreg:s7], $0x6FFFF;
	_ =	strace $0x90000046  }
0xb3: {  	s29 =	simm.s32 $0x9;
	_ =	strace $0x80000048  }
0xb4: {  	_ =	swait.ge [sflag:s29], $0x1  }
0xb5: {  	[sflag:s29] =	ssyncadd.s32 $0xFFFFFFFF  }
0xb6: {  	_ =	strace $0x90000048  }
0xb7: {  	_ =	sfence  }
0xb8: {  	s30 =	sld [smem:$0x0];
	_ =	sdelay $0x2  }
0xb9: {  	s31 =	sshll.u32 s1, $0xD;
	s1 =	sshrl.u32 s1, $0x2  }
0xba: {  	s3 =	sand.u32 $0x4000, s31;
	s1 =	sadd.s32 s1, s30  }
0xbb: {  	s0 =	sor.u32 s3, s0;
	s1 =	sshll.u32 s1, $0x11  }
0xbc: {  	s0 =	sor.u32 s1, s0  }
0xbd: {  	s0 =	sadd.s32 $0x8F2B, s0  }
0xbe: {  	[sflag:s0] =	ssyncadd.remote.s32 $0x1  }
0xbf: {  	_ =	sfence.sel $0xFFFF  }
0xc0: {  	[dreg:$0x0] =	wrdreg $0xFFFFFFFF;
	(pc) =	sbr.abs _section_cstart, $3  }
0xc1: {  	[dreg:$0x1] =	wrdreg $0xFFFFFFFF  }
0xc2: {  	_ =	task.clear_ibuf [dreg:s7], $0x2FFFF;
	_ =	strace $0x9FFFFFFF  }
0xc3: {  	(tm) =	ssettm $0x7FFFFFFF  }
tec
execute0_lowered:
.L_overlay_start_1:
0x0: {  	(tag) =	ssettag $0x1  }
0x1: {  	s4 =	rddreg [dreg:$0x0]  }
0x2: {  	s7 =	rddreg [dreg:$0x1]  }
0x3: {  	s0 =	srdreg.scid;
	s2 =	rddreg [dreg:$0x2]  }
0x4: {  	s3 =	simm.s32 $0x0;
	s12 =	simm.s32 $0x1;
	s13 =	simm.s32 $0x0  }
0x5: {  	s5 =	sand.u32 $0x1, s0;
	s0 =	stileid.u32;
	[smem:$0x7FF] =	sst s3  }
0x6: {  	s1 =	sshll.u32 s5, $0x4;
	s8 =	smul.u32 $0x3E8, s0;
	s9 =	ssub.s32 $0x2, s5  }
0x7: {  	s5 =	smul.u32 $0x2710, s5;
	p0 =	sgt.u32 s0, $0x9;
	s6 =	sor.u32 s0, s1  }
0x8: {  	s1 =	rddreg [dreg:$0x3];
	_ =	strace $0x80000047;
	s11 =	sshrl.u32 s9, $0x1  }
0x9: {  	s6 =	smul.u32 $0x4E2, s6;
	s10 =	sshrl.u32 s8, $0x3;
	s9 =	ssub.s32 s9, s11  }
0xa: {  	s30 =	sadd.s32 s8, s5;
	s5 =	sadd.s32 s8, s2;
	s11 =	simm.s32 $0x2710  }
0xb: {  	s31 =	sshrl.u32 s30, $0x3;
	s8 =	smax.u32 s9, $0x1;
	s9 =	simm.s32 $0x2  }
0xc: {  	s6 =	sadd.s32 s6, s4;
	s4 =	sadd.s32 s10, s4;
	s7 =	sadd.s32 s7, s31  }
0xd: {  	v0 =	vimm.f32 $1.000000000e+00;
	s10 =	simm.s32 $0x50;
	s4 =	sadd.s32 $0x15A00, s4;
	s6 =	sadd.s32 $0xBC00, s6  }
.LBB2_1:
0xe: {  	s14 =	simm.s32 @!p0 $0x0;
	s15 =	simm.s32 @!p0 $0x2760  }
0xf: {  	[tilespmem:s15], [sflag:$0x2] =	stream.linear.gather @!p0 [hbm4b:s4+s14], $0x3E8, $0x38;
	[tilespmem:$0x2DC0] =	vst v63  }
0x10: {  	s14 =	simm.s32 @!p0 $0x2  }
0x11: {  	_ =	swait.ge @!p0 [sflag:s14], $0x3E8  }
0x12: {  	[sflag:s14] =	ssyncset.done @!p0 $0x0  }
0x13: {  	[sflag:s14] =	ssyncadd.s32 @!p0 $0xFFFFFC18  }
0x14: {  	[spmem:s5] =	stream.linear.scatter @!p0 [tilespmem:s15], [sflag:$0x2], $0x3E8, $0x38;
	[tilespmem:$0x2DC0] =	vst v63  }
0x15: {  	_ =	swait.ge @!p0 [sflag:s14], $0x3E8  }
0x16: {  	[sflag:s14] =	ssyncset.done @!p0 $0x0  }
0x17: {  	[sflag:s14] =	ssyncadd.s32 @!p0 $0xFFFFFC18  }
0x18: {  	[tilespmem:$0x2710] =	vst v0  }
0x19: {  	[tilespmem:$0x2720] =	vst v0  }
0x1a: {  	[tilespmem:$0x2730] =	vst v0  }
0x1b: {  	[tilespmem:$0x2740] =	vst v0  }
0x1c: {  	[tilespmem:$0x2750] =	vst v0  }
0x1d: {  	[tilespmem:s3], [sflag:$0x2] =	stream.linear.gather [hbm4b:s6+s3], $0x2710, $0x38;
	[tilespmem:$0x2DC0] =	vst v63  }
0x1e: {  	_ =	swait.ge [sflag:s9], $0x2710  }
0x1f: {  	[sflag:s9] =	ssyncset.done $0x0  }
0x20: {  	[sflag:s9] =	ssyncadd.s32 $0xFFFFD8F0  }
0x21: {  	s14 =	simm.s32 $0x0;
	[bflag:$0x0] =	sbarrier.arrive $0xFFFF  }
.LBB2_2:
0x22: {  	p1 =	sne.s32 s14, $0x9B00  }
.Ltmp0:
0x23: {  	_ = 	snop;
	(pc) =	sbr.rel @p1 .LBB2_2-.Ltmp0, $3  }
0x24: {  	_ =	sdelay $0x1  }
0x25: {  	s15 =	sshra.s32 s14, $0x2;
	s14 =	sadd.s32 $0x140, s14  }
0x26: {  	[spmem:s2] =	stream.indirect.scatter.add.f32 [tilespmem:s11], [sflag:$0x1], $0x1, s15, s10, $0xb8;
	[tilespmem:$0x2DC0] =	vst v63  }
0x27: {  	_ =	swait.ge [sflag:s12], $0x50  }
0x28: {  	s14 =	simm.s32 $0x7C;
	[sflag:s12] =	ssyncset.done $0x0  }
.LBB2_4:
0x29: {  	p1 =	sne.s32 s14, $0x1;
	s14 =	sadd.s32 $0xFFFFFFFF, s14;
	[sflag:s12] =	ssyncadd.s32 $0xFFFFFFB0  }
.Ltmp1:
0x2a: {  	(pc) =	sbr.rel @p1 .LBB2_4-.Ltmp1, $3  }
0x2b: {  	_ =	sdelay $0x1  }
0x2c: {  	_ =	swait.ge [sflag:s12], $0x50  }
0x2d: {  	[sflag:s12] =	ssyncset.done $0x0  }
0x2e: {  	[sflag:s12] =	ssyncadd.s32 $0xFFFFFFB0  }
0x2f: {  	s14 =	simm.s32 @!p0 $0x2760;
	s15 =	simm.s32 @!p0 $0x2;
	[bflag:$0x0] =	sbarrier.arrive $0xFFFF  }
0x30: {  	[tilespmem:s14], [sflag:$0x2] =	stream.linear.gather @!p0 [spmem:s5], $0x3E8, $0x38;
	[tilespmem:$0x2DC0] =	vst v63  }
0x31: {  	s13 =	sadd.s32 $0x1, s13;
	_ =	swait.ge @!p0 [sflag:s15], $0x3E8  }
0x32: {  	p1 =	sne.s32 s13, s8;
	[sflag:s15] =	ssyncset.done @!p0 $0x0  }
.Ltmp2:
0x33: {  	s16 =	simm.s32 @!p0 $0x0;
	[sflag:s15] =	ssyncadd.s32 @!p0 $0xFFFFFC18;
	(pc) =	sbr.rel @p1 .LBB2_1-.Ltmp2, $4  }
0x34: {  	[hbm4b:s7+s16] =	stream.linear.scatter @!p0 [tilespmem:s14], [sflag:$0x2], $0x3E8, $0x38;
	[tilespmem:$0x2DC0] =	vst v63  }
0x35: {  	_ =	swait.ge @!p0 [sflag:s15], $0x3E8  }
0x36: {  	[sflag:s15] =	ssyncset.done @!p0 $0x0  }
0x37: {  	[sflag:s15] =	ssyncadd.s32 @!p0 $0xFFFFFC18  }
0x38: {  	_ =	sfence.sel $0x180000  }
0x39: {  	[bflag:$0x0] =	sbarrier.arrive $0xFFFF  }
0x3a: {  	p0 =	sne.s32 s0, $0x0;
	_ =	strace $0x90000047  }
0x3b: {  	s0 =	sadd.s32 @!p0 $0x100000, s1;
	[bflag:$0x2] =	sbarrier.arrive $0xFFFF  }
0x3c: {  	[sflag:s0] =	ssyncadd.tile.s32 @!p0 $0x1;
	_ =	shalt  }
.Lfunc_end2:
_tile_overlayer_lowered:
.L_overlay_start_2:
0x3d: {  	(tag) =	ssettag $0x2  }
0x3e: {  	s0 =	rddreg [dreg:$0x0];
	s2 =	stileid.u32  }
0x3f: {  	s1 =	rddreg [dreg:$0x1];
	p0 =	sne.s32 s2, $0x0  }
0x40: {  	s3 =	rddreg [dreg:$0x2];
	[bflag:$0x3] =	sbarrier.arrive $0xFFFF;
	s2 =	simm.s32 @!p0 $0x1C02  }
0x41: {  	[timem:s3], [sflag:s2] =	dma.local @!p0 [hbm:s0], s1  }
0x42: {  	s0 =	simm.s32 @!p0 $0x2  }
0x43: {  	_ =	swait.ge @!p0 [sflag:s0], s1  }
0x44: {  	s1 =	ssub.s32 @!p0 $0x0, s1;
	[sflag:s0] =	ssyncset.done @!p0 $0x0  }
0x45: {  	[sflag:s0] =	ssyncadd.s32 @!p0 s1  }
0x46: {  	[bflag:$0x3] =	sbarrier.arrive $0xFFFF  }
0x47: {  	_ =	shalt  }

</sc_bundles>
